<compile_context>
chip_gen: v7x
topology: tpu7x:2x2x1
jax: 0.10.2.dev20260603
libtpu: 0.0.44.dev20260713+nightly
codegen_flags: <defaults>
</compile_context>

<pallas_src>
import functools

import jax
import jax.numpy as jnp
from jax import lax
from jax.experimental import pallas as pl
from jax.experimental.pallas import tpu as pltpu
from jax.experimental.pallas import tpu_sc as plsc

N = 10000
NP = 10240
E = 320000
D = 128
NG = 512
NS = 64
NTILES = 32
NCH = 84
CH = 120
NBUF = 3
NGRP = 42
NRING = 3
NA = 10240
RB = 1024

_mesh = plsc.VectorSubcoreMesh(core_axis_name="c", subcore_axis_name="s")



@functools.partial(
    pl.kernel,
    out_type=jax.ShapeDtypeStruct((2, NP), jnp.float32),
    mesh=_mesh,
    scratch_types=[
        pltpu.VMEM((NCH, CH), jnp.int32),
        pltpu.VMEM((CH,), jnp.float32),
        pltpu.VMEM_SHARED((NP,), jnp.float32),
    ],
)
def _deg_kernel(colc_hbm, ones_hbm, z1_hbm, out_hbm, colidx_v, ones_v, acc_sh):
    c = lax.axis_index("c")
    s = lax.axis_index("s")
    wid = s * 2 + c
    sl = 640
    pltpu.sync_copy(ones_hbm, ones_v)
    pltpu.sync_copy(z1_hbm.at[pl.ds(s * sl, sl)], acc_sh.at[pl.ds(s * sl, sl)])
    pltpu.sync_copy(colc_hbm.at[wid], colidx_v)
    plsc.subcore_barrier()

    def body(j, carry):
        pltpu.sync_copy(ones_v, acc_sh.at[colidx_v.at[j]], add=True)
        return carry

    lax.fori_loop(0, NCH, body, 0)
    plsc.subcore_barrier()
    pltpu.sync_copy(acc_sh.at[pl.ds(s * sl, sl)], out_hbm.at[c, pl.ds(s * sl, sl)])


@functools.partial(
    pl.kernel,
    out_type=jax.ShapeDtypeStruct((2, NA, D), jnp.float32),
    mesh=_mesh,
    scratch_types=[
        pltpu.VMEM((NRING, 2, CH), jnp.int32),
        pltpu.VMEM((NRING, 2, CH), jnp.int32),
        pltpu.VMEM((NBUF, CH, D), jnp.float32),
        pltpu.SemaphoreType.DMA((NRING,)),
        pltpu.SemaphoreType.DMA((NBUF,)),
        pltpu.SemaphoreType.DMA((NBUF,)),
        pltpu.VMEM_SHARED((NA, D), jnp.float32),
    ],
)
def _edge_kernel(hhat_hbm, z2_hbm, rowc_hbm, colc_hbm, out_hbm,
                 ridx_v, cidx_v, rows_v, sem_i, sem_g, sem_s, acc_sh):
    c = lax.axis_index("c")
    s = lax.axis_index("s")
    wid = s * 2 + c
    sl = 640

    @pl.when(c == 0)
    def _():
        pltpu.sync_copy(hhat_hbm.at[pl.ds(s * sl, sl)],
                        acc_sh.at[pl.ds(s * sl, sl)])

    @pl.when(c == 1)
    def _():
        pltpu.sync_copy(z2_hbm.at[pl.ds(s * sl, sl)],
                        acc_sh.at[pl.ds(s * sl, sl)])

    plsc.subcore_barrier()

    def _pf_idx(g, g4):
        pltpu.async_copy(rowc_hbm.at[wid, g], ridx_v.at[g4], sem_i.at[g4])
        pltpu.async_copy(colc_hbm.at[wid, g], cidx_v.at[g4], sem_i.at[g4])

    def _pf_idx_wait(g, g4):
        pltpu.make_async_copy(rowc_hbm.at[wid, g], ridx_v.at[g4],
                              sem_i.at[g4]).wait()
        pltpu.make_async_copy(colc_hbm.at[wid, g], cidx_v.at[g4],
                              sem_i.at[g4]).wait()

    def _gather(g4, p, b):
        pltpu.async_copy(hhat_hbm.at[ridx_v.at[g4, p]], rows_v.at[b],
                         sem_g.at[b])

    def _gather_wait(g4, p, b):
        pltpu.make_async_copy(hhat_hbm.at[ridx_v.at[g4, p]], rows_v.at[b],
                              sem_g.at[b]).wait()

    def _scatter(g4, p, b):
        pltpu.async_copy(rows_v.at[b], acc_sh.at[cidx_v.at[g4, p]],
                         sem_s.at[b], add=True)

    def _scatter_wait(g4, p, b):
        pltpu.make_async_copy(rows_v.at[b], acc_sh.at[cidx_v.at[g4, p]],
                              sem_s.at[b]).wait()

    _pf_idx(0, 0)
    _pf_idx(1, 1)
    _pf_idx_wait(0, 0)
    _gather(0, 0, 0)

    def step(j, carry):
        b = lax.rem(j, NBUF)
        p = lax.rem(j, 2)
        g = j // 2
        g4 = lax.rem(g, NRING)

        @pl.when(j >= 2)
        def _():
            _scatter_wait(lax.rem((j - 2) // 2, NRING), p, lax.rem(j + 1, NBUF))

        @pl.when(p == 1)
        def _():
            gp = (j + 3) // 2

            @pl.when(gp < NGRP)
            def _():
                _pf_idx(gp, lax.rem(gp, NRING))

            @pl.when(g + 1 < NGRP)
            def _():
                _pf_idx_wait(g + 1, lax.rem(g + 1, NRING))

        @pl.when(j + 1 < NCH)
        def _():
            _gather(lax.rem((j + 1) // 2, NRING), lax.rem(j + 1, 2),
                    lax.rem(j + 1, NBUF))

        _gather_wait(g4, p, b)
        _scatter(g4, p, b)
        return carry

    lax.fori_loop(0, NCH, step, 0)
    _scatter_wait(lax.rem((NCH - 2) // 2, NRING), 0, (NCH - 2) % NBUF)
    _scatter_wait(lax.rem((NCH - 1) // 2, NRING), 1, (NCH - 1) % NBUF)
    plsc.subcore_barrier()
    pltpu.sync_copy(acc_sh.at[pl.ds(s * sl, sl)], out_hbm.at[c, pl.ds(s * sl, sl)])



def _colvec(d2):
    return d2[:, :, None]


def _rows3(a):
    return a.reshape(RB // 128, 128, D)


def _pre_body(x_ref, dg_ref, w_ref, hh_ref, dinv_ref):
    dinv2 = lax.rsqrt(dg_ref[0] + dg_ref[1] + 1.0)
    mm = jnp.dot(x_ref[...], w_ref[...], preferred_element_type=jnp.float32)
    hh_ref[...] = (_rows3(mm) * _colvec(dinv2)).reshape(RB, D)
    dinv_ref[...] = dinv2


_pre = pl.pallas_call(
    _pre_body,
    grid=(NP // RB,),
    in_specs=[
        pl.BlockSpec((RB, D), lambda i: (i, 0)),
        pl.BlockSpec((2, RB // 128, 128), lambda i: (0, i, 0)),
        pl.BlockSpec((D, D), lambda i: (0, 0)),
    ],
    out_specs=[
        pl.BlockSpec((RB, D), lambda i: (i, 0)),
        pl.BlockSpec((RB // 128, 128), lambda i: (i, 0)),
    ],
    out_shape=[
        jax.ShapeDtypeStruct((NP, D), jnp.float32),
        jax.ShapeDtypeStruct((NP // 128, 128), jnp.float32),
    ],
)


def _mid_body(a0_ref, a1_ref, dinv_ref, b_ref, w_ref, out_ref):
    dv = _colvec(dinv_ref[...])
    a = _rows3(a0_ref[0] + a1_ref[0]) * dv
    h = jnp.maximum(a.reshape(RB, D) + b_ref[...], 0.0)
    mm = jnp.dot(h, w_ref[...], preferred_element_type=jnp.float32)
    out_ref[...] = (_rows3(mm) * dv).reshape(RB, D)


_mid = pl.pallas_call(
    _mid_body,
    grid=(NP // RB,),
    in_specs=[
        pl.BlockSpec((1, RB, D), lambda i: (0, i, 0)),
        pl.BlockSpec((1, RB, D), lambda i: (1, i, 0)),
        pl.BlockSpec((RB // 128, 128), lambda i: (i, 0)),
        pl.BlockSpec((1, D), lambda i: (0, 0)),
        pl.BlockSpec((D, D), lambda i: (0, 0)),
    ],
    out_specs=pl.BlockSpec((RB, D), lambda i: (i, 0)),
    out_shape=jax.ShapeDtypeStruct((NP, D), jnp.float32),
)


def _fin_body(a0_ref, a1_ref, dinv_ref, b3_ref, batch_ref, sb_ref,
              psw1_ref, psb1_ref, psw2_ref, psb2_ref,
              phw1_ref, phb1_ref, phw2_ref, phb2_ref,
              y_ref, pooled, cnt):
    j = pl.program_id(0)

    @pl.when(j == 0)
    def _():
        pooled[...] = jnp.zeros_like(pooled)
        cnt[...] = jnp.zeros_like(cnt)

    a = _rows3(a0_ref[0] + a1_ref[0]) * _colvec(dinv_ref[...])
    h = jnp.maximum(a.reshape(RB, D) + b3_ref[...], 0.0)
    rr = lax.broadcasted_iota(jnp.int32, (RB, D), 0) + j * RB
    h = jnp.where(rr < N, h, 0.0)
    gids = lax.broadcasted_iota(jnp.int32, (NG, RB), 0)
    mf = (batch_ref[...] == gids).astype(jnp.float32)
    pooled[...] += jnp.dot(mf, h, preferred_element_type=jnp.float32)
    cnt[...] += jnp.sum(mf, axis=1, keepdims=True)

    @pl.when(j == NP // RB - 1)
    def _():
        emb = pooled[...] / jnp.maximum(cnt[...], 1.0)
        t = jnp.maximum(
            jnp.dot(emb, psw1_ref[...], preferred_element_type=jnp.float32)
            + psb1_ref[...], 0.0)
        p = jnp.tanh(
            jnp.dot(t, psw2_ref[...], preferred_element_type=jnp.float32)
            + psb2_ref[...])
        p0 = jnp.tanh(
            jnp.dot(jnp.maximum(psb1_ref[...], 0.0), psw2_ref[...],
                    preferred_element_type=jnp.float32) + psb2_ref[...])
        sids = lax.broadcasted_iota(jnp.int32, (NS, NG), 0)
        sm = (sb_ref[...] == sids).astype(jnp.float32)
        ssize = jnp.sum(sm, axis=1, keepdims=True)
        mx = jnp.max(ssize)
        agg = jnp.dot(sm, p, preferred_element_type=jnp.float32) \
            + (mx - ssize) * p0
        t2 = jnp.maximum(
            jnp.dot(agg, phw1_ref[...], preferred_element_type=jnp.float32)
            + phb1_ref[...], 0.0)
        y_ref[...] = jnp.dot(t2, phw2_ref[...],
                             preferred_element_type=jnp.float32) + phb2_ref[...]


_fin = pl.pallas_call(
    _fin_body,
    grid=(NP // RB,),
    in_specs=[
        pl.BlockSpec((1, RB, D), lambda i: (0, i, 0)),
        pl.BlockSpec((1, RB, D), lambda i: (1, i, 0)),
        pl.BlockSpec((RB // 128, 128), lambda i: (i, 0)),
        pl.BlockSpec((1, D), lambda i: (0, 0)),
        pl.BlockSpec((1, RB), lambda i: (0, i)),
        pl.BlockSpec((1, NG), lambda i: (0, 0)),
        pl.BlockSpec((D, D), lambda i: (0, 0)),
        pl.BlockSpec((1, D), lambda i: (0, 0)),
        pl.BlockSpec((D, D), lambda i: (0, 0)),
        pl.BlockSpec((1, D), lambda i: (0, 0)),
        pl.BlockSpec((D, D), lambda i: (0, 0)),
        pl.BlockSpec((1, D), lambda i: (0, 0)),
        pl.BlockSpec((D, 16), lambda i: (0, 0)),
        pl.BlockSpec((1, 16), lambda i: (0, 0)),
    ],
    out_specs=pl.BlockSpec((NS, 16), lambda i: (0, 0)),
    out_shape=jax.ShapeDtypeStruct((NS, 16), jnp.float32),
    scratch_shapes=[
        pltpu.VMEM((NG, D), jnp.float32),
        pltpu.VMEM((NG, 1), jnp.float32),
    ],
)


def kernel(x, edge_index, batch, set_batch, W1, b1, W2, b2, W3, b3,
           psi_W1, psi_b1, psi_W2, psi_b2, phi_W1, phi_b1, phi_W2, phi_b2):
    f32 = jnp.float32
    ep = NTILES * NCH * CH - E
    pad_row = (jnp.arange(ep, dtype=jnp.int32) % N)
    pad_col = N + (jnp.arange(ep, dtype=jnp.int32) % (NA - N))
    rowc = jnp.concatenate([edge_index[0], pad_row]).reshape(
        NTILES, NGRP, 2, CH)
    colc = jnp.concatenate([edge_index[1], pad_col]).reshape(
        NTILES, NGRP, 2, CH)
    colc3 = colc.reshape(NTILES, NCH, CH)
    ones = jnp.ones((CH,), f32)
    z1 = jnp.zeros((NP,), f32)
    z2 = jnp.zeros((NP, D), f32)
    xpad = jnp.concatenate([x, jnp.zeros((NP - N, D), f32)], axis=0)
    bpad = jnp.concatenate(
        [batch.astype(jnp.int32),
         jnp.full((NP - N,), NG, jnp.int32)]).reshape(1, NP)
    sb = set_batch.astype(jnp.int32).reshape(1, NG)

    degp = _deg_kernel(colc3, ones, z1).reshape(2, NP // 128, 128)
    hh, dinv = _pre(xpad, degp, W1)

    part = _edge_kernel(hh, z2, rowc, colc)
    hh = _mid(part, part, dinv, b1.reshape(1, D), W2)
    part = _edge_kernel(hh, z2, rowc, colc)
    hh = _mid(part, part, dinv, b2.reshape(1, D), W3)
    part = _edge_kernel(hh, z2, rowc, colc)

    y = _fin(part, part, dinv, b3.reshape(1, D), bpad, sb,
             psi_W1, psi_b1.reshape(1, D), psi_W2, psi_b2.reshape(1, D),
             phi_W1, phi_b1.reshape(1, D), phi_W2, phi_b2.reshape(1, 16))
    return y

# --- scband reference (transcript-rebuilt; emitter-appended) ---
"""Pipeline reference for scband-deep-set-graph-classifier-84490596647533 (READ-ONLY COPY).

The authoritative reference and input builder live on the scoring server;
editing this copy changes nothing except your own understanding.
"""

import jax, jax.numpy as jnp
import numpy as np

N_NODES = 10000
N_EDGES = 320000
IN_CH = 128
HID = 128
NUM_CLASSES = 16
NUM_GRAPHS = 512
NUM_SETS = 64


def _covering_sorted(key, total, num_vals):
    # sorted segment ids guaranteed to cover [0, num_vals)
    extra = jax.random.randint(key, (total - num_vals,), 0, num_vals)
    return jnp.sort(jnp.concatenate([jnp.arange(num_vals), extra]))


def setup_inputs(seed: int = 0) -> dict:
    key = jax.random.key(seed)
    ks = jax.random.split(key, 12)
    inp = {}
    inp['x'] = jax.random.normal(ks[0], (N_NODES, IN_CH), dtype=jnp.float32)
    inp['edge_index'] = jax.random.randint(ks[1], (2, N_EDGES), 0, N_NODES)
    inp['batch'] = _covering_sorted(ks[2], N_NODES, NUM_GRAPHS)
    inp['set_batch'] = _covering_sorted(ks[3], NUM_GRAPHS, NUM_SETS)

    def lin(k, fin, fout):
        kw, kb = jax.random.split(k)
        s = 1.0 / np.sqrt(fin)
        W = jax.random.uniform(kw, (fin, fout), minval=-s, maxval=s, dtype=jnp.float32)
        b = jax.random.uniform(kb, (fout,), minval=-s, maxval=s, dtype=jnp.float32)
        return W, b

    inp['W1'], inp['b1'] = lin(ks[4], IN_CH, HID)
    inp['W2'], inp['b2'] = lin(ks[5], HID, HID)
    inp['W3'], inp['b3'] = lin(ks[6], HID, HID)
    inp['psi_W1'], inp['psi_b1'] = lin(ks[7], HID, HID)
    inp['psi_W2'], inp['psi_b2'] = lin(ks[8], HID, HID)
    inp['phi_W1'], inp['phi_b1'] = lin(ks[9], HID, HID)
    inp['phi_W2'], inp['phi_b2'] = lin(ks[10], HID, NUM_CLASSES)
    return inp


def _gcn_conv(x, edge_index, W, b):
    # PyG GCNConv: add self-loops, symmetric normalization, x @ W, scatter-add, + bias
    n = x.shape[0]
    loop = jnp.arange(n)
    row = jnp.concatenate([edge_index[0], loop])
    col = jnp.concatenate([edge_index[1], loop])
    h = x @ W
    deg = jnp.zeros((n,), dtype=h.dtype).at[col].add(1.0)
    dinv = jnp.where(deg > 0, deg ** -0.5, 0.0)
    norm = dinv[row] * dinv[col]
    msg = h[row] * norm[:, None]
    out = jnp.zeros_like(h).at[col].add(msg)
    return out + b


def _pad_to_sets(graph_emb, set_batch):
    num_graphs, hid = graph_emb.shape
    num_sets = NUM_SETS
    set_sizes = jnp.zeros((num_sets,), dtype=jnp.int32).at[set_batch].add(1)
    max_set_size = set_sizes.max()
    pad_width = set_batch.shape[0]
    sorted_indices = jnp.argsort(set_batch)
    sorted_set_batch = set_batch[sorted_indices]
    cumsum = jnp.cumsum(jnp.ones((num_graphs,), dtype=jnp.int32))
    set_offsets = jnp.concatenate([jnp.zeros((1,), dtype=jnp.int32), jnp.cumsum(set_sizes)])
    positions_sorted = cumsum - 1 - set_offsets[sorted_set_batch]
    positions = jnp.zeros_like(positions_sorted).at[sorted_indices].set(positions_sorted)
    x_padded = jnp.zeros((num_sets, pad_width, hid), dtype=graph_emb.dtype)
    x_padded = x_padded.at[set_batch, positions].set(graph_emb)
    slot_mask = jnp.arange(pad_width) < max_set_size
    return x_padded, slot_mask


def reference(x, edge_index, batch, set_batch, W1, b1, W2, b2, W3, b3,
              psi_W1, psi_b1, psi_W2, psi_b2, phi_W1, phi_b1, phi_W2, phi_b2):
    # dropout is identity in eval mode
    h = jax.nn.relu(_gcn_conv(x, edge_index, W1, b1))
    h = jax.nn.relu(_gcn_conv(h, edge_index, W2, b2))
    h = jax.nn.relu(_gcn_conv(h, edge_index, W3, b3))
    # global_mean_pool
    sums = jax.ops.segment_sum(h, batch, num_segments=NUM_GRAPHS)
    cnt = jax.ops.segment_sum(jnp.ones((h.shape[0],), dtype=h.dtype), batch, num_segments=NUM_GRAPHS)
    graph_emb = sums / jnp.maximum(cnt, 1.0)[:, None]
    xp, slot_mask = _pad_to_sets(graph_emb, set_batch)
    # DeepSets: psi -> sum over set dim -> phi (note: psi is applied to padded zeros too, faithful to torch)
    hset = jnp.tanh(jax.nn.relu(xp @ psi_W1 + psi_b1) @ psi_W2 + psi_b2)
    hset = jnp.where(slot_mask[None, :, None], hset, jnp.zeros((), dtype=hset.dtype))
    agg = jnp.sum(hset, axis=1)
    y = jax.nn.relu(agg @ phi_W1 + phi_b1) @ phi_W2 + phi_b2
    return y

if __name__ == "__main__":
    import jax
    _d = setup_inputs()
    print(jax.jit(kernel)(*tuple(_d.values())))

</pallas_src>

<mosaic_0001>
#map = affine_map<(d0, d1) -> (0, 0, 0)>
#map1 = affine_map<(d0, d1) -> (0)>
#map2 = affine_map<(d0, d1) -> (0, 0)>
module attributes {stable_mosaic.version = 14 : i64} {
  func.func @_deg_kernel(%arg0: i32, %arg1: i32, %arg2: memref<32x84x120xi32, #tpu.memory_space<hbm>>, %arg3: memref<120xf32, #tpu.memory_space<hbm>>, %arg4: memref<10240xf32, #tpu.memory_space<hbm>>, %arg5: memref<2x10240xf32, #tpu.memory_space<hbm>>, %arg6: memref<84x120xi32, #tpu.memory_space<vmem>>, %arg7: memref<120xf32, #tpu.memory_space<vmem>>, %arg8: memref<10240xf32, #tpu.memory_space<vmem_shared>>) attributes {dimension_semantics = [#tpu.dimension_semantics<core_parallel>, #tpu.dimension_semantics<subcore_parallel>], iteration_bounds = array<i64: 2, 16>, scalar_prefetch = 0 : i64, scratch_operands = 3 : i64, tpu.core_type = #tpu.core_type<sc_vector_subcore>, window_params = [{transform_indices = #map}, {transform_indices = #map1}, {transform_indices = #map1}, {transform_indices = #map2}]} {
    %mul3A = arith.constant 2 : i32
    %mul3A_0 = arith.muli %arg1, %mul3A : i32
    %add3A = arith.addi %mul3A_0, %arg0 : i32
    "tpu.region"() ({
      %run_scoped3A = tpu.sem_alloc : memref<!tpu.dma_semaphore, #tpu.memory_space<semaphore_mem>>
      tpu.enqueue_dma source(%arg3 : memref<120xf32, #tpu.memory_space<hbm>>) target(%arg7 : memref<120xf32, #tpu.memory_space<vmem>>) target_semaphore(%run_scoped3A : memref<!tpu.dma_semaphore, #tpu.memory_space<semaphore_mem>>)
      tpu.wait_dma2 semaphore(%run_scoped3A : memref<!tpu.dma_semaphore, #tpu.memory_space<semaphore_mem>>) src(%arg3 : memref<120xf32, #tpu.memory_space<hbm>>) dst(%arg7 : memref<120xf32, #tpu.memory_space<vmem>>)
      tpu.yield
    }) : () -> ()
    %mul3A_1 = arith.constant 640 : i32
    %mul3A_2 = arith.muli %arg1, %mul3A_1 : i32
    %mul3A_3 = arith.constant 640 : i32
    %mul3A_4 = arith.muli %arg1, %mul3A_3 : i32
    "tpu.region"() ({
      %run_scoped3A = tpu.sem_alloc : memref<!tpu.dma_semaphore, #tpu.memory_space<semaphore_mem>>
      %dma_start3A = tpu.memref_slice %arg8[%mul3A_4] : memref<10240xf32, #tpu.memory_space<vmem_shared>> -> memref<640xf32, #tpu.memory_space<vmem_shared>>
      %dma_start3A_15 = tpu.memref_slice %arg4[%mul3A_2] : memref<10240xf32, #tpu.memory_space<hbm>> -> memref<640xf32, #tpu.memory_space<hbm>>
      tpu.enqueue_dma source(%dma_start3A_15 : memref<640xf32, #tpu.memory_space<hbm>>) target(%dma_start3A : memref<640xf32, #tpu.memory_space<vmem_shared>>) target_semaphore(%run_scoped3A : memref<!tpu.dma_semaphore, #tpu.memory_space<semaphore_mem>>)
      %dma_wait3A = tpu.memref_slice %arg8[%mul3A_4] : memref<10240xf32, #tpu.memory_space<vmem_shared>> -> memref<640xf32, #tpu.memory_space<vmem_shared>>
      %dma_wait3A_16 = tpu.memref_slice %arg4[%mul3A_2] : memref<10240xf32, #tpu.memory_space<hbm>> -> memref<640xf32, #tpu.memory_space<hbm>>
      tpu.wait_dma2 semaphore(%run_scoped3A : memref<!tpu.dma_semaphore, #tpu.memory_space<semaphore_mem>>) src(%dma_wait3A_16 : memref<640xf32, #tpu.memory_space<hbm>>) dst(%dma_wait3A : memref<640xf32, #tpu.memory_space<vmem_shared>>)
      tpu.yield
    }) : () -> ()
    "tpu.region"() ({
      %run_scoped3A = tpu.sem_alloc : memref<!tpu.dma_semaphore, #tpu.memory_space<semaphore_mem>>
      %dma_start3A = arith.constant 0 : i32
      %dma_start3A_15 = arith.constant 0 : i32
      %dma_start3A_16 = tpu.memref_slice %arg2[%add3A, %dma_start3A, %dma_start3A_15] : memref<32x84x120xi32, #tpu.memory_space<hbm>> -> memref<1x84x120xi32, #tpu.memory_space<hbm>>
      %dma_start3A_17 = tpu.memref_squeeze %dma_start3A_16 : memref<1x84x120xi32, #tpu.memory_space<hbm>> -> memref<84x120xi32, #tpu.memory_space<hbm>>
      %dma_start3A_18 = arith.constant 0 : i32
      %dma_start3A_19 = arith.constant 0 : i32
      %dma_start3A_20 = tpu.memref_slice %arg2[%add3A, %dma_start3A_18, %dma_start3A_19] : memref<32x84x120xi32, #tpu.memory_space<hbm>> -> memref<1x84x120xi32, #tpu.memory_space<hbm>>
      %dma_start3A_21 = tpu.memref_squeeze %dma_start3A_20 : memref<1x84x120xi32, #tpu.memory_space<hbm>> -> memref<84x120xi32, #tpu.memory_space<hbm>>
      tpu.enqueue_dma source(%dma_start3A_21 : memref<84x120xi32, #tpu.memory_space<hbm>>) target(%arg6 : memref<84x120xi32, #tpu.memory_space<vmem>>) target_semaphore(%run_scoped3A : memref<!tpu.dma_semaphore, #tpu.memory_space<semaphore_mem>>)
      %dma_wait3A = arith.constant 0 : i32
      %dma_wait3A_22 = arith.constant 0 : i32
      %dma_wait3A_23 = tpu.memref_slice %arg2[%add3A, %dma_wait3A, %dma_wait3A_22] : memref<32x84x120xi32, #tpu.memory_space<hbm>> -> memref<1x84x120xi32, #tpu.memory_space<hbm>>
      %dma_wait3A_24 = tpu.memref_squeeze %dma_wait3A_23 : memref<1x84x120xi32, #tpu.memory_space<hbm>> -> memref<84x120xi32, #tpu.memory_space<hbm>>
      %dma_wait3A_25 = arith.constant 0 : i32
      %dma_wait3A_26 = arith.constant 0 : i32
      %dma_wait3A_27 = tpu.memref_slice %arg2[%add3A, %dma_wait3A_25, %dma_wait3A_26] : memref<32x84x120xi32, #tpu.memory_space<hbm>> -> memref<1x84x120xi32, #tpu.memory_space<hbm>>
      %dma_wait3A_28 = tpu.memref_squeeze %dma_wait3A_27 : memref<1x84x120xi32, #tpu.memory_space<hbm>> -> memref<84x120xi32, #tpu.memory_space<hbm>>
      tpu.wait_dma2 semaphore(%run_scoped3A : memref<!tpu.dma_semaphore, #tpu.memory_space<semaphore_mem>>) src(%dma_wait3A_28 : memref<84x120xi32, #tpu.memory_space<hbm>>) dst(%arg6 : memref<84x120xi32, #tpu.memory_space<vmem>>)
      tpu.yield
    }) : () -> ()
    %barrier3A = arith.constant 0 : index
    tpu.barrier barrier_id(%barrier3A)
    %scan3A = arith.constant 0 : i32
    %scan3A_5 = arith.constant 0 : i32
    %scan3A_6 = arith.constant 84 : i32
    %scan3A_7 = arith.addi %scan3A_5, %scan3A_6 : i32
    %scan3A_8 = arith.constant 1 : i32
    scf.for %scan3A_15 = %scan3A_5 to %scan3A_7 step %scan3A_8  : i32 {
      "tpu.region"() ({
        %run_scoped3A = tpu.sem_alloc : memref<!tpu.dma_semaphore, #tpu.memory_space<semaphore_mem>>
        %dma_start3A = arith.constant 0 : i32
        %dma_start3A_16 = tpu.memref_slice %arg6[%scan3A_15, %dma_start3A] : memref<84x120xi32, #tpu.memory_space<vmem>> -> memref<1x120xi32, #tpu.memory_space<vmem>>
        %dma_start3A_17 = tpu.memref_squeeze %dma_start3A_16 : memref<1x120xi32, #tpu.memory_space<vmem>> -> memref<120xi32, #tpu.memory_space<vmem>>
        %dma_start3A_18 = arith.constant 0 : i32
        %dma_start3A_19 = tpu.memref_slice %arg8[%dma_start3A_18] : memref<10240xf32, #tpu.memory_space<vmem_shared>> -> memref<10240xf32, #tpu.memory_space<vmem_shared>>
        tpu.enqueue_indirect_dma source(%arg7 : memref<120xf32, #tpu.memory_space<vmem>>) target(%dma_start3A_19 : memref<10240xf32, #tpu.memory_space<vmem_shared>>) offsets(%dma_start3A_17 : memref<120xi32, #tpu.memory_space<vmem>>) semaphore(%run_scoped3A : memref<!tpu.dma_semaphore, #tpu.memory_space<semaphore_mem>>) {add = true}
        %dma_wait3A = arith.constant 0 : i32
        %dma_wait3A_20 = tpu.memref_slice %arg6[%scan3A_15, %dma_wait3A] : memref<84x120xi32, #tpu.memory_space<vmem>> -> memref<1x120xi32, #tpu.memory_space<vmem>>
        %dma_wait3A_21 = tpu.memref_squeeze %dma_wait3A_20 : memref<1x120xi32, #tpu.memory_space<vmem>> -> memref<120xi32, #tpu.memory_space<vmem>>
        %dma_wait3A_22 = arith.constant 0 : i32
        %dma_wait3A_23 = tpu.memref_slice %arg8[%dma_wait3A_22] : memref<10240xf32, #tpu.memory_space<vmem_shared>> -> memref<10240xf32, #tpu.memory_space<vmem_shared>>
        tpu.wait_indirect_dma semaphore(%run_scoped3A : memref<!tpu.dma_semaphore, #tpu.memory_space<semaphore_mem>>) src(%arg7 : memref<120xf32, #tpu.memory_space<vmem>>) dst(%dma_wait3A_23 : memref<10240xf32, #tpu.memory_space<vmem_shared>>)
        tpu.yield
      }) : () -> ()
    }
    %scan3A_9 = arith.constant 84 : i32
    %barrier3A_10 = arith.constant 0 : index
    tpu.barrier barrier_id(%barrier3A_10)
    %mul3A_11 = arith.constant 640 : i32
    %mul3A_12 = arith.muli %arg1, %mul3A_11 : i32
    %mul3A_13 = arith.constant 640 : i32
    %mul3A_14 = arith.muli %arg1, %mul3A_13 : i32
    "tpu.region"() ({
      %run_scoped3A = tpu.sem_alloc : memref<!tpu.dma_semaphore, #tpu.memory_space<semaphore_mem>>
      %dma_start3A = tpu.memref_slice %arg5[%arg0, %mul3A_14] : memref<2x10240xf32, #tpu.memory_space<hbm>> -> memref<1x640xf32, #tpu.memory_space<hbm>>
      %dma_start3A_15 = tpu.memref_squeeze %dma_start3A : memref<1x640xf32, #tpu.memory_space<hbm>> -> memref<640xf32, #tpu.memory_space<hbm>>
      %dma_start3A_16 = tpu.memref_slice %arg8[%mul3A_12] : memref<10240xf32, #tpu.memory_space<vmem_shared>> -> memref<640xf32, #tpu.memory_space<vmem_shared>>
      tpu.enqueue_dma source(%dma_start3A_16 : memref<640xf32, #tpu.memory_space<vmem_shared>>) target(%dma_start3A_15 : memref<640xf32, #tpu.memory_space<hbm>>) target_semaphore(%run_scoped3A : memref<!tpu.dma_semaphore, #tpu.memory_space<semaphore_mem>>)
      %dma_wait3A = tpu.memref_slice %arg5[%arg0, %mul3A_14] : memref<2x10240xf32, #tpu.memory_space<hbm>> -> memref<1x640xf32, #tpu.memory_space<hbm>>
      %dma_wait3A_17 = tpu.memref_squeeze %dma_wait3A : memref<1x640xf32, #tpu.memory_space<hbm>> -> memref<640xf32, #tpu.memory_space<hbm>>
      %dma_wait3A_18 = tpu.memref_slice %arg8[%mul3A_12] : memref<10240xf32, #tpu.memory_space<vmem_shared>> -> memref<640xf32, #tpu.memory_space<vmem_shared>>
      tpu.wait_dma2 semaphore(%run_scoped3A : memref<!tpu.dma_semaphore, #tpu.memory_space<semaphore_mem>>) src(%dma_wait3A_18 : memref<640xf32, #tpu.memory_space<vmem_shared>>) dst(%dma_wait3A_17 : memref<640xf32, #tpu.memory_space<hbm>>)
      tpu.yield
    }) : () -> ()
    return
  }
}

#map = affine_map<(d0, d1) -> (0, 0)>
#map1 = affine_map<(d0, d1) -> (0, 0, 0, 0)>
#map2 = affine_map<(d0, d1) -> (0, 0, 0)>
module attributes {stable_mosaic.version = 14 : i64} {
  func.func @_edge_kernel(%arg0: i32, %arg1: i32, %arg2: memref<10240x128xf32, #tpu.memory_space<hbm>>, %arg3: memref<10240x128xf32, #tpu.memory_space<hbm>>, %arg4: memref<32x42x2x120xi32, #tpu.memory_space<hbm>>, %arg5: memref<32x42x2x120xi32, #tpu.memory_space<hbm>>, %arg6: memref<2x10240x128xf32, #tpu.memory_space<hbm>>, %arg7: memref<3x2x120xi32, #tpu.memory_space<vmem>>, %arg8: memref<3x2x120xi32, #tpu.memory_space<vmem>>, %arg9: memref<3x120x128xf32, #tpu.memory_space<vmem>>, %arg10: memref<3x!tpu.dma_semaphore, #tpu.memory_space<semaphore_mem>>, %arg11: memref<3x!tpu.dma_semaphore, #tpu.memory_space<semaphore_mem>>, %arg12: memref<3x!tpu.dma_semaphore, #tpu.memory_space<semaphore_mem>>, %arg13: memref<10240x128xf32, #tpu.memory_space<vmem_shared>>) attributes {dimension_semantics = [#tpu.dimension_semantics<core_parallel>, #tpu.dimension_semantics<subcore_parallel>], iteration_bounds = array<i64: 2, 16>, scalar_prefetch = 0 : i64, scratch_operands = 7 : i64, tpu.core_type = #tpu.core_type<sc_vector_subcore>, window_params = [{transform_indices = #map}, {transform_indices = #map}, {transform_indices = #map1}, {transform_indices = #map1}, {transform_indices = #map2}]} {
    %mul3A = arith.constant 2 : i32
    %mul3A_0 = arith.muli %arg1, %mul3A : i32
    %add3A = arith.addi %mul3A_0, %arg0 : i32
    %eq3A = arith.constant 0 : i32
    %eq3A_1 = arith.cmpi eq, %arg0, %eq3A : i32
    %convert_element_type3A = arith.extui %eq3A_1 : i1 to i32
    %cond3A = arith.constant 0 : i32
    %cond3A_2 = arith.cmpi ne, %convert_element_type3A, %cond3A : i32
    scf.if %cond3A_2 {
      %mul3A_193 = arith.constant 640 : i32
      %mul3A_194 = arith.muli %arg1, %mul3A_193 : i32
      %mul3A_195 = arith.constant 640 : i32
      %mul3A_196 = arith.muli %arg1, %mul3A_195 : i32
      "tpu.region"() ({
        %run_scoped3A = tpu.sem_alloc : memref<!tpu.dma_semaphore, #tpu.memory_space<semaphore_mem>>
        %dma_start3A_197 = arith.constant 0 : i32
        %dma_start3A_198 = tpu.memref_slice %arg13[%mul3A_196, %dma_start3A_197] : memref<10240x128xf32, #tpu.memory_space<vmem_shared>> -> memref<640x128xf32, #tpu.memory_space<vmem_shared>>
        %dma_start3A_199 = arith.constant 0 : i32
        %dma_start3A_200 = tpu.memref_slice %arg2[%mul3A_194, %dma_start3A_199] : memref<10240x128xf32, #tpu.memory_space<hbm>> -> memref<640x128xf32, #tpu.memory_space<hbm>>
        tpu.enqueue_dma source(%dma_start3A_200 : memref<640x128xf32, #tpu.memory_space<hbm>>) target(%dma_start3A_198 : memref<640x128xf32, #tpu.memory_space<vmem_shared>>) target_semaphore(%run_scoped3A : memref<!tpu.dma_semaphore, #tpu.memory_space<semaphore_mem>>)
        %dma_wait3A_201 = arith.constant 0 : i32
        %dma_wait3A_202 = tpu.memref_slice %arg13[%mul3A_196, %dma_wait3A_201] : memref<10240x128xf32, #tpu.memory_space<vmem_shared>> -> memref<640x128xf32, #tpu.memory_space<vmem_shared>>
        %dma_wait3A_203 = arith.constant 0 : i32
        %dma_wait3A_204 = tpu.memref_slice %arg2[%mul3A_194, %dma_wait3A_203] : memref<10240x128xf32, #tpu.memory_space<hbm>> -> memref<640x128xf32, #tpu.memory_space<hbm>>
        tpu.wait_dma2 semaphore(%run_scoped3A : memref<!tpu.dma_semaphore, #tpu.memory_space<semaphore_mem>>) src(%dma_wait3A_204 : memref<640x128xf32, #tpu.memory_space<hbm>>) dst(%dma_wait3A_202 : memref<640x128xf32, #tpu.memory_space<vmem_shared>>)
        tpu.yield
      }) : () -> ()
    } else {
    }
    %eq3A_3 = arith.constant 1 : i32
    %eq3A_4 = arith.cmpi eq, %arg0, %eq3A_3 : i32
    %convert_element_type3A_5 = arith.extui %eq3A_4 : i1 to i32
    %cond3A_6 = arith.constant 0 : i32
    %cond3A_7 = arith.cmpi ne, %convert_element_type3A_5, %cond3A_6 : i32
    scf.if %cond3A_7 {
      %mul3A_193 = arith.constant 640 : i32
      %mul3A_194 = arith.muli %arg1, %mul3A_193 : i32
      %mul3A_195 = arith.constant 640 : i32
      %mul3A_196 = arith.muli %arg1, %mul3A_195 : i32
      "tpu.region"() ({
        %run_scoped3A = tpu.sem_alloc : memref<!tpu.dma_semaphore, #tpu.memory_space<semaphore_mem>>
        %dma_start3A_197 = arith.constant 0 : i32
        %dma_start3A_198 = tpu.memref_slice %arg13[%mul3A_196, %dma_start3A_197] : memref<10240x128xf32, #tpu.memory_space<vmem_shared>> -> memref<640x128xf32, #tpu.memory_space<vmem_shared>>
        %dma_start3A_199 = arith.constant 0 : i32
        %dma_start3A_200 = tpu.memref_slice %arg3[%mul3A_194, %dma_start3A_199] : memref<10240x128xf32, #tpu.memory_space<hbm>> -> memref<640x128xf32, #tpu.memory_space<hbm>>
        tpu.enqueue_dma source(%dma_start3A_200 : memref<640x128xf32, #tpu.memory_space<hbm>>) target(%dma_start3A_198 : memref<640x128xf32, #tpu.memory_space<vmem_shared>>) target_semaphore(%run_scoped3A : memref<!tpu.dma_semaphore, #tpu.memory_space<semaphore_mem>>)
        %dma_wait3A_201 = arith.constant 0 : i32
        %dma_wait3A_202 = tpu.memref_slice %arg13[%mul3A_196, %dma_wait3A_201] : memref<10240x128xf32, #tpu.memory_space<vmem_shared>> -> memref<640x128xf32, #tpu.memory_space<vmem_shared>>
        %dma_wait3A_203 = arith.constant 0 : i32
        %dma_wait3A_204 = tpu.memref_slice %arg3[%mul3A_194, %dma_wait3A_203] : memref<10240x128xf32, #tpu.memory_space<hbm>> -> memref<640x128xf32, #tpu.memory_space<hbm>>
        tpu.wait_dma2 semaphore(%run_scoped3A : memref<!tpu.dma_semaphore, #tpu.memory_space<semaphore_mem>>) src(%dma_wait3A_204 : memref<640x128xf32, #tpu.memory_space<hbm>>) dst(%dma_wait3A_202 : memref<640x128xf32, #tpu.memory_space<vmem_shared>>)
        tpu.yield
      }) : () -> ()
    } else {
    }
    %barrier3A = arith.constant 0 : index
    tpu.barrier barrier_id(%barrier3A)
    %dma_start3A = arith.constant 0 : i32
    %dma_start3A_8 = arith.constant 0 : i32
    %dma_start3A_9 = arith.constant 0 : i32
    %dma_start3A_10 = arith.constant 0 : i32
    %dma_start3A_11 = arith.constant 0 : i32
    %dma_start3A_12 = tpu.memref_slice %arg7[%dma_start3A_8, %dma_start3A_10, %dma_start3A_11] : memref<3x2x120xi32, #tpu.memory_space<vmem>> -> memref<1x2x120xi32, #tpu.memory_space<vmem>>
    %dma_start3A_13 = tpu.memref_squeeze %dma_start3A_12 : memref<1x2x120xi32, #tpu.memory_space<vmem>> -> memref<2x120xi32, #tpu.memory_space<vmem>>
    %dma_start3A_14 = arith.constant 0 : i32
    %dma_start3A_15 = arith.constant 0 : i32
    %dma_start3A_16 = tpu.memref_slice %arg4[%add3A, %dma_start3A, %dma_start3A_14, %dma_start3A_15] : memref<32x42x2x120xi32, #tpu.memory_space<hbm>> -> memref<1x1x2x120xi32, #tpu.memory_space<hbm>>
    %dma_start3A_17 = tpu.memref_squeeze %dma_start3A_16 : memref<1x1x2x120xi32, #tpu.memory_space<hbm>> -> memref<2x120xi32, #tpu.memory_space<hbm>>
    %dma_start3A_18 = tpu.memref_slice %arg10[%dma_start3A_9] : memref<3x!tpu.dma_semaphore, #tpu.memory_space<semaphore_mem>> -> memref<1x!tpu.dma_semaphore, #tpu.memory_space<semaphore_mem>>
    %dma_start3A_19 = tpu.memref_squeeze %dma_start3A_18 : memref<1x!tpu.dma_semaphore, #tpu.memory_space<semaphore_mem>> -> memref<!tpu.dma_semaphore, #tpu.memory_space<semaphore_mem>>
    %dma_start3A_20 = arith.constant 0 : i32
    %dma_start3A_21 = arith.constant 0 : i32
    %dma_start3A_22 = tpu.memref_slice %arg7[%dma_start3A_8, %dma_start3A_20, %dma_start3A_21] : memref<3x2x120xi32, #tpu.memory_space<vmem>> -> memref<1x2x120xi32, #tpu.memory_space<vmem>>
    %dma_start3A_23 = tpu.memref_squeeze %dma_start3A_22 : memref<1x2x120xi32, #tpu.memory_space<vmem>> -> memref<2x120xi32, #tpu.memory_space<vmem>>
    %dma_start3A_24 = arith.constant 0 : i32
    %dma_start3A_25 = arith.constant 0 : i32
    %dma_start3A_26 = tpu.memref_slice %arg4[%add3A, %dma_start3A, %dma_start3A_24, %dma_start3A_25] : memref<32x42x2x120xi32, #tpu.memory_space<hbm>> -> memref<1x1x2x120xi32, #tpu.memory_space<hbm>>
    %dma_start3A_27 = tpu.memref_squeeze %dma_start3A_26 : memref<1x1x2x120xi32, #tpu.memory_space<hbm>> -> memref<2x120xi32, #tpu.memory_space<hbm>>
    tpu.enqueue_dma source(%dma_start3A_27 : memref<2x120xi32, #tpu.memory_space<hbm>>) target(%dma_start3A_23 : memref<2x120xi32, #tpu.memory_space<vmem>>) target_semaphore(%dma_start3A_19 : memref<!tpu.dma_semaphore, #tpu.memory_space<semaphore_mem>>)
    %dma_start3A_28 = arith.constant 0 : i32
    %dma_start3A_29 = arith.constant 0 : i32
    %dma_start3A_30 = arith.constant 0 : i32
    %dma_start3A_31 = arith.constant 0 : i32
    %dma_start3A_32 = arith.constant 0 : i32
    %dma_start3A_33 = tpu.memref_slice %arg8[%dma_start3A_29, %dma_start3A_31, %dma_start3A_32] : memref<3x2x120xi32, #tpu.memory_space<vmem>> -> memref<1x2x120xi32, #tpu.memory_space<vmem>>
    %dma_start3A_34 = tpu.memref_squeeze %dma_start3A_33 : memref<1x2x120xi32, #tpu.memory_space<vmem>> -> memref<2x120xi32, #tpu.memory_space<vmem>>
    %dma_start3A_35 = arith.constant 0 : i32
    %dma_start3A_36 = arith.constant 0 : i32
    %dma_start3A_37 = tpu.memref_slice %arg5[%add3A, %dma_start3A_28, %dma_start3A_35, %dma_start3A_36] : memref<32x42x2x120xi32, #tpu.memory_space<hbm>> -> memref<1x1x2x120xi32, #tpu.memory_space<hbm>>
    %dma_start3A_38 = tpu.memref_squeeze %dma_start3A_37 : memref<1x1x2x120xi32, #tpu.memory_space<hbm>> -> memref<2x120xi32, #tpu.memory_space<hbm>>
    %dma_start3A_39 = tpu.memref_slice %arg10[%dma_start3A_30] : memref<3x!tpu.dma_semaphore, #tpu.memory_space<semaphore_mem>> -> memref<1x!tpu.dma_semaphore, #tpu.memory_space<semaphore_mem>>
    %dma_start3A_40 = tpu.memref_squeeze %dma_start3A_39 : memref<1x!tpu.dma_semaphore, #tpu.memory_space<semaphore_mem>> -> memref<!tpu.dma_semaphore, #tpu.memory_space<semaphore_mem>>
    %dma_start3A_41 = arith.constant 0 : i32
    %dma_start3A_42 = arith.constant 0 : i32
    %dma_start3A_43 = tpu.memref_slice %arg8[%dma_start3A_29, %dma_start3A_41, %dma_start3A_42] : memref<3x2x120xi32, #tpu.memory_space<vmem>> -> memref<1x2x120xi32, #tpu.memory_space<vmem>>
    %dma_start3A_44 = tpu.memref_squeeze %dma_start3A_43 : memref<1x2x120xi32, #tpu.memory_space<vmem>> -> memref<2x120xi32, #tpu.memory_space<vmem>>
    %dma_start3A_45 = arith.constant 0 : i32
    %dma_start3A_46 = arith.constant 0 : i32
    %dma_start3A_47 = tpu.memref_slice %arg5[%add3A, %dma_start3A_28, %dma_start3A_45, %dma_start3A_46] : memref<32x42x2x120xi32, #tpu.memory_space<hbm>> -> memref<1x1x2x120xi32, #tpu.memory_space<hbm>>
    %dma_start3A_48 = tpu.memref_squeeze %dma_start3A_47 : memref<1x1x2x120xi32, #tpu.memory_space<hbm>> -> memref<2x120xi32, #tpu.memory_space<hbm>>
    tpu.enqueue_dma source(%dma_start3A_48 : memref<2x120xi32, #tpu.memory_space<hbm>>) target(%dma_start3A_44 : memref<2x120xi32, #tpu.memory_space<vmem>>) target_semaphore(%dma_start3A_40 : memref<!tpu.dma_semaphore, #tpu.memory_space<semaphore_mem>>)
    %dma_start3A_49 = arith.constant 1 : i32
    %dma_start3A_50 = arith.constant 1 : i32
    %dma_start3A_51 = arith.constant 1 : i32
    %dma_start3A_52 = arith.constant 0 : i32
    %dma_start3A_53 = arith.constant 0 : i32
    %dma_start3A_54 = tpu.memref_slice %arg7[%dma_start3A_50, %dma_start3A_52, %dma_start3A_53] : memref<3x2x120xi32, #tpu.memory_space<vmem>> -> memref<1x2x120xi32, #tpu.memory_space<vmem>>
    %dma_start3A_55 = tpu.memref_squeeze %dma_start3A_54 : memref<1x2x120xi32, #tpu.memory_space<vmem>> -> memref<2x120xi32, #tpu.memory_space<vmem>>
    %dma_start3A_56 = arith.constant 0 : i32
    %dma_start3A_57 = arith.constant 0 : i32
    %dma_start3A_58 = tpu.memref_slice %arg4[%add3A, %dma_start3A_49, %dma_start3A_56, %dma_start3A_57] : memref<32x42x2x120xi32, #tpu.memory_space<hbm>> -> memref<1x1x2x120xi32, #tpu.memory_space<hbm>>
    %dma_start3A_59 = tpu.memref_squeeze %dma_start3A_58 : memref<1x1x2x120xi32, #tpu.memory_space<hbm>> -> memref<2x120xi32, #tpu.memory_space<hbm>>
    %dma_start3A_60 = tpu.memref_slice %arg10[%dma_start3A_51] : memref<3x!tpu.dma_semaphore, #tpu.memory_space<semaphore_mem>> -> memref<1x!tpu.dma_semaphore, #tpu.memory_space<semaphore_mem>>
    %dma_start3A_61 = tpu.memref_squeeze %dma_start3A_60 : memref<1x!tpu.dma_semaphore, #tpu.memory_space<semaphore_mem>> -> memref<!tpu.dma_semaphore, #tpu.memory_space<semaphore_mem>>
    %dma_start3A_62 = arith.constant 0 : i32
    %dma_start3A_63 = arith.constant 0 : i32
    %dma_start3A_64 = tpu.memref_slice %arg7[%dma_start3A_50, %dma_start3A_62, %dma_start3A_63] : memref<3x2x120xi32, #tpu.memory_space<vmem>> -> memref<1x2x120xi32, #tpu.memory_space<vmem>>
    %dma_start3A_65 = tpu.memref_squeeze %dma_start3A_64 : memref<1x2x120xi32, #tpu.memory_space<vmem>> -> memref<2x120xi32, #tpu.memory_space<vmem>>
    %dma_start3A_66 = arith.constant 0 : i32
    %dma_start3A_67 = arith.constant 0 : i32
    %dma_start3A_68 = tpu.memref_slice %arg4[%add3A, %dma_start3A_49, %dma_start3A_66, %dma_start3A_67] : memref<32x42x2x120xi32, #tpu.memory_space<hbm>> -> memref<1x1x2x120xi32, #tpu.memory_space<hbm>>
    %dma_start3A_69 = tpu.memref_squeeze %dma_start3A_68 : memref<1x1x2x120xi32, #tpu.memory_space<hbm>> -> memref<2x120xi32, #tpu.memory_space<hbm>>
    tpu.enqueue_dma source(%dma_start3A_69 : memref<2x120xi32, #tpu.memory_space<hbm>>) target(%dma_start3A_65 : memref<2x120xi32, #tpu.memory_space<vmem>>) target_semaphore(%dma_start3A_61 : memref<!tpu.dma_semaphore, #tpu.memory_space<semaphore_mem>>)
    %dma_start3A_70 = arith.constant 1 : i32
    %dma_start3A_71 = arith.constant 1 : i32
    %dma_start3A_72 = arith.constant 1 : i32
    %dma_start3A_73 = arith.constant 0 : i32
    %dma_start3A_74 = arith.constant 0 : i32
    %dma_start3A_75 = tpu.memref_slice %arg8[%dma_start3A_71, %dma_start3A_73, %dma_start3A_74] : memref<3x2x120xi32, #tpu.memory_space<vmem>> -> memref<1x2x120xi32, #tpu.memory_space<vmem>>
    %dma_start3A_76 = tpu.memref_squeeze %dma_start3A_75 : memref<1x2x120xi32, #tpu.memory_space<vmem>> -> memref<2x120xi32, #tpu.memory_space<vmem>>
    %dma_start3A_77 = arith.constant 0 : i32
    %dma_start3A_78 = arith.constant 0 : i32
    %dma_start3A_79 = tpu.memref_slice %arg5[%add3A, %dma_start3A_70, %dma_start3A_77, %dma_start3A_78] : memref<32x42x2x120xi32, #tpu.memory_space<hbm>> -> memref<1x1x2x120xi32, #tpu.memory_space<hbm>>
    %dma_start3A_80 = tpu.memref_squeeze %dma_start3A_79 : memref<1x1x2x120xi32, #tpu.memory_space<hbm>> -> memref<2x120xi32, #tpu.memory_space<hbm>>
    %dma_start3A_81 = tpu.memref_slice %arg10[%dma_start3A_72] : memref<3x!tpu.dma_semaphore, #tpu.memory_space<semaphore_mem>> -> memref<1x!tpu.dma_semaphore, #tpu.memory_space<semaphore_mem>>
    %dma_start3A_82 = tpu.memref_squeeze %dma_start3A_81 : memref<1x!tpu.dma_semaphore, #tpu.memory_space<semaphore_mem>> -> memref<!tpu.dma_semaphore, #tpu.memory_space<semaphore_mem>>
    %dma_start3A_83 = arith.constant 0 : i32
    %dma_start3A_84 = arith.constant 0 : i32
    %dma_start3A_85 = tpu.memref_slice %arg8[%dma_start3A_71, %dma_start3A_83, %dma_start3A_84] : memref<3x2x120xi32, #tpu.memory_space<vmem>> -> memref<1x2x120xi32, #tpu.memory_space<vmem>>
    %dma_start3A_86 = tpu.memref_squeeze %dma_start3A_85 : memref<1x2x120xi32, #tpu.memory_space<vmem>> -> memref<2x120xi32, #tpu.memory_space<vmem>>
    %dma_start3A_87 = arith.constant 0 : i32
    %dma_start3A_88 = arith.constant 0 : i32
    %dma_start3A_89 = tpu.memref_slice %arg5[%add3A, %dma_start3A_70, %dma_start3A_87, %dma_start3A_88] : memref<32x42x2x120xi32, #tpu.memory_space<hbm>> -> memref<1x1x2x120xi32, #tpu.memory_space<hbm>>
    %dma_start3A_90 = tpu.memref_squeeze %dma_start3A_89 : memref<1x1x2x120xi32, #tpu.memory_space<hbm>> -> memref<2x120xi32, #tpu.memory_space<hbm>>
    tpu.enqueue_dma source(%dma_start3A_90 : memref<2x120xi32, #tpu.memory_space<hbm>>) target(%dma_start3A_86 : memref<2x120xi32, #tpu.memory_space<vmem>>) target_semaphore(%dma_start3A_82 : memref<!tpu.dma_semaphore, #tpu.memory_space<semaphore_mem>>)
    %dma_wait3A = arith.constant 0 : i32
    %dma_wait3A_91 = arith.constant 0 : i32
    %dma_wait3A_92 = arith.constant 0 : i32
    %dma_wait3A_93 = arith.constant 0 : i32
    %dma_wait3A_94 = arith.constant 0 : i32
    %dma_wait3A_95 = tpu.memref_slice %arg7[%dma_wait3A_91, %dma_wait3A_93, %dma_wait3A_94] : memref<3x2x120xi32, #tpu.memory_space<vmem>> -> memref<1x2x120xi32, #tpu.memory_space<vmem>>
    %dma_wait3A_96 = tpu.memref_squeeze %dma_wait3A_95 : memref<1x2x120xi32, #tpu.memory_space<vmem>> -> memref<2x120xi32, #tpu.memory_space<vmem>>
    %dma_wait3A_97 = arith.constant 0 : i32
    %dma_wait3A_98 = arith.constant 0 : i32
    %dma_wait3A_99 = tpu.memref_slice %arg4[%add3A, %dma_wait3A, %dma_wait3A_97, %dma_wait3A_98] : memref<32x42x2x120xi32, #tpu.memory_space<hbm>> -> memref<1x1x2x120xi32, #tpu.memory_space<hbm>>
    %dma_wait3A_100 = tpu.memref_squeeze %dma_wait3A_99 : memref<1x1x2x120xi32, #tpu.memory_space<hbm>> -> memref<2x120xi32, #tpu.memory_space<hbm>>
    %dma_wait3A_101 = tpu.memref_slice %arg10[%dma_wait3A_92] : memref<3x!tpu.dma_semaphore, #tpu.memory_space<semaphore_mem>> -> memref<1x!tpu.dma_semaphore, #tpu.memory_space<semaphore_mem>>
    %dma_wait3A_102 = tpu.memref_squeeze %dma_wait3A_101 : memref<1x!tpu.dma_semaphore, #tpu.memory_space<semaphore_mem>> -> memref<!tpu.dma_semaphore, #tpu.memory_space<semaphore_mem>>
    %dma_wait3A_103 = arith.constant 0 : i32
    %dma_wait3A_104 = arith.constant 0 : i32
    %dma_wait3A_105 = tpu.memref_slice %arg7[%dma_wait3A_91, %dma_wait3A_103, %dma_wait3A_104] : memref<3x2x120xi32, #tpu.memory_space<vmem>> -> memref<1x2x120xi32, #tpu.memory_space<vmem>>
    %dma_wait3A_106 = tpu.memref_squeeze %dma_wait3A_105 : memref<1x2x120xi32, #tpu.memory_space<vmem>> -> memref<2x120xi32, #tpu.memory_space<vmem>>
    %dma_wait3A_107 = arith.constant 0 : i32
    %dma_wait3A_108 = arith.constant 0 : i32
    %dma_wait3A_109 = tpu.memref_slice %arg4[%add3A, %dma_wait3A, %dma_wait3A_107, %dma_wait3A_108] : memref<32x42x2x120xi32, #tpu.memory_space<hbm>> -> memref<1x1x2x120xi32, #tpu.memory_space<hbm>>
    %dma_wait3A_110 = tpu.memref_squeeze %dma_wait3A_109 : memref<1x1x2x120xi32, #tpu.memory_space<hbm>> -> memref<2x120xi32, #tpu.memory_space<hbm>>
    tpu.wait_dma2 semaphore(%dma_wait3A_102 : memref<!tpu.dma_semaphore, #tpu.memory_space<semaphore_mem>>) src(%dma_wait3A_110 : memref<2x120xi32, #tpu.memory_space<hbm>>) dst(%dma_wait3A_106 : memref<2x120xi32, #tpu.memory_space<vmem>>)
    %dma_wait3A_111 = arith.constant 0 : i32
    %dma_wait3A_112 = arith.constant 0 : i32
    %dma_wait3A_113 = arith.constant 0 : i32
    %dma_wait3A_114 = arith.constant 0 : i32
    %dma_wait3A_115 = arith.constant 0 : i32
    %dma_wait3A_116 = tpu.memref_slice %arg8[%dma_wait3A_112, %dma_wait3A_114, %dma_wait3A_115] : memref<3x2x120xi32, #tpu.memory_space<vmem>> -> memref<1x2x120xi32, #tpu.memory_space<vmem>>
    %dma_wait3A_117 = tpu.memref_squeeze %dma_wait3A_116 : memref<1x2x120xi32, #tpu.memory_space<vmem>> -> memref<2x120xi32, #tpu.memory_space<vmem>>
    %dma_wait3A_118 = arith.constant 0 : i32
    %dma_wait3A_119 = arith.constant 0 : i32
    %dma_wait3A_120 = tpu.memref_slice %arg5[%add3A, %dma_wait3A_111, %dma_wait3A_118, %dma_wait3A_119] : memref<32x42x2x120xi32, #tpu.memory_space<hbm>> -> memref<1x1x2x120xi32, #tpu.memory_space<hbm>>
    %dma_wait3A_121 = tpu.memref_squeeze %dma_wait3A_120 : memref<1x1x2x120xi32, #tpu.memory_space<hbm>> -> memref<2x120xi32, #tpu.memory_space<hbm>>
    %dma_wait3A_122 = tpu.memref_slice %arg10[%dma_wait3A_113] : memref<3x!tpu.dma_semaphore, #tpu.memory_space<semaphore_mem>> -> memref<1x!tpu.dma_semaphore, #tpu.memory_space<semaphore_mem>>
    %dma_wait3A_123 = tpu.memref_squeeze %dma_wait3A_122 : memref<1x!tpu.dma_semaphore, #tpu.memory_space<semaphore_mem>> -> memref<!tpu.dma_semaphore, #tpu.memory_space<semaphore_mem>>
    %dma_wait3A_124 = arith.constant 0 : i32
    %dma_wait3A_125 = arith.constant 0 : i32
    %dma_wait3A_126 = tpu.memref_slice %arg8[%dma_wait3A_112, %dma_wait3A_124, %dma_wait3A_125] : memref<3x2x120xi32, #tpu.memory_space<vmem>> -> memref<1x2x120xi32, #tpu.memory_space<vmem>>
    %dma_wait3A_127 = tpu.memref_squeeze %dma_wait3A_126 : memref<1x2x120xi32, #tpu.memory_space<vmem>> -> memref<2x120xi32, #tpu.memory_space<vmem>>
    %dma_wait3A_128 = arith.constant 0 : i32
    %dma_wait3A_129 = arith.constant 0 : i32
    %dma_wait3A_130 = tpu.memref_slice %arg5[%add3A, %dma_wait3A_111, %dma_wait3A_128, %dma_wait3A_129] : memref<32x42x2x120xi32, #tpu.memory_space<hbm>> -> memref<1x1x2x120xi32, #tpu.memory_space<hbm>>
    %dma_wait3A_131 = tpu.memref_squeeze %dma_wait3A_130 : memref<1x1x2x120xi32, #tpu.memory_space<hbm>> -> memref<2x120xi32, #tpu.memory_space<hbm>>
    tpu.wait_dma2 semaphore(%dma_wait3A_123 : memref<!tpu.dma_semaphore, #tpu.memory_space<semaphore_mem>>) src(%dma_wait3A_131 : memref<2x120xi32, #tpu.memory_space<hbm>>) dst(%dma_wait3A_127 : memref<2x120xi32, #tpu.memory_space<vmem>>)
    %dma_start3A_132 = arith.constant 0 : i32
    %dma_start3A_133 = arith.constant 0 : i32
    %dma_start3A_134 = arith.constant 0 : i32
    %dma_start3A_135 = arith.constant 0 : i32
    %dma_start3A_136 = arith.constant 0 : i32
    %dma_start3A_137 = arith.constant 0 : i32
    %dma_start3A_138 = tpu.memref_slice %arg9[%dma_start3A_134, %dma_start3A_136, %dma_start3A_137] : memref<3x120x128xf32, #tpu.memory_space<vmem>> -> memref<1x120x128xf32, #tpu.memory_space<vmem>>
    %dma_start3A_139 = tpu.memref_squeeze %dma_start3A_138 : memref<1x120x128xf32, #tpu.memory_space<vmem>> -> memref<120x128xf32, #tpu.memory_space<vmem>>
    %dma_start3A_140 = arith.constant 0 : i32
    %dma_start3A_141 = tpu.memref_slice %arg7[%dma_start3A_132, %dma_start3A_133, %dma_start3A_140] : memref<3x2x120xi32, #tpu.memory_space<vmem>> -> memref<1x1x120xi32, #tpu.memory_space<vmem>>
    %dma_start3A_142 = tpu.memref_squeeze %dma_start3A_141 : memref<1x1x120xi32, #tpu.memory_space<vmem>> -> memref<120xi32, #tpu.memory_space<vmem>>
    %dma_start3A_143 = arith.constant 0 : i32
    %dma_start3A_144 = arith.constant 0 : i32
    %dma_start3A_145 = tpu.memref_slice %arg2[%dma_start3A_143, %dma_start3A_144] : memref<10240x128xf32, #tpu.memory_space<hbm>> -> memref<10240x128xf32, #tpu.memory_space<hbm>>
    %dma_start3A_146 = tpu.memref_slice %arg11[%dma_start3A_135] : memref<3x!tpu.dma_semaphore, #tpu.memory_space<semaphore_mem>> -> memref<1x!tpu.dma_semaphore, #tpu.memory_space<semaphore_mem>>
    %dma_start3A_147 = tpu.memref_squeeze %dma_start3A_146 : memref<1x!tpu.dma_semaphore, #tpu.memory_space<semaphore_mem>> -> memref<!tpu.dma_semaphore, #tpu.memory_space<semaphore_mem>>
    tpu.enqueue_indirect_dma source(%dma_start3A_145 : memref<10240x128xf32, #tpu.memory_space<hbm>>) target(%dma_start3A_139 : memref<120x128xf32, #tpu.memory_space<vmem>>) offsets(%dma_start3A_142 : memref<120xi32, #tpu.memory_space<vmem>>) semaphore(%dma_start3A_147 : memref<!tpu.dma_semaphore, #tpu.memory_space<semaphore_mem>>)
    %scan3A = arith.constant 0 : i32
    %scan3A_148 = arith.constant 0 : i32
    %scan3A_149 = arith.constant 84 : i32
    %scan3A_150 = arith.addi %scan3A_148, %scan3A_149 : i32
    %scan3A_151 = arith.constant 1 : i32
    scf.for %scan3A_193 = %scan3A_148 to %scan3A_150 step %scan3A_151  : i32 {
      %rem3A_194 = arith.constant 3 : i32
      %rem3A_195 = arith.remsi %scan3A_193, %rem3A_194 : i32
      %rem3A_196 = arith.constant 2 : i32
      %rem3A_197 = arith.remsi %scan3A_193, %rem3A_196 : i32
      %jit3A = arith.constant 2 : i32
      %div3A = arith.divsi %scan3A_193, %jit3A : i32
      %sign3A = arith.constant 0 : i32
      %sign3A_198 = arith.cmpi sgt, %scan3A_193, %sign3A : i32
      %sign3A_199 = arith.extui %sign3A_198 : i1 to i32
      %sign3A_200 = arith.constant 0 : i32
      %sign3A_201 = arith.cmpi slt, %scan3A_193, %sign3A_200 : i32
      %sign3A_202 = arith.extui %sign3A_201 : i1 to i32
      %sign3A_203 = arith.subi %sign3A_199, %sign3A_202 : i32
      %sign3A_204 = arith.constant 0 : i32
      %sign3A_205 = arith.cmpi sgt, %jit3A, %sign3A_204 : i32
      %sign3A_206 = arith.extui %sign3A_205 : i1 to i32
      %sign3A_207 = arith.constant 0 : i32
      %sign3A_208 = arith.cmpi slt, %jit3A, %sign3A_207 : i32
      %sign3A_209 = arith.extui %sign3A_208 : i1 to i32
      %sign3A_210 = arith.subi %sign3A_206, %sign3A_209 : i32
      %ne3A = arith.cmpi ne, %sign3A_203, %sign3A_210 : i32
      %rem3A_211 = arith.remsi %scan3A_193, %jit3A : i32
      %ne3A_212 = arith.constant 0 : i32
      %ne3A_213 = arith.cmpi ne, %rem3A_211, %ne3A_212 : i32
      %and3A = arith.andi %ne3A, %ne3A_213 : i1
      %sub3A = arith.constant 1 : i32
      %sub3A_214 = arith.subi %div3A, %sub3A : i32
      %select_n3A = arith.select %and3A, %sub3A_214, %div3A : i32
      %rem3A_215 = arith.constant 3 : i32
      %rem3A_216 = arith.remsi %select_n3A, %rem3A_215 : i32
      %ge3A = arith.constant 2 : i32
      %ge3A_217 = arith.cmpi sge, %scan3A_193, %ge3A : i32
      %convert_element_type3A_218 = arith.extui %ge3A_217 : i1 to i32
      %cond3A_219 = arith.constant 0 : i32
      %cond3A_220 = arith.cmpi ne, %convert_element_type3A_218, %cond3A_219 : i32
      scf.if %cond3A_220 {
        %sub3A_256 = arith.constant 2 : i32
        %sub3A_257 = arith.subi %scan3A_193, %sub3A_256 : i32
        %jit3A_258 = arith.constant 2 : i32
        %div3A_259 = arith.divsi %sub3A_257, %jit3A_258 : i32
        %sign3A_260 = arith.constant 0 : i32
        %sign3A_261 = arith.cmpi sgt, %sub3A_257, %sign3A_260 : i32
        %sign3A_262 = arith.extui %sign3A_261 : i1 to i32
        %sign3A_263 = arith.constant 0 : i32
        %sign3A_264 = arith.cmpi slt, %sub3A_257, %sign3A_263 : i32
        %sign3A_265 = arith.extui %sign3A_264 : i1 to i32
        %sign3A_266 = arith.subi %sign3A_262, %sign3A_265 : i32
        %sign3A_267 = arith.constant 0 : i32
        %sign3A_268 = arith.cmpi sgt, %jit3A_258, %sign3A_267 : i32
        %sign3A_269 = arith.extui %sign3A_268 : i1 to i32
        %sign3A_270 = arith.constant 0 : i32
        %sign3A_271 = arith.cmpi slt, %jit3A_258, %sign3A_270 : i32
        %sign3A_272 = arith.extui %sign3A_271 : i1 to i32
        %sign3A_273 = arith.subi %sign3A_269, %sign3A_272 : i32
        %ne3A_274 = arith.cmpi ne, %sign3A_266, %sign3A_273 : i32
        %rem3A_275 = arith.remsi %sub3A_257, %jit3A_258 : i32
        %ne3A_276 = arith.constant 0 : i32
        %ne3A_277 = arith.cmpi ne, %rem3A_275, %ne3A_276 : i32
        %and3A_278 = arith.andi %ne3A_274, %ne3A_277 : i1
        %sub3A_279 = arith.constant 1 : i32
        %sub3A_280 = arith.subi %div3A_259, %sub3A_279 : i32
        %select_n3A_281 = arith.select %and3A_278, %sub3A_280, %div3A_259 : i32
        %rem3A_282 = arith.constant 3 : i32
        %rem3A_283 = arith.remsi %select_n3A_281, %rem3A_282 : i32
        %add3A_284 = arith.constant 1 : i32
        %add3A_285 = arith.addi %scan3A_193, %add3A_284 : i32
        %rem3A_286 = arith.constant 3 : i32
        %rem3A_287 = arith.remsi %add3A_285, %rem3A_286 : i32
        %dma_wait3A_288 = arith.constant 0 : i32
        %dma_wait3A_289 = arith.constant 0 : i32
        %dma_wait3A_290 = tpu.memref_slice %arg9[%rem3A_287, %dma_wait3A_288, %dma_wait3A_289] : memref<3x120x128xf32, #tpu.memory_space<vmem>> -> memref<1x120x128xf32, #tpu.memory_space<vmem>>
        %dma_wait3A_291 = tpu.memref_squeeze %dma_wait3A_290 : memref<1x120x128xf32, #tpu.memory_space<vmem>> -> memref<120x128xf32, #tpu.memory_space<vmem>>
        %dma_wait3A_292 = arith.constant 0 : i32
        %dma_wait3A_293 = tpu.memref_slice %arg8[%rem3A_283, %rem3A_197, %dma_wait3A_292] : memref<3x2x120xi32, #tpu.memory_space<vmem>> -> memref<1x1x120xi32, #tpu.memory_space<vmem>>
        %dma_wait3A_294 = tpu.memref_squeeze %dma_wait3A_293 : memref<1x1x120xi32, #tpu.memory_space<vmem>> -> memref<120xi32, #tpu.memory_space<vmem>>
        %dma_wait3A_295 = arith.constant 0 : i32
        %dma_wait3A_296 = arith.constant 0 : i32
        %dma_wait3A_297 = tpu.memref_slice %arg13[%dma_wait3A_295, %dma_wait3A_296] : memref<10240x128xf32, #tpu.memory_space<vmem_shared>> -> memref<10240x128xf32, #tpu.memory_space<vmem_shared>>
        %dma_wait3A_298 = tpu.memref_slice %arg12[%rem3A_287] : memref<3x!tpu.dma_semaphore, #tpu.memory_space<semaphore_mem>> -> memref<1x!tpu.dma_semaphore, #tpu.memory_space<semaphore_mem>>
        %dma_wait3A_299 = tpu.memref_squeeze %dma_wait3A_298 : memref<1x!tpu.dma_semaphore, #tpu.memory_space<semaphore_mem>> -> memref<!tpu.dma_semaphore, #tpu.memory_space<semaphore_mem>>
        tpu.wait_indirect_dma semaphore(%dma_wait3A_299 : memref<!tpu.dma_semaphore, #tpu.memory_space<semaphore_mem>>) src(%dma_wait3A_291 : memref<120x128xf32, #tpu.memory_space<vmem>>) dst(%dma_wait3A_297 : memref<10240x128xf32, #tpu.memory_space<vmem_shared>>)
      } else {
      }
      %eq3A_221 = arith.constant 1 : i32
      %eq3A_222 = arith.cmpi eq, %rem3A_197, %eq3A_221 : i32
      %convert_element_type3A_223 = arith.extui %eq3A_222 : i1 to i32
      %cond3A_224 = arith.constant 0 : i32
      %cond3A_225 = arith.cmpi ne, %convert_element_type3A_223, %cond3A_224 : i32
      scf.if %cond3A_225 {
        %add3A_256 = arith.constant 3 : i32
        %add3A_257 = arith.addi %scan3A_193, %add3A_256 : i32
        %jit3A_258 = arith.constant 2 : i32
        %div3A_259 = arith.divsi %add3A_257, %jit3A_258 : i32
        %sign3A_260 = arith.constant 0 : i32
        %sign3A_261 = arith.cmpi sgt, %add3A_257, %sign3A_260 : i32
        %sign3A_262 = arith.extui %sign3A_261 : i1 to i32
        %sign3A_263 = arith.constant 0 : i32
        %sign3A_264 = arith.cmpi slt, %add3A_257, %sign3A_263 : i32
        %sign3A_265 = arith.extui %sign3A_264 : i1 to i32
        %sign3A_266 = arith.subi %sign3A_262, %sign3A_265 : i32
        %sign3A_267 = arith.constant 0 : i32
        %sign3A_268 = arith.cmpi sgt, %jit3A_258, %sign3A_267 : i32
        %sign3A_269 = arith.extui %sign3A_268 : i1 to i32
        %sign3A_270 = arith.constant 0 : i32
        %sign3A_271 = arith.cmpi slt, %jit3A_258, %sign3A_270 : i32
        %sign3A_272 = arith.extui %sign3A_271 : i1 to i32
        %sign3A_273 = arith.subi %sign3A_269, %sign3A_272 : i32
        %ne3A_274 = arith.cmpi ne, %sign3A_266, %sign3A_273 : i32
        %rem3A_275 = arith.remsi %add3A_257, %jit3A_258 : i32
        %ne3A_276 = arith.constant 0 : i32
        %ne3A_277 = arith.cmpi ne, %rem3A_275, %ne3A_276 : i32
        %and3A_278 = arith.andi %ne3A_274, %ne3A_277 : i1
        %sub3A_279 = arith.constant 1 : i32
        %sub3A_280 = arith.subi %div3A_259, %sub3A_279 : i32
        %select_n3A_281 = arith.select %and3A_278, %sub3A_280, %div3A_259 : i32
        %lt3A_282 = arith.constant 42 : i32
        %lt3A_283 = arith.cmpi slt, %select_n3A_281, %lt3A_282 : i32
        %convert_element_type3A_284 = arith.extui %lt3A_283 : i1 to i32
        %cond3A_285 = arith.constant 0 : i32
        %cond3A_286 = arith.cmpi ne, %convert_element_type3A_284, %cond3A_285 : i32
        scf.if %cond3A_286 {
          %rem3A_294 = arith.constant 3 : i32
          %rem3A_295 = arith.remsi %select_n3A_281, %rem3A_294 : i32
          %dma_start3A_296 = arith.constant 0 : i32
          %dma_start3A_297 = arith.constant 0 : i32
          %dma_start3A_298 = tpu.memref_slice %arg7[%rem3A_295, %dma_start3A_296, %dma_start3A_297] : memref<3x2x120xi32, #tpu.memory_space<vmem>> -> memref<1x2x120xi32, #tpu.memory_space<vmem>>
          %dma_start3A_299 = tpu.memref_squeeze %dma_start3A_298 : memref<1x2x120xi32, #tpu.memory_space<vmem>> -> memref<2x120xi32, #tpu.memory_space<vmem>>
          %dma_start3A_300 = arith.constant 0 : i32
          %dma_start3A_301 = arith.constant 0 : i32
          %dma_start3A_302 = tpu.memref_slice %arg4[%add3A, %select_n3A_281, %dma_start3A_300, %dma_start3A_301] : memref<32x42x2x120xi32, #tpu.memory_space<hbm>> -> memref<1x1x2x120xi32, #tpu.memory_space<hbm>>
          %dma_start3A_303 = tpu.memref_squeeze %dma_start3A_302 : memref<1x1x2x120xi32, #tpu.memory_space<hbm>> -> memref<2x120xi32, #tpu.memory_space<hbm>>
          %dma_start3A_304 = tpu.memref_slice %arg10[%rem3A_295] : memref<3x!tpu.dma_semaphore, #tpu.memory_space<semaphore_mem>> -> memref<1x!tpu.dma_semaphore, #tpu.memory_space<semaphore_mem>>
          %dma_start3A_305 = tpu.memref_squeeze %dma_start3A_304 : memref<1x!tpu.dma_semaphore, #tpu.memory_space<semaphore_mem>> -> memref<!tpu.dma_semaphore, #tpu.memory_space<semaphore_mem>>
          %dma_start3A_306 = arith.constant 0 : i32
          %dma_start3A_307 = arith.constant 0 : i32
          %dma_start3A_308 = tpu.memref_slice %arg7[%rem3A_295, %dma_start3A_306, %dma_start3A_307] : memref<3x2x120xi32, #tpu.memory_space<vmem>> -> memref<1x2x120xi32, #tpu.memory_space<vmem>>
          %dma_start3A_309 = tpu.memref_squeeze %dma_start3A_308 : memref<1x2x120xi32, #tpu.memory_space<vmem>> -> memref<2x120xi32, #tpu.memory_space<vmem>>
          %dma_start3A_310 = arith.constant 0 : i32
          %dma_start3A_311 = arith.constant 0 : i32
          %dma_start3A_312 = tpu.memref_slice %arg4[%add3A, %select_n3A_281, %dma_start3A_310, %dma_start3A_311] : memref<32x42x2x120xi32, #tpu.memory_space<hbm>> -> memref<1x1x2x120xi32, #tpu.memory_space<hbm>>
          %dma_start3A_313 = tpu.memref_squeeze %dma_start3A_312 : memref<1x1x2x120xi32, #tpu.memory_space<hbm>> -> memref<2x120xi32, #tpu.memory_space<hbm>>
          tpu.enqueue_dma source(%dma_start3A_313 : memref<2x120xi32, #tpu.memory_space<hbm>>) target(%dma_start3A_309 : memref<2x120xi32, #tpu.memory_space<vmem>>) target_semaphore(%dma_start3A_305 : memref<!tpu.dma_semaphore, #tpu.memory_space<semaphore_mem>>)
          %dma_start3A_314 = arith.constant 0 : i32
          %dma_start3A_315 = arith.constant 0 : i32
          %dma_start3A_316 = tpu.memref_slice %arg8[%rem3A_295, %dma_start3A_314, %dma_start3A_315] : memref<3x2x120xi32, #tpu.memory_space<vmem>> -> memref<1x2x120xi32, #tpu.memory_space<vmem>>
          %dma_start3A_317 = tpu.memref_squeeze %dma_start3A_316 : memref<1x2x120xi32, #tpu.memory_space<vmem>> -> memref<2x120xi32, #tpu.memory_space<vmem>>
          %dma_start3A_318 = arith.constant 0 : i32
          %dma_start3A_319 = arith.constant 0 : i32
          %dma_start3A_320 = tpu.memref_slice %arg5[%add3A, %select_n3A_281, %dma_start3A_318, %dma_start3A_319] : memref<32x42x2x120xi32, #tpu.memory_space<hbm>> -> memref<1x1x2x120xi32, #tpu.memory_space<hbm>>
          %dma_start3A_321 = tpu.memref_squeeze %dma_start3A_320 : memref<1x1x2x120xi32, #tpu.memory_space<hbm>> -> memref<2x120xi32, #tpu.memory_space<hbm>>
          %dma_start3A_322 = tpu.memref_slice %arg10[%rem3A_295] : memref<3x!tpu.dma_semaphore, #tpu.memory_space<semaphore_mem>> -> memref<1x!tpu.dma_semaphore, #tpu.memory_space<semaphore_mem>>
          %dma_start3A_323 = tpu.memref_squeeze %dma_start3A_322 : memref<1x!tpu.dma_semaphore, #tpu.memory_space<semaphore_mem>> -> memref<!tpu.dma_semaphore, #tpu.memory_space<semaphore_mem>>
          %dma_start3A_324 = arith.constant 0 : i32
          %dma_start3A_325 = arith.constant 0 : i32
          %dma_start3A_326 = tpu.memref_slice %arg8[%rem3A_295, %dma_start3A_324, %dma_start3A_325] : memref<3x2x120xi32, #tpu.memory_space<vmem>> -> memref<1x2x120xi32, #tpu.memory_space<vmem>>
          %dma_start3A_327 = tpu.memref_squeeze %dma_start3A_326 : memref<1x2x120xi32, #tpu.memory_space<vmem>> -> memref<2x120xi32, #tpu.memory_space<vmem>>
          %dma_start3A_328 = arith.constant 0 : i32
          %dma_start3A_329 = arith.constant 0 : i32
          %dma_start3A_330 = tpu.memref_slice %arg5[%add3A, %select_n3A_281, %dma_start3A_328, %dma_start3A_329] : memref<32x42x2x120xi32, #tpu.memory_space<hbm>> -> memref<1x1x2x120xi32, #tpu.memory_space<hbm>>
          %dma_start3A_331 = tpu.memref_squeeze %dma_start3A_330 : memref<1x1x2x120xi32, #tpu.memory_space<hbm>> -> memref<2x120xi32, #tpu.memory_space<hbm>>
          tpu.enqueue_dma source(%dma_start3A_331 : memref<2x120xi32, #tpu.memory_space<hbm>>) target(%dma_start3A_327 : memref<2x120xi32, #tpu.memory_space<vmem>>) target_semaphore(%dma_start3A_323 : memref<!tpu.dma_semaphore, #tpu.memory_space<semaphore_mem>>)
        } else {
        }
        %add3A_287 = arith.constant 1 : i32
        %add3A_288 = arith.addi %select_n3A, %add3A_287 : i32
        %lt3A_289 = arith.constant 42 : i32
        %lt3A_290 = arith.cmpi slt, %add3A_288, %lt3A_289 : i32
        %convert_element_type3A_291 = arith.extui %lt3A_290 : i1 to i32
        %cond3A_292 = arith.constant 0 : i32
        %cond3A_293 = arith.cmpi ne, %convert_element_type3A_291, %cond3A_292 : i32
        scf.if %cond3A_293 {
          %add3A_294 = arith.constant 1 : i32
          %add3A_295 = arith.addi %select_n3A, %add3A_294 : i32
          %add3A_296 = arith.constant 1 : i32
          %add3A_297 = arith.addi %select_n3A, %add3A_296 : i32
          %rem3A_298 = arith.constant 3 : i32
          %rem3A_299 = arith.remsi %add3A_297, %rem3A_298 : i32
          %dma_wait3A_300 = arith.constant 0 : i32
          %dma_wait3A_301 = arith.constant 0 : i32
          %dma_wait3A_302 = tpu.memref_slice %arg7[%rem3A_299, %dma_wait3A_300, %dma_wait3A_301] : memref<3x2x120xi32, #tpu.memory_space<vmem>> -> memref<1x2x120xi32, #tpu.memory_space<vmem>>
          %dma_wait3A_303 = tpu.memref_squeeze %dma_wait3A_302 : memref<1x2x120xi32, #tpu.memory_space<vmem>> -> memref<2x120xi32, #tpu.memory_space<vmem>>
          %dma_wait3A_304 = arith.constant 0 : i32
          %dma_wait3A_305 = arith.constant 0 : i32
          %dma_wait3A_306 = tpu.memref_slice %arg4[%add3A, %add3A_295, %dma_wait3A_304, %dma_wait3A_305] : memref<32x42x2x120xi32, #tpu.memory_space<hbm>> -> memref<1x1x2x120xi32, #tpu.memory_space<hbm>>
          %dma_wait3A_307 = tpu.memref_squeeze %dma_wait3A_306 : memref<1x1x2x120xi32, #tpu.memory_space<hbm>> -> memref<2x120xi32, #tpu.memory_space<hbm>>
          %dma_wait3A_308 = tpu.memref_slice %arg10[%rem3A_299] : memref<3x!tpu.dma_semaphore, #tpu.memory_space<semaphore_mem>> -> memref<1x!tpu.dma_semaphore, #tpu.memory_space<semaphore_mem>>
          %dma_wait3A_309 = tpu.memref_squeeze %dma_wait3A_308 : memref<1x!tpu.dma_semaphore, #tpu.memory_space<semaphore_mem>> -> memref<!tpu.dma_semaphore, #tpu.memory_space<semaphore_mem>>
          %dma_wait3A_310 = arith.constant 0 : i32
          %dma_wait3A_311 = arith.constant 0 : i32
          %dma_wait3A_312 = tpu.memref_slice %arg7[%rem3A_299, %dma_wait3A_310, %dma_wait3A_311] : memref<3x2x120xi32, #tpu.memory_space<vmem>> -> memref<1x2x120xi32, #tpu.memory_space<vmem>>
          %dma_wait3A_313 = tpu.memref_squeeze %dma_wait3A_312 : memref<1x2x120xi32, #tpu.memory_space<vmem>> -> memref<2x120xi32, #tpu.memory_space<vmem>>
          %dma_wait3A_314 = arith.constant 0 : i32
          %dma_wait3A_315 = arith.constant 0 : i32
          %dma_wait3A_316 = tpu.memref_slice %arg4[%add3A, %add3A_295, %dma_wait3A_314, %dma_wait3A_315] : memref<32x42x2x120xi32, #tpu.memory_space<hbm>> -> memref<1x1x2x120xi32, #tpu.memory_space<hbm>>
          %dma_wait3A_317 = tpu.memref_squeeze %dma_wait3A_316 : memref<1x1x2x120xi32, #tpu.memory_space<hbm>> -> memref<2x120xi32, #tpu.memory_space<hbm>>
          tpu.wait_dma2 semaphore(%dma_wait3A_309 : memref<!tpu.dma_semaphore, #tpu.memory_space<semaphore_mem>>) src(%dma_wait3A_317 : memref<2x120xi32, #tpu.memory_space<hbm>>) dst(%dma_wait3A_313 : memref<2x120xi32, #tpu.memory_space<vmem>>)
          %dma_wait3A_318 = arith.constant 0 : i32
          %dma_wait3A_319 = arith.constant 0 : i32
          %dma_wait3A_320 = tpu.memref_slice %arg8[%rem3A_299, %dma_wait3A_318, %dma_wait3A_319] : memref<3x2x120xi32, #tpu.memory_space<vmem>> -> memref<1x2x120xi32, #tpu.memory_space<vmem>>
          %dma_wait3A_321 = tpu.memref_squeeze %dma_wait3A_320 : memref<1x2x120xi32, #tpu.memory_space<vmem>> -> memref<2x120xi32, #tpu.memory_space<vmem>>
          %dma_wait3A_322 = arith.constant 0 : i32
          %dma_wait3A_323 = arith.constant 0 : i32
          %dma_wait3A_324 = tpu.memref_slice %arg5[%add3A, %add3A_295, %dma_wait3A_322, %dma_wait3A_323] : memref<32x42x2x120xi32, #tpu.memory_space<hbm>> -> memref<1x1x2x120xi32, #tpu.memory_space<hbm>>
          %dma_wait3A_325 = tpu.memref_squeeze %dma_wait3A_324 : memref<1x1x2x120xi32, #tpu.memory_space<hbm>> -> memref<2x120xi32, #tpu.memory_space<hbm>>
          %dma_wait3A_326 = tpu.memref_slice %arg10[%rem3A_299] : memref<3x!tpu.dma_semaphore, #tpu.memory_space<semaphore_mem>> -> memref<1x!tpu.dma_semaphore, #tpu.memory_space<semaphore_mem>>
          %dma_wait3A_327 = tpu.memref_squeeze %dma_wait3A_326 : memref<1x!tpu.dma_semaphore, #tpu.memory_space<semaphore_mem>> -> memref<!tpu.dma_semaphore, #tpu.memory_space<semaphore_mem>>
          %dma_wait3A_328 = arith.constant 0 : i32
          %dma_wait3A_329 = arith.constant 0 : i32
          %dma_wait3A_330 = tpu.memref_slice %arg8[%rem3A_299, %dma_wait3A_328, %dma_wait3A_329] : memref<3x2x120xi32, #tpu.memory_space<vmem>> -> memref<1x2x120xi32, #tpu.memory_space<vmem>>
          %dma_wait3A_331 = tpu.memref_squeeze %dma_wait3A_330 : memref<1x2x120xi32, #tpu.memory_space<vmem>> -> memref<2x120xi32, #tpu.memory_space<vmem>>
          %dma_wait3A_332 = arith.constant 0 : i32
          %dma_wait3A_333 = arith.constant 0 : i32
          %dma_wait3A_334 = tpu.memref_slice %arg5[%add3A, %add3A_295, %dma_wait3A_332, %dma_wait3A_333] : memref<32x42x2x120xi32, #tpu.memory_space<hbm>> -> memref<1x1x2x120xi32, #tpu.memory_space<hbm>>
          %dma_wait3A_335 = tpu.memref_squeeze %dma_wait3A_334 : memref<1x1x2x120xi32, #tpu.memory_space<hbm>> -> memref<2x120xi32, #tpu.memory_space<hbm>>
          tpu.wait_dma2 semaphore(%dma_wait3A_327 : memref<!tpu.dma_semaphore, #tpu.memory_space<semaphore_mem>>) src(%dma_wait3A_335 : memref<2x120xi32, #tpu.memory_space<hbm>>) dst(%dma_wait3A_331 : memref<2x120xi32, #tpu.memory_space<vmem>>)
        } else {
        }
      } else {
      }
      %add3A_226 = arith.constant 1 : i32
      %add3A_227 = arith.addi %scan3A_193, %add3A_226 : i32
      %lt3A = arith.constant 84 : i32
      %lt3A_228 = arith.cmpi slt, %add3A_227, %lt3A : i32
      %convert_element_type3A_229 = arith.extui %lt3A_228 : i1 to i32
      %cond3A_230 = arith.constant 0 : i32
      %cond3A_231 = arith.cmpi ne, %convert_element_type3A_229, %cond3A_230 : i32
      scf.if %cond3A_231 {
        %add3A_256 = arith.constant 1 : i32
        %add3A_257 = arith.addi %scan3A_193, %add3A_256 : i32
        %jit3A_258 = arith.constant 2 : i32
        %div3A_259 = arith.divsi %add3A_257, %jit3A_258 : i32
        %sign3A_260 = arith.constant 0 : i32
        %sign3A_261 = arith.cmpi sgt, %add3A_257, %sign3A_260 : i32
        %sign3A_262 = arith.extui %sign3A_261 : i1 to i32
        %sign3A_263 = arith.constant 0 : i32
        %sign3A_264 = arith.cmpi slt, %add3A_257, %sign3A_263 : i32
        %sign3A_265 = arith.extui %sign3A_264 : i1 to i32
        %sign3A_266 = arith.subi %sign3A_262, %sign3A_265 : i32
        %sign3A_267 = arith.constant 0 : i32
        %sign3A_268 = arith.cmpi sgt, %jit3A_258, %sign3A_267 : i32
        %sign3A_269 = arith.extui %sign3A_268 : i1 to i32
        %sign3A_270 = arith.constant 0 : i32
        %sign3A_271 = arith.cmpi slt, %jit3A_258, %sign3A_270 : i32
        %sign3A_272 = arith.extui %sign3A_271 : i1 to i32
        %sign3A_273 = arith.subi %sign3A_269, %sign3A_272 : i32
        %ne3A_274 = arith.cmpi ne, %sign3A_266, %sign3A_273 : i32
        %rem3A_275 = arith.remsi %add3A_257, %jit3A_258 : i32
        %ne3A_276 = arith.constant 0 : i32
        %ne3A_277 = arith.cmpi ne, %rem3A_275, %ne3A_276 : i32
        %and3A_278 = arith.andi %ne3A_274, %ne3A_277 : i1
        %sub3A_279 = arith.constant 1 : i32
        %sub3A_280 = arith.subi %div3A_259, %sub3A_279 : i32
        %select_n3A_281 = arith.select %and3A_278, %sub3A_280, %div3A_259 : i32
        %rem3A_282 = arith.constant 3 : i32
        %rem3A_283 = arith.remsi %select_n3A_281, %rem3A_282 : i32
        %add3A_284 = arith.constant 1 : i32
        %add3A_285 = arith.addi %scan3A_193, %add3A_284 : i32
        %rem3A_286 = arith.constant 2 : i32
        %rem3A_287 = arith.remsi %add3A_285, %rem3A_286 : i32
        %add3A_288 = arith.constant 1 : i32
        %add3A_289 = arith.addi %scan3A_193, %add3A_288 : i32
        %rem3A_290 = arith.constant 3 : i32
        %rem3A_291 = arith.remsi %add3A_289, %rem3A_290 : i32
        %dma_start3A_292 = arith.constant 0 : i32
        %dma_start3A_293 = arith.constant 0 : i32
        %dma_start3A_294 = tpu.memref_slice %arg9[%rem3A_291, %dma_start3A_292, %dma_start3A_293] : memref<3x120x128xf32, #tpu.memory_space<vmem>> -> memref<1x120x128xf32, #tpu.memory_space<vmem>>
        %dma_start3A_295 = tpu.memref_squeeze %dma_start3A_294 : memref<1x120x128xf32, #tpu.memory_space<vmem>> -> memref<120x128xf32, #tpu.memory_space<vmem>>
        %dma_start3A_296 = arith.constant 0 : i32
        %dma_start3A_297 = tpu.memref_slice %arg7[%rem3A_283, %rem3A_287, %dma_start3A_296] : memref<3x2x120xi32, #tpu.memory_space<vmem>> -> memref<1x1x120xi32, #tpu.memory_space<vmem>>
        %dma_start3A_298 = tpu.memref_squeeze %dma_start3A_297 : memref<1x1x120xi32, #tpu.memory_space<vmem>> -> memref<120xi32, #tpu.memory_space<vmem>>
        %dma_start3A_299 = arith.constant 0 : i32
        %dma_start3A_300 = arith.constant 0 : i32
        %dma_start3A_301 = tpu.memref_slice %arg2[%dma_start3A_299, %dma_start3A_300] : memref<10240x128xf32, #tpu.memory_space<hbm>> -> memref<10240x128xf32, #tpu.memory_space<hbm>>
        %dma_start3A_302 = tpu.memref_slice %arg11[%rem3A_291] : memref<3x!tpu.dma_semaphore, #tpu.memory_space<semaphore_mem>> -> memref<1x!tpu.dma_semaphore, #tpu.memory_space<semaphore_mem>>
        %dma_start3A_303 = tpu.memref_squeeze %dma_start3A_302 : memref<1x!tpu.dma_semaphore, #tpu.memory_space<semaphore_mem>> -> memref<!tpu.dma_semaphore, #tpu.memory_space<semaphore_mem>>
        tpu.enqueue_indirect_dma source(%dma_start3A_301 : memref<10240x128xf32, #tpu.memory_space<hbm>>) target(%dma_start3A_295 : memref<120x128xf32, #tpu.memory_space<vmem>>) offsets(%dma_start3A_298 : memref<120xi32, #tpu.memory_space<vmem>>) semaphore(%dma_start3A_303 : memref<!tpu.dma_semaphore, #tpu.memory_space<semaphore_mem>>)
      } else {
      }
      %dma_wait3A_232 = arith.constant 0 : i32
      %dma_wait3A_233 = arith.constant 0 : i32
      %dma_wait3A_234 = tpu.memref_slice %arg9[%rem3A_195, %dma_wait3A_232, %dma_wait3A_233] : memref<3x120x128xf32, #tpu.memory_space<vmem>> -> memref<1x120x128xf32, #tpu.memory_space<vmem>>
      %dma_wait3A_235 = tpu.memref_squeeze %dma_wait3A_234 : memref<1x120x128xf32, #tpu.memory_space<vmem>> -> memref<120x128xf32, #tpu.memory_space<vmem>>
      %dma_wait3A_236 = arith.constant 0 : i32
      %dma_wait3A_237 = tpu.memref_slice %arg7[%rem3A_216, %rem3A_197, %dma_wait3A_236] : memref<3x2x120xi32, #tpu.memory_space<vmem>> -> memref<1x1x120xi32, #tpu.memory_space<vmem>>
      %dma_wait3A_238 = tpu.memref_squeeze %dma_wait3A_237 : memref<1x1x120xi32, #tpu.memory_space<vmem>> -> memref<120xi32, #tpu.memory_space<vmem>>
      %dma_wait3A_239 = arith.constant 0 : i32
      %dma_wait3A_240 = arith.constant 0 : i32
      %dma_wait3A_241 = tpu.memref_slice %arg2[%dma_wait3A_239, %dma_wait3A_240] : memref<10240x128xf32, #tpu.memory_space<hbm>> -> memref<10240x128xf32, #tpu.memory_space<hbm>>
      %dma_wait3A_242 = tpu.memref_slice %arg11[%rem3A_195] : memref<3x!tpu.dma_semaphore, #tpu.memory_space<semaphore_mem>> -> memref<1x!tpu.dma_semaphore, #tpu.memory_space<semaphore_mem>>
      %dma_wait3A_243 = tpu.memref_squeeze %dma_wait3A_242 : memref<1x!tpu.dma_semaphore, #tpu.memory_space<semaphore_mem>> -> memref<!tpu.dma_semaphore, #tpu.memory_space<semaphore_mem>>
      tpu.wait_indirect_dma semaphore(%dma_wait3A_243 : memref<!tpu.dma_semaphore, #tpu.memory_space<semaphore_mem>>) src(%dma_wait3A_241 : memref<10240x128xf32, #tpu.memory_space<hbm>>) dst(%dma_wait3A_235 : memref<120x128xf32, #tpu.memory_space<vmem>>)
      %dma_start3A_244 = arith.constant 0 : i32
      %dma_start3A_245 = arith.constant 0 : i32
      %dma_start3A_246 = tpu.memref_slice %arg9[%rem3A_195, %dma_start3A_244, %dma_start3A_245] : memref<3x120x128xf32, #tpu.memory_space<vmem>> -> memref<1x120x128xf32, #tpu.memory_space<vmem>>
      %dma_start3A_247 = tpu.memref_squeeze %dma_start3A_246 : memref<1x120x128xf32, #tpu.memory_space<vmem>> -> memref<120x128xf32, #tpu.memory_space<vmem>>
      %dma_start3A_248 = arith.constant 0 : i32
      %dma_start3A_249 = tpu.memref_slice %arg8[%rem3A_216, %rem3A_197, %dma_start3A_248] : memref<3x2x120xi32, #tpu.memory_space<vmem>> -> memref<1x1x120xi32, #tpu.memory_space<vmem>>
      %dma_start3A_250 = tpu.memref_squeeze %dma_start3A_249 : memref<1x1x120xi32, #tpu.memory_space<vmem>> -> memref<120xi32, #tpu.memory_space<vmem>>
      %dma_start3A_251 = arith.constant 0 : i32
      %dma_start3A_252 = arith.constant 0 : i32
      %dma_start3A_253 = tpu.memref_slice %arg13[%dma_start3A_251, %dma_start3A_252] : memref<10240x128xf32, #tpu.memory_space<vmem_shared>> -> memref<10240x128xf32, #tpu.memory_space<vmem_shared>>
      %dma_start3A_254 = tpu.memref_slice %arg12[%rem3A_195] : memref<3x!tpu.dma_semaphore, #tpu.memory_space<semaphore_mem>> -> memref<1x!tpu.dma_semaphore, #tpu.memory_space<semaphore_mem>>
      %dma_start3A_255 = tpu.memref_squeeze %dma_start3A_254 : memref<1x!tpu.dma_semaphore, #tpu.memory_space<semaphore_mem>> -> memref<!tpu.dma_semaphore, #tpu.memory_space<semaphore_mem>>
      tpu.enqueue_indirect_dma source(%dma_start3A_247 : memref<120x128xf32, #tpu.memory_space<vmem>>) target(%dma_start3A_253 : memref<10240x128xf32, #tpu.memory_space<vmem_shared>>) offsets(%dma_start3A_250 : memref<120xi32, #tpu.memory_space<vmem>>) semaphore(%dma_start3A_255 : memref<!tpu.dma_semaphore, #tpu.memory_space<semaphore_mem>>) {add = true}
    }
    %scan3A_152 = arith.constant 84 : i32
    %rem3A = arith.constant 41 : i32
    %rem3A_153 = arith.constant 3 : i32
    %rem3A_154 = arith.remsi %rem3A, %rem3A_153 : i32
    %dma_wait3A_155 = arith.constant 1 : i32
    %dma_wait3A_156 = arith.constant 0 : i32
    %dma_wait3A_157 = arith.constant 1 : i32
    %dma_wait3A_158 = arith.constant 0 : i32
    %dma_wait3A_159 = arith.constant 0 : i32
    %dma_wait3A_160 = tpu.memref_slice %arg9[%dma_wait3A_155, %dma_wait3A_158, %dma_wait3A_159] : memref<3x120x128xf32, #tpu.memory_space<vmem>> -> memref<1x120x128xf32, #tpu.memory_space<vmem>>
    %dma_wait3A_161 = tpu.memref_squeeze %dma_wait3A_160 : memref<1x120x128xf32, #tpu.memory_space<vmem>> -> memref<120x128xf32, #tpu.memory_space<vmem>>
    %dma_wait3A_162 = arith.constant 0 : i32
    %dma_wait3A_163 = tpu.memref_slice %arg8[%rem3A_154, %dma_wait3A_156, %dma_wait3A_162] : memref<3x2x120xi32, #tpu.memory_space<vmem>> -> memref<1x1x120xi32, #tpu.memory_space<vmem>>
    %dma_wait3A_164 = tpu.memref_squeeze %dma_wait3A_163 : memref<1x1x120xi32, #tpu.memory_space<vmem>> -> memref<120xi32, #tpu.memory_space<vmem>>
    %dma_wait3A_165 = arith.constant 0 : i32
    %dma_wait3A_166 = arith.constant 0 : i32
    %dma_wait3A_167 = tpu.memref_slice %arg13[%dma_wait3A_165, %dma_wait3A_166] : memref<10240x128xf32, #tpu.memory_space<vmem_shared>> -> memref<10240x128xf32, #tpu.memory_space<vmem_shared>>
    %dma_wait3A_168 = tpu.memref_slice %arg12[%dma_wait3A_157] : memref<3x!tpu.dma_semaphore, #tpu.memory_space<semaphore_mem>> -> memref<1x!tpu.dma_semaphore, #tpu.memory_space<semaphore_mem>>
    %dma_wait3A_169 = tpu.memref_squeeze %dma_wait3A_168 : memref<1x!tpu.dma_semaphore, #tpu.memory_space<semaphore_mem>> -> memref<!tpu.dma_semaphore, #tpu.memory_space<semaphore_mem>>
    tpu.wait_indirect_dma semaphore(%dma_wait3A_169 : memref<!tpu.dma_semaphore, #tpu.memory_space<semaphore_mem>>) src(%dma_wait3A_161 : memref<120x128xf32, #tpu.memory_space<vmem>>) dst(%dma_wait3A_167 : memref<10240x128xf32, #tpu.memory_space<vmem_shared>>)
    %rem3A_170 = arith.constant 41 : i32
    %rem3A_171 = arith.constant 3 : i32
    %rem3A_172 = arith.remsi %rem3A_170, %rem3A_171 : i32
    %dma_wait3A_173 = arith.constant 2 : i32
    %dma_wait3A_174 = arith.constant 1 : i32
    %dma_wait3A_175 = arith.constant 2 : i32
    %dma_wait3A_176 = arith.constant 0 : i32
    %dma_wait3A_177 = arith.constant 0 : i32
    %dma_wait3A_178 = tpu.memref_slice %arg9[%dma_wait3A_173, %dma_wait3A_176, %dma_wait3A_177] : memref<3x120x128xf32, #tpu.memory_space<vmem>> -> memref<1x120x128xf32, #tpu.memory_space<vmem>>
    %dma_wait3A_179 = tpu.memref_squeeze %dma_wait3A_178 : memref<1x120x128xf32, #tpu.memory_space<vmem>> -> memref<120x128xf32, #tpu.memory_space<vmem>>
    %dma_wait3A_180 = arith.constant 0 : i32
    %dma_wait3A_181 = tpu.memref_slice %arg8[%rem3A_172, %dma_wait3A_174, %dma_wait3A_180] : memref<3x2x120xi32, #tpu.memory_space<vmem>> -> memref<1x1x120xi32, #tpu.memory_space<vmem>>
    %dma_wait3A_182 = tpu.memref_squeeze %dma_wait3A_181 : memref<1x1x120xi32, #tpu.memory_space<vmem>> -> memref<120xi32, #tpu.memory_space<vmem>>
    %dma_wait3A_183 = arith.constant 0 : i32
    %dma_wait3A_184 = arith.constant 0 : i32
    %dma_wait3A_185 = tpu.memref_slice %arg13[%dma_wait3A_183, %dma_wait3A_184] : memref<10240x128xf32, #tpu.memory_space<vmem_shared>> -> memref<10240x128xf32, #tpu.memory_space<vmem_shared>>
    %dma_wait3A_186 = tpu.memref_slice %arg12[%dma_wait3A_175] : memref<3x!tpu.dma_semaphore, #tpu.memory_space<semaphore_mem>> -> memref<1x!tpu.dma_semaphore, #tpu.memory_space<semaphore_mem>>
    %dma_wait3A_187 = tpu.memref_squeeze %dma_wait3A_186 : memref<1x!tpu.dma_semaphore, #tpu.memory_space<semaphore_mem>> -> memref<!tpu.dma_semaphore, #tpu.memory_space<semaphore_mem>>
    tpu.wait_indirect_dma semaphore(%dma_wait3A_187 : memref<!tpu.dma_semaphore, #tpu.memory_space<semaphore_mem>>) src(%dma_wait3A_179 : memref<120x128xf32, #tpu.memory_space<vmem>>) dst(%dma_wait3A_185 : memref<10240x128xf32, #tpu.memory_space<vmem_shared>>)
    %barrier3A_188 = arith.constant 0 : index
    tpu.barrier barrier_id(%barrier3A_188)
    %mul3A_189 = arith.constant 640 : i32
    %mul3A_190 = arith.muli %arg1, %mul3A_189 : i32
    %mul3A_191 = arith.constant 640 : i32
    %mul3A_192 = arith.muli %arg1, %mul3A_191 : i32
    "tpu.region"() ({
      %run_scoped3A = tpu.sem_alloc : memref<!tpu.dma_semaphore, #tpu.memory_space<semaphore_mem>>
      %dma_start3A_193 = arith.constant 0 : i32
      %dma_start3A_194 = tpu.memref_slice %arg6[%arg0, %mul3A_192, %dma_start3A_193] : memref<2x10240x128xf32, #tpu.memory_space<hbm>> -> memref<1x640x128xf32, #tpu.memory_space<hbm>>
      %dma_start3A_195 = tpu.memref_squeeze %dma_start3A_194 : memref<1x640x128xf32, #tpu.memory_space<hbm>> -> memref<640x128xf32, #tpu.memory_space<hbm>>
      %dma_start3A_196 = arith.constant 0 : i32
      %dma_start3A_197 = tpu.memref_slice %arg13[%mul3A_190, %dma_start3A_196] : memref<10240x128xf32, #tpu.memory_space<vmem_shared>> -> memref<640x128xf32, #tpu.memory_space<vmem_shared>>
      tpu.enqueue_dma source(%dma_start3A_197 : memref<640x128xf32, #tpu.memory_space<vmem_shared>>) target(%dma_start3A_195 : memref<640x128xf32, #tpu.memory_space<hbm>>) target_semaphore(%run_scoped3A : memref<!tpu.dma_semaphore, #tpu.memory_space<semaphore_mem>>)
      %dma_wait3A_198 = arith.constant 0 : i32
      %dma_wait3A_199 = tpu.memref_slice %arg6[%arg0, %mul3A_192, %dma_wait3A_198] : memref<2x10240x128xf32, #tpu.memory_space<hbm>> -> memref<1x640x128xf32, #tpu.memory_space<hbm>>
      %dma_wait3A_200 = tpu.memref_squeeze %dma_wait3A_199 : memref<1x640x128xf32, #tpu.memory_space<hbm>> -> memref<640x128xf32, #tpu.memory_space<hbm>>
      %dma_wait3A_201 = arith.constant 0 : i32
      %dma_wait3A_202 = tpu.memref_slice %arg13[%mul3A_190, %dma_wait3A_201] : memref<10240x128xf32, #tpu.memory_space<vmem_shared>> -> memref<640x128xf32, #tpu.memory_space<vmem_shared>>
      tpu.wait_dma2 semaphore(%run_scoped3A : memref<!tpu.dma_semaphore, #tpu.memory_space<semaphore_mem>>) src(%dma_wait3A_202 : memref<640x128xf32, #tpu.memory_space<vmem_shared>>) dst(%dma_wait3A_200 : memref<640x128xf32, #tpu.memory_space<hbm>>)
      tpu.yield
    }) : () -> ()
    return
  }
}

#map = affine_map<(d0, d1) -> (0, 0)>
#map1 = affine_map<(d0, d1) -> (0, 0, 0, 0)>
#map2 = affine_map<(d0, d1) -> (0, 0, 0)>
module attributes {stable_mosaic.version = 14 : i64} {
  func.func @_edge_kernel(%arg0: i32, %arg1: i32, %arg2: memref<10240x128xf32, #tpu.memory_space<hbm>>, %arg3: memref<10240x128xf32, #tpu.memory_space<hbm>>, %arg4: memref<32x42x2x120xi32, #tpu.memory_space<hbm>>, %arg5: memref<32x42x2x120xi32, #tpu.memory_space<hbm>>, %arg6: memref<2x10240x128xf32, #tpu.memory_space<hbm>>, %arg7: memref<3x2x120xi32, #tpu.memory_space<vmem>>, %arg8: memref<3x2x120xi32, #tpu.memory_space<vmem>>, %arg9: memref<3x120x128xf32, #tpu.memory_space<vmem>>, %arg10: memref<3x!tpu.dma_semaphore, #tpu.memory_space<semaphore_mem>>, %arg11: memref<3x!tpu.dma_semaphore, #tpu.memory_space<semaphore_mem>>, %arg12: memref<3x!tpu.dma_semaphore, #tpu.memory_space<semaphore_mem>>, %arg13: memref<10240x128xf32, #tpu.memory_space<vmem_shared>>) attributes {dimension_semantics = [#tpu.dimension_semantics<core_parallel>, #tpu.dimension_semantics<subcore_parallel>], iteration_bounds = array<i64: 2, 16>, scalar_prefetch = 0 : i64, scratch_operands = 7 : i64, tpu.core_type = #tpu.core_type<sc_vector_subcore>, window_params = [{transform_indices = #map}, {transform_indices = #map}, {transform_indices = #map1}, {transform_indices = #map1}, {transform_indices = #map2}]} {
    %mul3A = arith.constant 2 : i32
    %mul3A_0 = arith.muli %arg1, %mul3A : i32
    %add3A = arith.addi %mul3A_0, %arg0 : i32
    %eq3A = arith.constant 0 : i32
    %eq3A_1 = arith.cmpi eq, %arg0, %eq3A : i32
    %convert_element_type3A = arith.extui %eq3A_1 : i1 to i32
    %cond3A = arith.constant 0 : i32
    %cond3A_2 = arith.cmpi ne, %convert_element_type3A, %cond3A : i32
    scf.if %cond3A_2 {
      %mul3A_193 = arith.constant 640 : i32
      %mul3A_194 = arith.muli %arg1, %mul3A_193 : i32
      %mul3A_195 = arith.constant 640 : i32
      %mul3A_196 = arith.muli %arg1, %mul3A_195 : i32
      "tpu.region"() ({
        %run_scoped3A = tpu.sem_alloc : memref<!tpu.dma_semaphore, #tpu.memory_space<semaphore_mem>>
        %dma_start3A_197 = arith.constant 0 : i32
        %dma_start3A_198 = tpu.memref_slice %arg13[%mul3A_196, %dma_start3A_197] : memref<10240x128xf32, #tpu.memory_space<vmem_shared>> -> memref<640x128xf32, #tpu.memory_space<vmem_shared>>
        %dma_start3A_199 = arith.constant 0 : i32
        %dma_start3A_200 = tpu.memref_slice %arg2[%mul3A_194, %dma_start3A_199] : memref<10240x128xf32, #tpu.memory_space<hbm>> -> memref<640x128xf32, #tpu.memory_space<hbm>>
        tpu.enqueue_dma source(%dma_start3A_200 : memref<640x128xf32, #tpu.memory_space<hbm>>) target(%dma_start3A_198 : memref<640x128xf32, #tpu.memory_space<vmem_shared>>) target_semaphore(%run_scoped3A : memref<!tpu.dma_semaphore, #tpu.memory_space<semaphore_mem>>)
        %dma_wait3A_201 = arith.constant 0 : i32
        %dma_wait3A_202 = tpu.memref_slice %arg13[%mul3A_196, %dma_wait3A_201] : memref<10240x128xf32, #tpu.memory_space<vmem_shared>> -> memref<640x128xf32, #tpu.memory_space<vmem_shared>>
        %dma_wait3A_203 = arith.constant 0 : i32
        %dma_wait3A_204 = tpu.memref_slice %arg2[%mul3A_194, %dma_wait3A_203] : memref<10240x128xf32, #tpu.memory_space<hbm>> -> memref<640x128xf32, #tpu.memory_space<hbm>>
        tpu.wait_dma2 semaphore(%run_scoped3A : memref<!tpu.dma_semaphore, #tpu.memory_space<semaphore_mem>>) src(%dma_wait3A_204 : memref<640x128xf32, #tpu.memory_space<hbm>>) dst(%dma_wait3A_202 : memref<640x128xf32, #tpu.memory_space<vmem_shared>>)
        tpu.yield
      }) : () -> ()
    } else {
    }
    %eq3A_3 = arith.constant 1 : i32
    %eq3A_4 = arith.cmpi eq, %arg0, %eq3A_3 : i32
    %convert_element_type3A_5 = arith.extui %eq3A_4 : i1 to i32
    %cond3A_6 = arith.constant 0 : i32
    %cond3A_7 = arith.cmpi ne, %convert_element_type3A_5, %cond3A_6 : i32
    scf.if %cond3A_7 {
      %mul3A_193 = arith.constant 640 : i32
      %mul3A_194 = arith.muli %arg1, %mul3A_193 : i32
      %mul3A_195 = arith.constant 640 : i32
      %mul3A_196 = arith.muli %arg1, %mul3A_195 : i32
      "tpu.region"() ({
        %run_scoped3A = tpu.sem_alloc : memref<!tpu.dma_semaphore, #tpu.memory_space<semaphore_mem>>
        %dma_start3A_197 = arith.constant 0 : i32
        %dma_start3A_198 = tpu.memref_slice %arg13[%mul3A_196, %dma_start3A_197] : memref<10240x128xf32, #tpu.memory_space<vmem_shared>> -> memref<640x128xf32, #tpu.memory_space<vmem_shared>>
        %dma_start3A_199 = arith.constant 0 : i32
        %dma_start3A_200 = tpu.memref_slice %arg3[%mul3A_194, %dma_start3A_199] : memref<10240x128xf32, #tpu.memory_space<hbm>> -> memref<640x128xf32, #tpu.memory_space<hbm>>
        tpu.enqueue_dma source(%dma_start3A_200 : memref<640x128xf32, #tpu.memory_space<hbm>>) target(%dma_start3A_198 : memref<640x128xf32, #tpu.memory_space<vmem_shared>>) target_semaphore(%run_scoped3A : memref<!tpu.dma_semaphore, #tpu.memory_space<semaphore_mem>>)
        %dma_wait3A_201 = arith.constant 0 : i32
        %dma_wait3A_202 = tpu.memref_slice %arg13[%mul3A_196, %dma_wait3A_201] : memref<10240x128xf32, #tpu.memory_space<vmem_shared>> -> memref<640x128xf32, #tpu.memory_space<vmem_shared>>
        %dma_wait3A_203 = arith.constant 0 : i32
        %dma_wait3A_204 = tpu.memref_slice %arg3[%mul3A_194, %dma_wait3A_203] : memref<10240x128xf32, #tpu.memory_space<hbm>> -> memref<640x128xf32, #tpu.memory_space<hbm>>
        tpu.wait_dma2 semaphore(%run_scoped3A : memref<!tpu.dma_semaphore, #tpu.memory_space<semaphore_mem>>) src(%dma_wait3A_204 : memref<640x128xf32, #tpu.memory_space<hbm>>) dst(%dma_wait3A_202 : memref<640x128xf32, #tpu.memory_space<vmem_shared>>)
        tpu.yield
      }) : () -> ()
    } else {
    }
    %barrier3A = arith.constant 0 : index
    tpu.barrier barrier_id(%barrier3A)
    %dma_start3A = arith.constant 0 : i32
    %dma_start3A_8 = arith.constant 0 : i32
    %dma_start3A_9 = arith.constant 0 : i32
    %dma_start3A_10 = arith.constant 0 : i32
    %dma_start3A_11 = arith.constant 0 : i32
    %dma_start3A_12 = tpu.memref_slice %arg7[%dma_start3A_8, %dma_start3A_10, %dma_start3A_11] : memref<3x2x120xi32, #tpu.memory_space<vmem>> -> memref<1x2x120xi32, #tpu.memory_space<vmem>>
    %dma_start3A_13 = tpu.memref_squeeze %dma_start3A_12 : memref<1x2x120xi32, #tpu.memory_space<vmem>> -> memref<2x120xi32, #tpu.memory_space<vmem>>
    %dma_start3A_14 = arith.constant 0 : i32
    %dma_start3A_15 = arith.constant 0 : i32
    %dma_start3A_16 = tpu.memref_slice %arg4[%add3A, %dma_start3A, %dma_start3A_14, %dma_start3A_15] : memref<32x42x2x120xi32, #tpu.memory_space<hbm>> -> memref<1x1x2x120xi32, #tpu.memory_space<hbm>>
    %dma_start3A_17 = tpu.memref_squeeze %dma_start3A_16 : memref<1x1x2x120xi32, #tpu.memory_space<hbm>> -> memref<2x120xi32, #tpu.memory_space<hbm>>
    %dma_start3A_18 = tpu.memref_slice %arg10[%dma_start3A_9] : memref<3x!tpu.dma_semaphore, #tpu.memory_space<semaphore_mem>> -> memref<1x!tpu.dma_semaphore, #tpu.memory_space<semaphore_mem>>
    %dma_start3A_19 = tpu.memref_squeeze %dma_start3A_18 : memref<1x!tpu.dma_semaphore, #tpu.memory_space<semaphore_mem>> -> memref<!tpu.dma_semaphore, #tpu.memory_space<semaphore_mem>>
    %dma_start3A_20 = arith.constant 0 : i32
    %dma_start3A_21 = arith.constant 0 : i32
    %dma_start3A_22 = tpu.memref_slice %arg7[%dma_start3A_8, %dma_start3A_20, %dma_start3A_21] : memref<3x2x120xi32, #tpu.memory_space<vmem>> -> memref<1x2x120xi32, #tpu.memory_space<vmem>>
    %dma_start3A_23 = tpu.memref_squeeze %dma_start3A_22 : memref<1x2x120xi32, #tpu.memory_space<vmem>> -> memref<2x120xi32, #tpu.memory_space<vmem>>
    %dma_start3A_24 = arith.constant 0 : i32
    %dma_start3A_25 = arith.constant 0 : i32
    %dma_start3A_26 = tpu.memref_slice %arg4[%add3A, %dma_start3A, %dma_start3A_24, %dma_start3A_25] : memref<32x42x2x120xi32, #tpu.memory_space<hbm>> -> memref<1x1x2x120xi32, #tpu.memory_space<hbm>>
    %dma_start3A_27 = tpu.memref_squeeze %dma_start3A_26 : memref<1x1x2x120xi32, #tpu.memory_space<hbm>> -> memref<2x120xi32, #tpu.memory_space<hbm>>
    tpu.enqueue_dma source(%dma_start3A_27 : memref<2x120xi32, #tpu.memory_space<hbm>>) target(%dma_start3A_23 : memref<2x120xi32, #tpu.memory_space<vmem>>) target_semaphore(%dma_start3A_19 : memref<!tpu.dma_semaphore, #tpu.memory_space<semaphore_mem>>)
    %dma_start3A_28 = arith.constant 0 : i32
    %dma_start3A_29 = arith.constant 0 : i32
    %dma_start3A_30 = arith.constant 0 : i32
    %dma_start3A_31 = arith.constant 0 : i32
    %dma_start3A_32 = arith.constant 0 : i32
    %dma_start3A_33 = tpu.memref_slice %arg8[%dma_start3A_29, %dma_start3A_31, %dma_start3A_32] : memref<3x2x120xi32, #tpu.memory_space<vmem>> -> memref<1x2x120xi32, #tpu.memory_space<vmem>>
    %dma_start3A_34 = tpu.memref_squeeze %dma_start3A_33 : memref<1x2x120xi32, #tpu.memory_space<vmem>> -> memref<2x120xi32, #tpu.memory_space<vmem>>
    %dma_start3A_35 = arith.constant 0 : i32
    %dma_start3A_36 = arith.constant 0 : i32
    %dma_start3A_37 = tpu.memref_slice %arg5[%add3A, %dma_start3A_28, %dma_start3A_35, %dma_start3A_36] : memref<32x42x2x120xi32, #tpu.memory_space<hbm>> -> memref<1x1x2x120xi32, #tpu.memory_space<hbm>>
    %dma_start3A_38 = tpu.memref_squeeze %dma_start3A_37 : memref<1x1x2x120xi32, #tpu.memory_space<hbm>> -> memref<2x120xi32, #tpu.memory_space<hbm>>
    %dma_start3A_39 = tpu.memref_slice %arg10[%dma_start3A_30] : memref<3x!tpu.dma_semaphore, #tpu.memory_space<semaphore_mem>> -> memref<1x!tpu.dma_semaphore, #tpu.memory_space<semaphore_mem>>
    %dma_start3A_40 = tpu.memref_squeeze %dma_start3A_39 : memref<1x!tpu.dma_semaphore, #tpu.memory_space<semaphore_mem>> -> memref<!tpu.dma_semaphore, #tpu.memory_space<semaphore_mem>>
    %dma_start3A_41 = arith.constant 0 : i32
    %dma_start3A_42 = arith.constant 0 : i32
    %dma_start3A_43 = tpu.memref_slice %arg8[%dma_start3A_29, %dma_start3A_41, %dma_start3A_42] : memref<3x2x120xi32, #tpu.memory_space<vmem>> -> memref<1x2x120xi32, #tpu.memory_space<vmem>>
    %dma_start3A_44 = tpu.memref_squeeze %dma_start3A_43 : memref<1x2x120xi32, #tpu.memory_space<vmem>> -> memref<2x120xi32, #tpu.memory_space<vmem>>
    %dma_start3A_45 = arith.constant 0 : i32
    %dma_start3A_46 = arith.constant 0 : i32
    %dma_start3A_47 = tpu.memref_slice %arg5[%add3A, %dma_start3A_28, %dma_start3A_45, %dma_start3A_46] : memref<32x42x2x120xi32, #tpu.memory_space<hbm>> -> memref<1x1x2x120xi32, #tpu.memory_space<hbm>>
    %dma_start3A_48 = tpu.memref_squeeze %dma_start3A_47 : memref<1x1x2x120xi32, #tpu.memory_space<hbm>> -> memref<2x120xi32, #tpu.memory_space<hbm>>
    tpu.enqueue_dma source(%dma_start3A_48 : memref<2x120xi32, #tpu.memory_space<hbm>>) target(%dma_start3A_44 : memref<2x120xi32, #tpu.memory_space<vmem>>) target_semaphore(%dma_start3A_40 : memref<!tpu.dma_semaphore, #tpu.memory_space<semaphore_mem>>)
    %dma_start3A_49 = arith.constant 1 : i32
    %dma_start3A_50 = arith.constant 1 : i32
    %dma_start3A_51 = arith.constant 1 : i32
    %dma_start3A_52 = arith.constant 0 : i32
    %dma_start3A_53 = arith.constant 0 : i32
    %dma_start3A_54 = tpu.memref_slice %arg7[%dma_start3A_50, %dma_start3A_52, %dma_start3A_53] : memref<3x2x120xi32, #tpu.memory_space<vmem>> -> memref<1x2x120xi32, #tpu.memory_space<vmem>>
    %dma_start3A_55 = tpu.memref_squeeze %dma_start3A_54 : memref<1x2x120xi32, #tpu.memory_space<vmem>> -> memref<2x120xi32, #tpu.memory_space<vmem>>
    %dma_start3A_56 = arith.constant 0 : i32
    %dma_start3A_57 = arith.constant 0 : i32
    %dma_start3A_58 = tpu.memref_slice %arg4[%add3A, %dma_start3A_49, %dma_start3A_56, %dma_start3A_57] : memref<32x42x2x120xi32, #tpu.memory_space<hbm>> -> memref<1x1x2x120xi32, #tpu.memory_space<hbm>>
    %dma_start3A_59 = tpu.memref_squeeze %dma_start3A_58 : memref<1x1x2x120xi32, #tpu.memory_space<hbm>> -> memref<2x120xi32, #tpu.memory_space<hbm>>
    %dma_start3A_60 = tpu.memref_slice %arg10[%dma_start3A_51] : memref<3x!tpu.dma_semaphore, #tpu.memory_space<semaphore_mem>> -> memref<1x!tpu.dma_semaphore, #tpu.memory_space<semaphore_mem>>
    %dma_start3A_61 = tpu.memref_squeeze %dma_start3A_60 : memref<1x!tpu.dma_semaphore, #tpu.memory_space<semaphore_mem>> -> memref<!tpu.dma_semaphore, #tpu.memory_space<semaphore_mem>>
    %dma_start3A_62 = arith.constant 0 : i32
    %dma_start3A_63 = arith.constant 0 : i32
    %dma_start3A_64 = tpu.memref_slice %arg7[%dma_start3A_50, %dma_start3A_62, %dma_start3A_63] : memref<3x2x120xi32, #tpu.memory_space<vmem>> -> memref<1x2x120xi32, #tpu.memory_space<vmem>>
    %dma_start3A_65 = tpu.memref_squeeze %dma_start3A_64 : memref<1x2x120xi32, #tpu.memory_space<vmem>> -> memref<2x120xi32, #tpu.memory_space<vmem>>
    %dma_start3A_66 = arith.constant 0 : i32
    %dma_start3A_67 = arith.constant 0 : i32
    %dma_start3A_68 = tpu.memref_slice %arg4[%add3A, %dma_start3A_49, %dma_start3A_66, %dma_start3A_67] : memref<32x42x2x120xi32, #tpu.memory_space<hbm>> -> memref<1x1x2x120xi32, #tpu.memory_space<hbm>>
    %dma_start3A_69 = tpu.memref_squeeze %dma_start3A_68 : memref<1x1x2x120xi32, #tpu.memory_space<hbm>> -> memref<2x120xi32, #tpu.memory_space<hbm>>
    tpu.enqueue_dma source(%dma_start3A_69 : memref<2x120xi32, #tpu.memory_space<hbm>>) target(%dma_start3A_65 : memref<2x120xi32, #tpu.memory_space<vmem>>) target_semaphore(%dma_start3A_61 : memref<!tpu.dma_semaphore, #tpu.memory_space<semaphore_mem>>)
    %dma_start3A_70 = arith.constant 1 : i32
    %dma_start3A_71 = arith.constant 1 : i32
    %dma_start3A_72 = arith.constant 1 : i32
    %dma_start3A_73 = arith.constant 0 : i32
    %dma_start3A_74 = arith.constant 0 : i32
    %dma_start3A_75 = tpu.memref_slice %arg8[%dma_start3A_71, %dma_start3A_73, %dma_start3A_74] : memref<3x2x120xi32, #tpu.memory_space<vmem>> -> memref<1x2x120xi32, #tpu.memory_space<vmem>>
    %dma_start3A_76 = tpu.memref_squeeze %dma_start3A_75 : memref<1x2x120xi32, #tpu.memory_space<vmem>> -> memref<2x120xi32, #tpu.memory_space<vmem>>
    %dma_start3A_77 = arith.constant 0 : i32
    %dma_start3A_78 = arith.constant 0 : i32
    %dma_start3A_79 = tpu.memref_slice %arg5[%add3A, %dma_start3A_70, %dma_start3A_77, %dma_start3A_78] : memref<32x42x2x120xi32, #tpu.memory_space<hbm>> -> memref<1x1x2x120xi32, #tpu.memory_space<hbm>>
    %dma_start3A_80 = tpu.memref_squeeze %dma_start3A_79 : memref<1x1x2x120xi32, #tpu.memory_space<hbm>> -> memref<2x120xi32, #tpu.memory_space<hbm>>
    %dma_start3A_81 = tpu.memref_slice %arg10[%dma_start3A_72] : memref<3x!tpu.dma_semaphore, #tpu.memory_space<semaphore_mem>> -> memref<1x!tpu.dma_semaphore, #tpu.memory_space<semaphore_mem>>
    %dma_start3A_82 = tpu.memref_squeeze %dma_start3A_81 : memref<1x!tpu.dma_semaphore, #tpu.memory_space<semaphore_mem>> -> memref<!tpu.dma_semaphore, #tpu.memory_space<semaphore_mem>>
    %dma_start3A_83 = arith.constant 0 : i32
    %dma_start3A_84 = arith.constant 0 : i32
    %dma_start3A_85 = tpu.memref_slice %arg8[%dma_start3A_71, %dma_start3A_83, %dma_start3A_84] : memref<3x2x120xi32, #tpu.memory_space<vmem>> -> memref<1x2x120xi32, #tpu.memory_space<vmem>>
    %dma_start3A_86 = tpu.memref_squeeze %dma_start3A_85 : memref<1x2x120xi32, #tpu.memory_space<vmem>> -> memref<2x120xi32, #tpu.memory_space<vmem>>
    %dma_start3A_87 = arith.constant 0 : i32
    %dma_start3A_88 = arith.constant 0 : i32
    %dma_start3A_89 = tpu.memref_slice %arg5[%add3A, %dma_start3A_70, %dma_start3A_87, %dma_start3A_88] : memref<32x42x2x120xi32, #tpu.memory_space<hbm>> -> memref<1x1x2x120xi32, #tpu.memory_space<hbm>>
    %dma_start3A_90 = tpu.memref_squeeze %dma_start3A_89 : memref<1x1x2x120xi32, #tpu.memory_space<hbm>> -> memref<2x120xi32, #tpu.memory_space<hbm>>
    tpu.enqueue_dma source(%dma_start3A_90 : memref<2x120xi32, #tpu.memory_space<hbm>>) target(%dma_start3A_86 : memref<2x120xi32, #tpu.memory_space<vmem>>) target_semaphore(%dma_start3A_82 : memref<!tpu.dma_semaphore, #tpu.memory_space<semaphore_mem>>)
    %dma_wait3A = arith.constant 0 : i32
    %dma_wait3A_91 = arith.constant 0 : i32
    %dma_wait3A_92 = arith.constant 0 : i32
    %dma_wait3A_93 = arith.constant 0 : i32
    %dma_wait3A_94 = arith.constant 0 : i32
    %dma_wait3A_95 = tpu.memref_slice %arg7[%dma_wait3A_91, %dma_wait3A_93, %dma_wait3A_94] : memref<3x2x120xi32, #tpu.memory_space<vmem>> -> memref<1x2x120xi32, #tpu.memory_space<vmem>>
    %dma_wait3A_96 = tpu.memref_squeeze %dma_wait3A_95 : memref<1x2x120xi32, #tpu.memory_space<vmem>> -> memref<2x120xi32, #tpu.memory_space<vmem>>
    %dma_wait3A_97 = arith.constant 0 : i32
    %dma_wait3A_98 = arith.constant 0 : i32
    %dma_wait3A_99 = tpu.memref_slice %arg4[%add3A, %dma_wait3A, %dma_wait3A_97, %dma_wait3A_98] : memref<32x42x2x120xi32, #tpu.memory_space<hbm>> -> memref<1x1x2x120xi32, #tpu.memory_space<hbm>>
    %dma_wait3A_100 = tpu.memref_squeeze %dma_wait3A_99 : memref<1x1x2x120xi32, #tpu.memory_space<hbm>> -> memref<2x120xi32, #tpu.memory_space<hbm>>
    %dma_wait3A_101 = tpu.memref_slice %arg10[%dma_wait3A_92] : memref<3x!tpu.dma_semaphore, #tpu.memory_space<semaphore_mem>> -> memref<1x!tpu.dma_semaphore, #tpu.memory_space<semaphore_mem>>
    %dma_wait3A_102 = tpu.memref_squeeze %dma_wait3A_101 : memref<1x!tpu.dma_semaphore, #tpu.memory_space<semaphore_mem>> -> memref<!tpu.dma_semaphore, #tpu.memory_space<semaphore_mem>>
    %dma_wait3A_103 = arith.constant 0 : i32
    %dma_wait3A_104 = arith.constant 0 : i32
    %dma_wait3A_105 = tpu.memref_slice %arg7[%dma_wait3A_91, %dma_wait3A_103, %dma_wait3A_104] : memref<3x2x120xi32, #tpu.memory_space<vmem>> -> memref<1x2x120xi32, #tpu.memory_space<vmem>>
    %dma_wait3A_106 = tpu.memref_squeeze %dma_wait3A_105 : memref<1x2x120xi32, #tpu.memory_space<vmem>> -> memref<2x120xi32, #tpu.memory_space<vmem>>
    %dma_wait3A_107 = arith.constant 0 : i32
    %dma_wait3A_108 = arith.constant 0 : i32
    %dma_wait3A_109 = tpu.memref_slice %arg4[%add3A, %dma_wait3A, %dma_wait3A_107, %dma_wait3A_108] : memref<32x42x2x120xi32, #tpu.memory_space<hbm>> -> memref<1x1x2x120xi32, #tpu.memory_space<hbm>>
    %dma_wait3A_110 = tpu.memref_squeeze %dma_wait3A_109 : memref<1x1x2x120xi32, #tpu.memory_space<hbm>> -> memref<2x120xi32, #tpu.memory_space<hbm>>
    tpu.wait_dma2 semaphore(%dma_wait3A_102 : memref<!tpu.dma_semaphore, #tpu.memory_space<semaphore_mem>>) src(%dma_wait3A_110 : memref<2x120xi32, #tpu.memory_space<hbm>>) dst(%dma_wait3A_106 : memref<2x120xi32, #tpu.memory_space<vmem>>)
    %dma_wait3A_111 = arith.constant 0 : i32
    %dma_wait3A_112 = arith.constant 0 : i32
    %dma_wait3A_113 = arith.constant 0 : i32
    %dma_wait3A_114 = arith.constant 0 : i32
    %dma_wait3A_115 = arith.constant 0 : i32
    %dma_wait3A_116 = tpu.memref_slice %arg8[%dma_wait3A_112, %dma_wait3A_114, %dma_wait3A_115] : memref<3x2x120xi32, #tpu.memory_space<vmem>> -> memref<1x2x120xi32, #tpu.memory_space<vmem>>
    %dma_wait3A_117 = tpu.memref_squeeze %dma_wait3A_116 : memref<1x2x120xi32, #tpu.memory_space<vmem>> -> memref<2x120xi32, #tpu.memory_space<vmem>>
    %dma_wait3A_118 = arith.constant 0 : i32
    %dma_wait3A_119 = arith.constant 0 : i32
    %dma_wait3A_120 = tpu.memref_slice %arg5[%add3A, %dma_wait3A_111, %dma_wait3A_118, %dma_wait3A_119] : memref<32x42x2x120xi32, #tpu.memory_space<hbm>> -> memref<1x1x2x120xi32, #tpu.memory_space<hbm>>
    %dma_wait3A_121 = tpu.memref_squeeze %dma_wait3A_120 : memref<1x1x2x120xi32, #tpu.memory_space<hbm>> -> memref<2x120xi32, #tpu.memory_space<hbm>>
    %dma_wait3A_122 = tpu.memref_slice %arg10[%dma_wait3A_113] : memref<3x!tpu.dma_semaphore, #tpu.memory_space<semaphore_mem>> -> memref<1x!tpu.dma_semaphore, #tpu.memory_space<semaphore_mem>>
    %dma_wait3A_123 = tpu.memref_squeeze %dma_wait3A_122 : memref<1x!tpu.dma_semaphore, #tpu.memory_space<semaphore_mem>> -> memref<!tpu.dma_semaphore, #tpu.memory_space<semaphore_mem>>
    %dma_wait3A_124 = arith.constant 0 : i32
    %dma_wait3A_125 = arith.constant 0 : i32
    %dma_wait3A_126 = tpu.memref_slice %arg8[%dma_wait3A_112, %dma_wait3A_124, %dma_wait3A_125] : memref<3x2x120xi32, #tpu.memory_space<vmem>> -> memref<1x2x120xi32, #tpu.memory_space<vmem>>
    %dma_wait3A_127 = tpu.memref_squeeze %dma_wait3A_126 : memref<1x2x120xi32, #tpu.memory_space<vmem>> -> memref<2x120xi32, #tpu.memory_space<vmem>>
    %dma_wait3A_128 = arith.constant 0 : i32
    %dma_wait3A_129 = arith.constant 0 : i32
    %dma_wait3A_130 = tpu.memref_slice %arg5[%add3A, %dma_wait3A_111, %dma_wait3A_128, %dma_wait3A_129] : memref<32x42x2x120xi32, #tpu.memory_space<hbm>> -> memref<1x1x2x120xi32, #tpu.memory_space<hbm>>
    %dma_wait3A_131 = tpu.memref_squeeze %dma_wait3A_130 : memref<1x1x2x120xi32, #tpu.memory_space<hbm>> -> memref<2x120xi32, #tpu.memory_space<hbm>>
    tpu.wait_dma2 semaphore(%dma_wait3A_123 : memref<!tpu.dma_semaphore, #tpu.memory_space<semaphore_mem>>) src(%dma_wait3A_131 : memref<2x120xi32, #tpu.memory_space<hbm>>) dst(%dma_wait3A_127 : memref<2x120xi32, #tpu.memory_space<vmem>>)
    %dma_start3A_132 = arith.constant 0 : i32
    %dma_start3A_133 = arith.constant 0 : i32
    %dma_start3A_134 = arith.constant 0 : i32
    %dma_start3A_135 = arith.constant 0 : i32
    %dma_start3A_136 = arith.constant 0 : i32
    %dma_start3A_137 = arith.constant 0 : i32
    %dma_start3A_138 = tpu.memref_slice %arg9[%dma_start3A_134, %dma_start3A_136, %dma_start3A_137] : memref<3x120x128xf32, #tpu.memory_space<vmem>> -> memref<1x120x128xf32, #tpu.memory_space<vmem>>
    %dma_start3A_139 = tpu.memref_squeeze %dma_start3A_138 : memref<1x120x128xf32, #tpu.memory_space<vmem>> -> memref<120x128xf32, #tpu.memory_space<vmem>>
    %dma_start3A_140 = arith.constant 0 : i32
    %dma_start3A_141 = tpu.memref_slice %arg7[%dma_start3A_132, %dma_start3A_133, %dma_start3A_140] : memref<3x2x120xi32, #tpu.memory_space<vmem>> -> memref<1x1x120xi32, #tpu.memory_space<vmem>>
    %dma_start3A_142 = tpu.memref_squeeze %dma_start3A_141 : memref<1x1x120xi32, #tpu.memory_space<vmem>> -> memref<120xi32, #tpu.memory_space<vmem>>
    %dma_start3A_143 = arith.constant 0 : i32
    %dma_start3A_144 = arith.constant 0 : i32
    %dma_start3A_145 = tpu.memref_slice %arg2[%dma_start3A_143, %dma_start3A_144] : memref<10240x128xf32, #tpu.memory_space<hbm>> -> memref<10240x128xf32, #tpu.memory_space<hbm>>
    %dma_start3A_146 = tpu.memref_slice %arg11[%dma_start3A_135] : memref<3x!tpu.dma_semaphore, #tpu.memory_space<semaphore_mem>> -> memref<1x!tpu.dma_semaphore, #tpu.memory_space<semaphore_mem>>
    %dma_start3A_147 = tpu.memref_squeeze %dma_start3A_146 : memref<1x!tpu.dma_semaphore, #tpu.memory_space<semaphore_mem>> -> memref<!tpu.dma_semaphore, #tpu.memory_space<semaphore_mem>>
    tpu.enqueue_indirect_dma source(%dma_start3A_145 : memref<10240x128xf32, #tpu.memory_space<hbm>>) target(%dma_start3A_139 : memref<120x128xf32, #tpu.memory_space<vmem>>) offsets(%dma_start3A_142 : memref<120xi32, #tpu.memory_space<vmem>>) semaphore(%dma_start3A_147 : memref<!tpu.dma_semaphore, #tpu.memory_space<semaphore_mem>>)
    %scan3A = arith.constant 0 : i32
    %scan3A_148 = arith.constant 0 : i32
    %scan3A_149 = arith.constant 84 : i32
    %scan3A_150 = arith.addi %scan3A_148, %scan3A_149 : i32
    %scan3A_151 = arith.constant 1 : i32
    scf.for %scan3A_193 = %scan3A_148 to %scan3A_150 step %scan3A_151  : i32 {
      %rem3A_194 = arith.constant 3 : i32
      %rem3A_195 = arith.remsi %scan3A_193, %rem3A_194 : i32
      %rem3A_196 = arith.constant 2 : i32
      %rem3A_197 = arith.remsi %scan3A_193, %rem3A_196 : i32
      %jit3A = arith.constant 2 : i32
      %div3A = arith.divsi %scan3A_193, %jit3A : i32
      %sign3A = arith.constant 0 : i32
      %sign3A_198 = arith.cmpi sgt, %scan3A_193, %sign3A : i32
      %sign3A_199 = arith.extui %sign3A_198 : i1 to i32
      %sign3A_200 = arith.constant 0 : i32
      %sign3A_201 = arith.cmpi slt, %scan3A_193, %sign3A_200 : i32
      %sign3A_202 = arith.extui %sign3A_201 : i1 to i32
      %sign3A_203 = arith.subi %sign3A_199, %sign3A_202 : i32
      %sign3A_204 = arith.constant 0 : i32
      %sign3A_205 = arith.cmpi sgt, %jit3A, %sign3A_204 : i32
      %sign3A_206 = arith.extui %sign3A_205 : i1 to i32
      %sign3A_207 = arith.constant 0 : i32
      %sign3A_208 = arith.cmpi slt, %jit3A, %sign3A_207 : i32
      %sign3A_209 = arith.extui %sign3A_208 : i1 to i32
      %sign3A_210 = arith.subi %sign3A_206, %sign3A_209 : i32
      %ne3A = arith.cmpi ne, %sign3A_203, %sign3A_210 : i32
      %rem3A_211 = arith.remsi %scan3A_193, %jit3A : i32
      %ne3A_212 = arith.constant 0 : i32
      %ne3A_213 = arith.cmpi ne, %rem3A_211, %ne3A_212 : i32
      %and3A = arith.andi %ne3A, %ne3A_213 : i1
      %sub3A = arith.constant 1 : i32
      %sub3A_214 = arith.subi %div3A, %sub3A : i32
      %select_n3A = arith.select %and3A, %sub3A_214, %div3A : i32
      %rem3A_215 = arith.constant 3 : i32
      %rem3A_216 = arith.remsi %select_n3A, %rem3A_215 : i32
      %ge3A = arith.constant 2 : i32
      %ge3A_217 = arith.cmpi sge, %scan3A_193, %ge3A : i32
      %convert_element_type3A_218 = arith.extui %ge3A_217 : i1 to i32
      %cond3A_219 = arith.constant 0 : i32
      %cond3A_220 = arith.cmpi ne, %convert_element_type3A_218, %cond3A_219 : i32
      scf.if %cond3A_220 {
        %sub3A_256 = arith.constant 2 : i32
        %sub3A_257 = arith.subi %scan3A_193, %sub3A_256 : i32
        %jit3A_258 = arith.constant 2 : i32
        %div3A_259 = arith.divsi %sub3A_257, %jit3A_258 : i32
        %sign3A_260 = arith.constant 0 : i32
        %sign3A_261 = arith.cmpi sgt, %sub3A_257, %sign3A_260 : i32
        %sign3A_262 = arith.extui %sign3A_261 : i1 to i32
        %sign3A_263 = arith.constant 0 : i32
        %sign3A_264 = arith.cmpi slt, %sub3A_257, %sign3A_263 : i32
        %sign3A_265 = arith.extui %sign3A_264 : i1 to i32
        %sign3A_266 = arith.subi %sign3A_262, %sign3A_265 : i32
        %sign3A_267 = arith.constant 0 : i32
        %sign3A_268 = arith.cmpi sgt, %jit3A_258, %sign3A_267 : i32
        %sign3A_269 = arith.extui %sign3A_268 : i1 to i32
        %sign3A_270 = arith.constant 0 : i32
        %sign3A_271 = arith.cmpi slt, %jit3A_258, %sign3A_270 : i32
        %sign3A_272 = arith.extui %sign3A_271 : i1 to i32
        %sign3A_273 = arith.subi %sign3A_269, %sign3A_272 : i32
        %ne3A_274 = arith.cmpi ne, %sign3A_266, %sign3A_273 : i32
        %rem3A_275 = arith.remsi %sub3A_257, %jit3A_258 : i32
        %ne3A_276 = arith.constant 0 : i32
        %ne3A_277 = arith.cmpi ne, %rem3A_275, %ne3A_276 : i32
        %and3A_278 = arith.andi %ne3A_274, %ne3A_277 : i1
        %sub3A_279 = arith.constant 1 : i32
        %sub3A_280 = arith.subi %div3A_259, %sub3A_279 : i32
        %select_n3A_281 = arith.select %and3A_278, %sub3A_280, %div3A_259 : i32
        %rem3A_282 = arith.constant 3 : i32
        %rem3A_283 = arith.remsi %select_n3A_281, %rem3A_282 : i32
        %add3A_284 = arith.constant 1 : i32
        %add3A_285 = arith.addi %scan3A_193, %add3A_284 : i32
        %rem3A_286 = arith.constant 3 : i32
        %rem3A_287 = arith.remsi %add3A_285, %rem3A_286 : i32
        %dma_wait3A_288 = arith.constant 0 : i32
        %dma_wait3A_289 = arith.constant 0 : i32
        %dma_wait3A_290 = tpu.memref_slice %arg9[%rem3A_287, %dma_wait3A_288, %dma_wait3A_289] : memref<3x120x128xf32, #tpu.memory_space<vmem>> -> memref<1x120x128xf32, #tpu.memory_space<vmem>>
        %dma_wait3A_291 = tpu.memref_squeeze %dma_wait3A_290 : memref<1x120x128xf32, #tpu.memory_space<vmem>> -> memref<120x128xf32, #tpu.memory_space<vmem>>
        %dma_wait3A_292 = arith.constant 0 : i32
        %dma_wait3A_293 = tpu.memref_slice %arg8[%rem3A_283, %rem3A_197, %dma_wait3A_292] : memref<3x2x120xi32, #tpu.memory_space<vmem>> -> memref<1x1x120xi32, #tpu.memory_space<vmem>>
        %dma_wait3A_294 = tpu.memref_squeeze %dma_wait3A_293 : memref<1x1x120xi32, #tpu.memory_space<vmem>> -> memref<120xi32, #tpu.memory_space<vmem>>
        %dma_wait3A_295 = arith.constant 0 : i32
        %dma_wait3A_296 = arith.constant 0 : i32
        %dma_wait3A_297 = tpu.memref_slice %arg13[%dma_wait3A_295, %dma_wait3A_296] : memref<10240x128xf32, #tpu.memory_space<vmem_shared>> -> memref<10240x128xf32, #tpu.memory_space<vmem_shared>>
        %dma_wait3A_298 = tpu.memref_slice %arg12[%rem3A_287] : memref<3x!tpu.dma_semaphore, #tpu.memory_space<semaphore_mem>> -> memref<1x!tpu.dma_semaphore, #tpu.memory_space<semaphore_mem>>
        %dma_wait3A_299 = tpu.memref_squeeze %dma_wait3A_298 : memref<1x!tpu.dma_semaphore, #tpu.memory_space<semaphore_mem>> -> memref<!tpu.dma_semaphore, #tpu.memory_space<semaphore_mem>>
        tpu.wait_indirect_dma semaphore(%dma_wait3A_299 : memref<!tpu.dma_semaphore, #tpu.memory_space<semaphore_mem>>) src(%dma_wait3A_291 : memref<120x128xf32, #tpu.memory_space<vmem>>) dst(%dma_wait3A_297 : memref<10240x128xf32, #tpu.memory_space<vmem_shared>>)
      } else {
      }
      %eq3A_221 = arith.constant 1 : i32
      %eq3A_222 = arith.cmpi eq, %rem3A_197, %eq3A_221 : i32
      %convert_element_type3A_223 = arith.extui %eq3A_222 : i1 to i32
      %cond3A_224 = arith.constant 0 : i32
      %cond3A_225 = arith.cmpi ne, %convert_element_type3A_223, %cond3A_224 : i32
      scf.if %cond3A_225 {
        %add3A_256 = arith.constant 3 : i32
        %add3A_257 = arith.addi %scan3A_193, %add3A_256 : i32
        %jit3A_258 = arith.constant 2 : i32
        %div3A_259 = arith.divsi %add3A_257, %jit3A_258 : i32
        %sign3A_260 = arith.constant 0 : i32
        %sign3A_261 = arith.cmpi sgt, %add3A_257, %sign3A_260 : i32
        %sign3A_262 = arith.extui %sign3A_261 : i1 to i32
        %sign3A_263 = arith.constant 0 : i32
        %sign3A_264 = arith.cmpi slt, %add3A_257, %sign3A_263 : i32
        %sign3A_265 = arith.extui %sign3A_264 : i1 to i32
        %sign3A_266 = arith.subi %sign3A_262, %sign3A_265 : i32
        %sign3A_267 = arith.constant 0 : i32
        %sign3A_268 = arith.cmpi sgt, %jit3A_258, %sign3A_267 : i32
        %sign3A_269 = arith.extui %sign3A_268 : i1 to i32
        %sign3A_270 = arith.constant 0 : i32
        %sign3A_271 = arith.cmpi slt, %jit3A_258, %sign3A_270 : i32
        %sign3A_272 = arith.extui %sign3A_271 : i1 to i32
        %sign3A_273 = arith.subi %sign3A_269, %sign3A_272 : i32
        %ne3A_274 = arith.cmpi ne, %sign3A_266, %sign3A_273 : i32
        %rem3A_275 = arith.remsi %add3A_257, %jit3A_258 : i32
        %ne3A_276 = arith.constant 0 : i32
        %ne3A_277 = arith.cmpi ne, %rem3A_275, %ne3A_276 : i32
        %and3A_278 = arith.andi %ne3A_274, %ne3A_277 : i1
        %sub3A_279 = arith.constant 1 : i32
        %sub3A_280 = arith.subi %div3A_259, %sub3A_279 : i32
        %select_n3A_281 = arith.select %and3A_278, %sub3A_280, %div3A_259 : i32
        %lt3A_282 = arith.constant 42 : i32
        %lt3A_283 = arith.cmpi slt, %select_n3A_281, %lt3A_282 : i32
        %convert_element_type3A_284 = arith.extui %lt3A_283 : i1 to i32
        %cond3A_285 = arith.constant 0 : i32
        %cond3A_286 = arith.cmpi ne, %convert_element_type3A_284, %cond3A_285 : i32
        scf.if %cond3A_286 {
          %rem3A_294 = arith.constant 3 : i32
          %rem3A_295 = arith.remsi %select_n3A_281, %rem3A_294 : i32
          %dma_start3A_296 = arith.constant 0 : i32
          %dma_start3A_297 = arith.constant 0 : i32
          %dma_start3A_298 = tpu.memref_slice %arg7[%rem3A_295, %dma_start3A_296, %dma_start3A_297] : memref<3x2x120xi32, #tpu.memory_space<vmem>> -> memref<1x2x120xi32, #tpu.memory_space<vmem>>
          %dma_start3A_299 = tpu.memref_squeeze %dma_start3A_298 : memref<1x2x120xi32, #tpu.memory_space<vmem>> -> memref<2x120xi32, #tpu.memory_space<vmem>>
          %dma_start3A_300 = arith.constant 0 : i32
          %dma_start3A_301 = arith.constant 0 : i32
          %dma_start3A_302 = tpu.memref_slice %arg4[%add3A, %select_n3A_281, %dma_start3A_300, %dma_start3A_301] : memref<32x42x2x120xi32, #tpu.memory_space<hbm>> -> memref<1x1x2x120xi32, #tpu.memory_space<hbm>>
          %dma_start3A_303 = tpu.memref_squeeze %dma_start3A_302 : memref<1x1x2x120xi32, #tpu.memory_space<hbm>> -> memref<2x120xi32, #tpu.memory_space<hbm>>
          %dma_start3A_304 = tpu.memref_slice %arg10[%rem3A_295] : memref<3x!tpu.dma_semaphore, #tpu.memory_space<semaphore_mem>> -> memref<1x!tpu.dma_semaphore, #tpu.memory_space<semaphore_mem>>
          %dma_start3A_305 = tpu.memref_squeeze %dma_start3A_304 : memref<1x!tpu.dma_semaphore, #tpu.memory_space<semaphore_mem>> -> memref<!tpu.dma_semaphore, #tpu.memory_space<semaphore_mem>>
          %dma_start3A_306 = arith.constant 0 : i32
          %dma_start3A_307 = arith.constant 0 : i32
          %dma_start3A_308 = tpu.memref_slice %arg7[%rem3A_295, %dma_start3A_306, %dma_start3A_307] : memref<3x2x120xi32, #tpu.memory_space<vmem>> -> memref<1x2x120xi32, #tpu.memory_space<vmem>>
          %dma_start3A_309 = tpu.memref_squeeze %dma_start3A_308 : memref<1x2x120xi32, #tpu.memory_space<vmem>> -> memref<2x120xi32, #tpu.memory_space<vmem>>
          %dma_start3A_310 = arith.constant 0 : i32
          %dma_start3A_311 = arith.constant 0 : i32
          %dma_start3A_312 = tpu.memref_slice %arg4[%add3A, %select_n3A_281, %dma_start3A_310, %dma_start3A_311] : memref<32x42x2x120xi32, #tpu.memory_space<hbm>> -> memref<1x1x2x120xi32, #tpu.memory_space<hbm>>
          %dma_start3A_313 = tpu.memref_squeeze %dma_start3A_312 : memref<1x1x2x120xi32, #tpu.memory_space<hbm>> -> memref<2x120xi32, #tpu.memory_space<hbm>>
          tpu.enqueue_dma source(%dma_start3A_313 : memref<2x120xi32, #tpu.memory_space<hbm>>) target(%dma_start3A_309 : memref<2x120xi32, #tpu.memory_space<vmem>>) target_semaphore(%dma_start3A_305 : memref<!tpu.dma_semaphore, #tpu.memory_space<semaphore_mem>>)
          %dma_start3A_314 = arith.constant 0 : i32
          %dma_start3A_315 = arith.constant 0 : i32
          %dma_start3A_316 = tpu.memref_slice %arg8[%rem3A_295, %dma_start3A_314, %dma_start3A_315] : memref<3x2x120xi32, #tpu.memory_space<vmem>> -> memref<1x2x120xi32, #tpu.memory_space<vmem>>
          %dma_start3A_317 = tpu.memref_squeeze %dma_start3A_316 : memref<1x2x120xi32, #tpu.memory_space<vmem>> -> memref<2x120xi32, #tpu.memory_space<vmem>>
          %dma_start3A_318 = arith.constant 0 : i32
          %dma_start3A_319 = arith.constant 0 : i32
          %dma_start3A_320 = tpu.memref_slice %arg5[%add3A, %select_n3A_281, %dma_start3A_318, %dma_start3A_319] : memref<32x42x2x120xi32, #tpu.memory_space<hbm>> -> memref<1x1x2x120xi32, #tpu.memory_space<hbm>>
          %dma_start3A_321 = tpu.memref_squeeze %dma_start3A_320 : memref<1x1x2x120xi32, #tpu.memory_space<hbm>> -> memref<2x120xi32, #tpu.memory_space<hbm>>
          %dma_start3A_322 = tpu.memref_slice %arg10[%rem3A_295] : memref<3x!tpu.dma_semaphore, #tpu.memory_space<semaphore_mem>> -> memref<1x!tpu.dma_semaphore, #tpu.memory_space<semaphore_mem>>
          %dma_start3A_323 = tpu.memref_squeeze %dma_start3A_322 : memref<1x!tpu.dma_semaphore, #tpu.memory_space<semaphore_mem>> -> memref<!tpu.dma_semaphore, #tpu.memory_space<semaphore_mem>>
          %dma_start3A_324 = arith.constant 0 : i32
          %dma_start3A_325 = arith.constant 0 : i32
          %dma_start3A_326 = tpu.memref_slice %arg8[%rem3A_295, %dma_start3A_324, %dma_start3A_325] : memref<3x2x120xi32, #tpu.memory_space<vmem>> -> memref<1x2x120xi32, #tpu.memory_space<vmem>>
          %dma_start3A_327 = tpu.memref_squeeze %dma_start3A_326 : memref<1x2x120xi32, #tpu.memory_space<vmem>> -> memref<2x120xi32, #tpu.memory_space<vmem>>
          %dma_start3A_328 = arith.constant 0 : i32
          %dma_start3A_329 = arith.constant 0 : i32
          %dma_start3A_330 = tpu.memref_slice %arg5[%add3A, %select_n3A_281, %dma_start3A_328, %dma_start3A_329] : memref<32x42x2x120xi32, #tpu.memory_space<hbm>> -> memref<1x1x2x120xi32, #tpu.memory_space<hbm>>
          %dma_start3A_331 = tpu.memref_squeeze %dma_start3A_330 : memref<1x1x2x120xi32, #tpu.memory_space<hbm>> -> memref<2x120xi32, #tpu.memory_space<hbm>>
          tpu.enqueue_dma source(%dma_start3A_331 : memref<2x120xi32, #tpu.memory_space<hbm>>) target(%dma_start3A_327 : memref<2x120xi32, #tpu.memory_space<vmem>>) target_semaphore(%dma_start3A_323 : memref<!tpu.dma_semaphore, #tpu.memory_space<semaphore_mem>>)
        } else {
        }
        %add3A_287 = arith.constant 1 : i32
        %add3A_288 = arith.addi %select_n3A, %add3A_287 : i32
        %lt3A_289 = arith.constant 42 : i32
        %lt3A_290 = arith.cmpi slt, %add3A_288, %lt3A_289 : i32
        %convert_element_type3A_291 = arith.extui %lt3A_290 : i1 to i32
        %cond3A_292 = arith.constant 0 : i32
        %cond3A_293 = arith.cmpi ne, %convert_element_type3A_291, %cond3A_292 : i32
        scf.if %cond3A_293 {
          %add3A_294 = arith.constant 1 : i32
          %add3A_295 = arith.addi %select_n3A, %add3A_294 : i32
          %add3A_296 = arith.constant 1 : i32
          %add3A_297 = arith.addi %select_n3A, %add3A_296 : i32
          %rem3A_298 = arith.constant 3 : i32
          %rem3A_299 = arith.remsi %add3A_297, %rem3A_298 : i32
          %dma_wait3A_300 = arith.constant 0 : i32
          %dma_wait3A_301 = arith.constant 0 : i32
          %dma_wait3A_302 = tpu.memref_slice %arg7[%rem3A_299, %dma_wait3A_300, %dma_wait3A_301] : memref<3x2x120xi32, #tpu.memory_space<vmem>> -> memref<1x2x120xi32, #tpu.memory_space<vmem>>
          %dma_wait3A_303 = tpu.memref_squeeze %dma_wait3A_302 : memref<1x2x120xi32, #tpu.memory_space<vmem>> -> memref<2x120xi32, #tpu.memory_space<vmem>>
          %dma_wait3A_304 = arith.constant 0 : i32
          %dma_wait3A_305 = arith.constant 0 : i32
          %dma_wait3A_306 = tpu.memref_slice %arg4[%add3A, %add3A_295, %dma_wait3A_304, %dma_wait3A_305] : memref<32x42x2x120xi32, #tpu.memory_space<hbm>> -> memref<1x1x2x120xi32, #tpu.memory_space<hbm>>
          %dma_wait3A_307 = tpu.memref_squeeze %dma_wait3A_306 : memref<1x1x2x120xi32, #tpu.memory_space<hbm>> -> memref<2x120xi32, #tpu.memory_space<hbm>>
          %dma_wait3A_308 = tpu.memref_slice %arg10[%rem3A_299] : memref<3x!tpu.dma_semaphore, #tpu.memory_space<semaphore_mem>> -> memref<1x!tpu.dma_semaphore, #tpu.memory_space<semaphore_mem>>
          %dma_wait3A_309 = tpu.memref_squeeze %dma_wait3A_308 : memref<1x!tpu.dma_semaphore, #tpu.memory_space<semaphore_mem>> -> memref<!tpu.dma_semaphore, #tpu.memory_space<semaphore_mem>>
          %dma_wait3A_310 = arith.constant 0 : i32
          %dma_wait3A_311 = arith.constant 0 : i32
          %dma_wait3A_312 = tpu.memref_slice %arg7[%rem3A_299, %dma_wait3A_310, %dma_wait3A_311] : memref<3x2x120xi32, #tpu.memory_space<vmem>> -> memref<1x2x120xi32, #tpu.memory_space<vmem>>
          %dma_wait3A_313 = tpu.memref_squeeze %dma_wait3A_312 : memref<1x2x120xi32, #tpu.memory_space<vmem>> -> memref<2x120xi32, #tpu.memory_space<vmem>>
          %dma_wait3A_314 = arith.constant 0 : i32
          %dma_wait3A_315 = arith.constant 0 : i32
          %dma_wait3A_316 = tpu.memref_slice %arg4[%add3A, %add3A_295, %dma_wait3A_314, %dma_wait3A_315] : memref<32x42x2x120xi32, #tpu.memory_space<hbm>> -> memref<1x1x2x120xi32, #tpu.memory_space<hbm>>
          %dma_wait3A_317 = tpu.memref_squeeze %dma_wait3A_316 : memref<1x1x2x120xi32, #tpu.memory_space<hbm>> -> memref<2x120xi32, #tpu.memory_space<hbm>>
          tpu.wait_dma2 semaphore(%dma_wait3A_309 : memref<!tpu.dma_semaphore, #tpu.memory_space<semaphore_mem>>) src(%dma_wait3A_317 : memref<2x120xi32, #tpu.memory_space<hbm>>) dst(%dma_wait3A_313 : memref<2x120xi32, #tpu.memory_space<vmem>>)
          %dma_wait3A_318 = arith.constant 0 : i32
          %dma_wait3A_319 = arith.constant 0 : i32
          %dma_wait3A_320 = tpu.memref_slice %arg8[%rem3A_299, %dma_wait3A_318, %dma_wait3A_319] : memref<3x2x120xi32, #tpu.memory_space<vmem>> -> memref<1x2x120xi32, #tpu.memory_space<vmem>>
          %dma_wait3A_321 = tpu.memref_squeeze %dma_wait3A_320 : memref<1x2x120xi32, #tpu.memory_space<vmem>> -> memref<2x120xi32, #tpu.memory_space<vmem>>
          %dma_wait3A_322 = arith.constant 0 : i32
          %dma_wait3A_323 = arith.constant 0 : i32
          %dma_wait3A_324 = tpu.memref_slice %arg5[%add3A, %add3A_295, %dma_wait3A_322, %dma_wait3A_323] : memref<32x42x2x120xi32, #tpu.memory_space<hbm>> -> memref<1x1x2x120xi32, #tpu.memory_space<hbm>>
          %dma_wait3A_325 = tpu.memref_squeeze %dma_wait3A_324 : memref<1x1x2x120xi32, #tpu.memory_space<hbm>> -> memref<2x120xi32, #tpu.memory_space<hbm>>
          %dma_wait3A_326 = tpu.memref_slice %arg10[%rem3A_299] : memref<3x!tpu.dma_semaphore, #tpu.memory_space<semaphore_mem>> -> memref<1x!tpu.dma_semaphore, #tpu.memory_space<semaphore_mem>>
          %dma_wait3A_327 = tpu.memref_squeeze %dma_wait3A_326 : memref<1x!tpu.dma_semaphore, #tpu.memory_space<semaphore_mem>> -> memref<!tpu.dma_semaphore, #tpu.memory_space<semaphore_mem>>
          %dma_wait3A_328 = arith.constant 0 : i32
          %dma_wait3A_329 = arith.constant 0 : i32
          %dma_wait3A_330 = tpu.memref_slice %arg8[%rem3A_299, %dma_wait3A_328, %dma_wait3A_329] : memref<3x2x120xi32, #tpu.memory_space<vmem>> -> memref<1x2x120xi32, #tpu.memory_space<vmem>>
          %dma_wait3A_331 = tpu.memref_squeeze %dma_wait3A_330 : memref<1x2x120xi32, #tpu.memory_space<vmem>> -> memref<2x120xi32, #tpu.memory_space<vmem>>
          %dma_wait3A_332 = arith.constant 0 : i32
          %dma_wait3A_333 = arith.constant 0 : i32
          %dma_wait3A_334 = tpu.memref_slice %arg5[%add3A, %add3A_295, %dma_wait3A_332, %dma_wait3A_333] : memref<32x42x2x120xi32, #tpu.memory_space<hbm>> -> memref<1x1x2x120xi32, #tpu.memory_space<hbm>>
          %dma_wait3A_335 = tpu.memref_squeeze %dma_wait3A_334 : memref<1x1x2x120xi32, #tpu.memory_space<hbm>> -> memref<2x120xi32, #tpu.memory_space<hbm>>
          tpu.wait_dma2 semaphore(%dma_wait3A_327 : memref<!tpu.dma_semaphore, #tpu.memory_space<semaphore_mem>>) src(%dma_wait3A_335 : memref<2x120xi32, #tpu.memory_space<hbm>>) dst(%dma_wait3A_331 : memref<2x120xi32, #tpu.memory_space<vmem>>)
        } else {
        }
      } else {
      }
      %add3A_226 = arith.constant 1 : i32
      %add3A_227 = arith.addi %scan3A_193, %add3A_226 : i32
      %lt3A = arith.constant 84 : i32
      %lt3A_228 = arith.cmpi slt, %add3A_227, %lt3A : i32
      %convert_element_type3A_229 = arith.extui %lt3A_228 : i1 to i32
      %cond3A_230 = arith.constant 0 : i32
      %cond3A_231 = arith.cmpi ne, %convert_element_type3A_229, %cond3A_230 : i32
      scf.if %cond3A_231 {
        %add3A_256 = arith.constant 1 : i32
        %add3A_257 = arith.addi %scan3A_193, %add3A_256 : i32
        %jit3A_258 = arith.constant 2 : i32
        %div3A_259 = arith.divsi %add3A_257, %jit3A_258 : i32
        %sign3A_260 = arith.constant 0 : i32
        %sign3A_261 = arith.cmpi sgt, %add3A_257, %sign3A_260 : i32
        %sign3A_262 = arith.extui %sign3A_261 : i1 to i32
        %sign3A_263 = arith.constant 0 : i32
        %sign3A_264 = arith.cmpi slt, %add3A_257, %sign3A_263 : i32
        %sign3A_265 = arith.extui %sign3A_264 : i1 to i32
        %sign3A_266 = arith.subi %sign3A_262, %sign3A_265 : i32
        %sign3A_267 = arith.constant 0 : i32
        %sign3A_268 = arith.cmpi sgt, %jit3A_258, %sign3A_267 : i32
        %sign3A_269 = arith.extui %sign3A_268 : i1 to i32
        %sign3A_270 = arith.constant 0 : i32
        %sign3A_271 = arith.cmpi slt, %jit3A_258, %sign3A_270 : i32
        %sign3A_272 = arith.extui %sign3A_271 : i1 to i32
        %sign3A_273 = arith.subi %sign3A_269, %sign3A_272 : i32
        %ne3A_274 = arith.cmpi ne, %sign3A_266, %sign3A_273 : i32
        %rem3A_275 = arith.remsi %add3A_257, %jit3A_258 : i32
        %ne3A_276 = arith.constant 0 : i32
        %ne3A_277 = arith.cmpi ne, %rem3A_275, %ne3A_276 : i32
        %and3A_278 = arith.andi %ne3A_274, %ne3A_277 : i1
        %sub3A_279 = arith.constant 1 : i32
        %sub3A_280 = arith.subi %div3A_259, %sub3A_279 : i32
        %select_n3A_281 = arith.select %and3A_278, %sub3A_280, %div3A_259 : i32
        %rem3A_282 = arith.constant 3 : i32
        %rem3A_283 = arith.remsi %select_n3A_281, %rem3A_282 : i32
        %add3A_284 = arith.constant 1 : i32
        %add3A_285 = arith.addi %scan3A_193, %add3A_284 : i32
        %rem3A_286 = arith.constant 2 : i32
        %rem3A_287 = arith.remsi %add3A_285, %rem3A_286 : i32
        %add3A_288 = arith.constant 1 : i32
        %add3A_289 = arith.addi %scan3A_193, %add3A_288 : i32
        %rem3A_290 = arith.constant 3 : i32
        %rem3A_291 = arith.remsi %add3A_289, %rem3A_290 : i32
        %dma_start3A_292 = arith.constant 0 : i32
        %dma_start3A_293 = arith.constant 0 : i32
        %dma_start3A_294 = tpu.memref_slice %arg9[%rem3A_291, %dma_start3A_292, %dma_start3A_293] : memref<3x120x128xf32, #tpu.memory_space<vmem>> -> memref<1x120x128xf32, #tpu.memory_space<vmem>>
        %dma_start3A_295 = tpu.memref_squeeze %dma_start3A_294 : memref<1x120x128xf32, #tpu.memory_space<vmem>> -> memref<120x128xf32, #tpu.memory_space<vmem>>
        %dma_start3A_296 = arith.constant 0 : i32
        %dma_start3A_297 = tpu.memref_slice %arg7[%rem3A_283, %rem3A_287, %dma_start3A_296] : memref<3x2x120xi32, #tpu.memory_space<vmem>> -> memref<1x1x120xi32, #tpu.memory_space<vmem>>
        %dma_start3A_298 = tpu.memref_squeeze %dma_start3A_297 : memref<1x1x120xi32, #tpu.memory_space<vmem>> -> memref<120xi32, #tpu.memory_space<vmem>>
        %dma_start3A_299 = arith.constant 0 : i32
        %dma_start3A_300 = arith.constant 0 : i32
        %dma_start3A_301 = tpu.memref_slice %arg2[%dma_start3A_299, %dma_start3A_300] : memref<10240x128xf32, #tpu.memory_space<hbm>> -> memref<10240x128xf32, #tpu.memory_space<hbm>>
        %dma_start3A_302 = tpu.memref_slice %arg11[%rem3A_291] : memref<3x!tpu.dma_semaphore, #tpu.memory_space<semaphore_mem>> -> memref<1x!tpu.dma_semaphore, #tpu.memory_space<semaphore_mem>>
        %dma_start3A_303 = tpu.memref_squeeze %dma_start3A_302 : memref<1x!tpu.dma_semaphore, #tpu.memory_space<semaphore_mem>> -> memref<!tpu.dma_semaphore, #tpu.memory_space<semaphore_mem>>
        tpu.enqueue_indirect_dma source(%dma_start3A_301 : memref<10240x128xf32, #tpu.memory_space<hbm>>) target(%dma_start3A_295 : memref<120x128xf32, #tpu.memory_space<vmem>>) offsets(%dma_start3A_298 : memref<120xi32, #tpu.memory_space<vmem>>) semaphore(%dma_start3A_303 : memref<!tpu.dma_semaphore, #tpu.memory_space<semaphore_mem>>)
      } else {
      }
      %dma_wait3A_232 = arith.constant 0 : i32
      %dma_wait3A_233 = arith.constant 0 : i32
      %dma_wait3A_234 = tpu.memref_slice %arg9[%rem3A_195, %dma_wait3A_232, %dma_wait3A_233] : memref<3x120x128xf32, #tpu.memory_space<vmem>> -> memref<1x120x128xf32, #tpu.memory_space<vmem>>
      %dma_wait3A_235 = tpu.memref_squeeze %dma_wait3A_234 : memref<1x120x128xf32, #tpu.memory_space<vmem>> -> memref<120x128xf32, #tpu.memory_space<vmem>>
      %dma_wait3A_236 = arith.constant 0 : i32
      %dma_wait3A_237 = tpu.memref_slice %arg7[%rem3A_216, %rem3A_197, %dma_wait3A_236] : memref<3x2x120xi32, #tpu.memory_space<vmem>> -> memref<1x1x120xi32, #tpu.memory_space<vmem>>
      %dma_wait3A_238 = tpu.memref_squeeze %dma_wait3A_237 : memref<1x1x120xi32, #tpu.memory_space<vmem>> -> memref<120xi32, #tpu.memory_space<vmem>>
      %dma_wait3A_239 = arith.constant 0 : i32
      %dma_wait3A_240 = arith.constant 0 : i32
      %dma_wait3A_241 = tpu.memref_slice %arg2[%dma_wait3A_239, %dma_wait3A_240] : memref<10240x128xf32, #tpu.memory_space<hbm>> -> memref<10240x128xf32, #tpu.memory_space<hbm>>
      %dma_wait3A_242 = tpu.memref_slice %arg11[%rem3A_195] : memref<3x!tpu.dma_semaphore, #tpu.memory_space<semaphore_mem>> -> memref<1x!tpu.dma_semaphore, #tpu.memory_space<semaphore_mem>>
      %dma_wait3A_243 = tpu.memref_squeeze %dma_wait3A_242 : memref<1x!tpu.dma_semaphore, #tpu.memory_space<semaphore_mem>> -> memref<!tpu.dma_semaphore, #tpu.memory_space<semaphore_mem>>
      tpu.wait_indirect_dma semaphore(%dma_wait3A_243 : memref<!tpu.dma_semaphore, #tpu.memory_space<semaphore_mem>>) src(%dma_wait3A_241 : memref<10240x128xf32, #tpu.memory_space<hbm>>) dst(%dma_wait3A_235 : memref<120x128xf32, #tpu.memory_space<vmem>>)
      %dma_start3A_244 = arith.constant 0 : i32
      %dma_start3A_245 = arith.constant 0 : i32
      %dma_start3A_246 = tpu.memref_slice %arg9[%rem3A_195, %dma_start3A_244, %dma_start3A_245] : memref<3x120x128xf32, #tpu.memory_space<vmem>> -> memref<1x120x128xf32, #tpu.memory_space<vmem>>
      %dma_start3A_247 = tpu.memref_squeeze %dma_start3A_246 : memref<1x120x128xf32, #tpu.memory_space<vmem>> -> memref<120x128xf32, #tpu.memory_space<vmem>>
      %dma_start3A_248 = arith.constant 0 : i32
      %dma_start3A_249 = tpu.memref_slice %arg8[%rem3A_216, %rem3A_197, %dma_start3A_248] : memref<3x2x120xi32, #tpu.memory_space<vmem>> -> memref<1x1x120xi32, #tpu.memory_space<vmem>>
      %dma_start3A_250 = tpu.memref_squeeze %dma_start3A_249 : memref<1x1x120xi32, #tpu.memory_space<vmem>> -> memref<120xi32, #tpu.memory_space<vmem>>
      %dma_start3A_251 = arith.constant 0 : i32
      %dma_start3A_252 = arith.constant 0 : i32
      %dma_start3A_253 = tpu.memref_slice %arg13[%dma_start3A_251, %dma_start3A_252] : memref<10240x128xf32, #tpu.memory_space<vmem_shared>> -> memref<10240x128xf32, #tpu.memory_space<vmem_shared>>
      %dma_start3A_254 = tpu.memref_slice %arg12[%rem3A_195] : memref<3x!tpu.dma_semaphore, #tpu.memory_space<semaphore_mem>> -> memref<1x!tpu.dma_semaphore, #tpu.memory_space<semaphore_mem>>
      %dma_start3A_255 = tpu.memref_squeeze %dma_start3A_254 : memref<1x!tpu.dma_semaphore, #tpu.memory_space<semaphore_mem>> -> memref<!tpu.dma_semaphore, #tpu.memory_space<semaphore_mem>>
      tpu.enqueue_indirect_dma source(%dma_start3A_247 : memref<120x128xf32, #tpu.memory_space<vmem>>) target(%dma_start3A_253 : memref<10240x128xf32, #tpu.memory_space<vmem_shared>>) offsets(%dma_start3A_250 : memref<120xi32, #tpu.memory_space<vmem>>) semaphore(%dma_start3A_255 : memref<!tpu.dma_semaphore, #tpu.memory_space<semaphore_mem>>) {add = true}
    }
    %scan3A_152 = arith.constant 84 : i32
    %rem3A = arith.constant 41 : i32
    %rem3A_153 = arith.constant 3 : i32
    %rem3A_154 = arith.remsi %rem3A, %rem3A_153 : i32
    %dma_wait3A_155 = arith.constant 1 : i32
    %dma_wait3A_156 = arith.constant 0 : i32
    %dma_wait3A_157 = arith.constant 1 : i32
    %dma_wait3A_158 = arith.constant 0 : i32
    %dma_wait3A_159 = arith.constant 0 : i32
    %dma_wait3A_160 = tpu.memref_slice %arg9[%dma_wait3A_155, %dma_wait3A_158, %dma_wait3A_159] : memref<3x120x128xf32, #tpu.memory_space<vmem>> -> memref<1x120x128xf32, #tpu.memory_space<vmem>>
    %dma_wait3A_161 = tpu.memref_squeeze %dma_wait3A_160 : memref<1x120x128xf32, #tpu.memory_space<vmem>> -> memref<120x128xf32, #tpu.memory_space<vmem>>
    %dma_wait3A_162 = arith.constant 0 : i32
    %dma_wait3A_163 = tpu.memref_slice %arg8[%rem3A_154, %dma_wait3A_156, %dma_wait3A_162] : memref<3x2x120xi32, #tpu.memory_space<vmem>> -> memref<1x1x120xi32, #tpu.memory_space<vmem>>
    %dma_wait3A_164 = tpu.memref_squeeze %dma_wait3A_163 : memref<1x1x120xi32, #tpu.memory_space<vmem>> -> memref<120xi32, #tpu.memory_space<vmem>>
    %dma_wait3A_165 = arith.constant 0 : i32
    %dma_wait3A_166 = arith.constant 0 : i32
    %dma_wait3A_167 = tpu.memref_slice %arg13[%dma_wait3A_165, %dma_wait3A_166] : memref<10240x128xf32, #tpu.memory_space<vmem_shared>> -> memref<10240x128xf32, #tpu.memory_space<vmem_shared>>
    %dma_wait3A_168 = tpu.memref_slice %arg12[%dma_wait3A_157] : memref<3x!tpu.dma_semaphore, #tpu.memory_space<semaphore_mem>> -> memref<1x!tpu.dma_semaphore, #tpu.memory_space<semaphore_mem>>
    %dma_wait3A_169 = tpu.memref_squeeze %dma_wait3A_168 : memref<1x!tpu.dma_semaphore, #tpu.memory_space<semaphore_mem>> -> memref<!tpu.dma_semaphore, #tpu.memory_space<semaphore_mem>>
    tpu.wait_indirect_dma semaphore(%dma_wait3A_169 : memref<!tpu.dma_semaphore, #tpu.memory_space<semaphore_mem>>) src(%dma_wait3A_161 : memref<120x128xf32, #tpu.memory_space<vmem>>) dst(%dma_wait3A_167 : memref<10240x128xf32, #tpu.memory_space<vmem_shared>>)
    %rem3A_170 = arith.constant 41 : i32
    %rem3A_171 = arith.constant 3 : i32
    %rem3A_172 = arith.remsi %rem3A_170, %rem3A_171 : i32
    %dma_wait3A_173 = arith.constant 2 : i32
    %dma_wait3A_174 = arith.constant 1 : i32
    %dma_wait3A_175 = arith.constant 2 : i32
    %dma_wait3A_176 = arith.constant 0 : i32
    %dma_wait3A_177 = arith.constant 0 : i32
    %dma_wait3A_178 = tpu.memref_slice %arg9[%dma_wait3A_173, %dma_wait3A_176, %dma_wait3A_177] : memref<3x120x128xf32, #tpu.memory_space<vmem>> -> memref<1x120x128xf32, #tpu.memory_space<vmem>>
    %dma_wait3A_179 = tpu.memref_squeeze %dma_wait3A_178 : memref<1x120x128xf32, #tpu.memory_space<vmem>> -> memref<120x128xf32, #tpu.memory_space<vmem>>
    %dma_wait3A_180 = arith.constant 0 : i32
    %dma_wait3A_181 = tpu.memref_slice %arg8[%rem3A_172, %dma_wait3A_174, %dma_wait3A_180] : memref<3x2x120xi32, #tpu.memory_space<vmem>> -> memref<1x1x120xi32, #tpu.memory_space<vmem>>
    %dma_wait3A_182 = tpu.memref_squeeze %dma_wait3A_181 : memref<1x1x120xi32, #tpu.memory_space<vmem>> -> memref<120xi32, #tpu.memory_space<vmem>>
    %dma_wait3A_183 = arith.constant 0 : i32
    %dma_wait3A_184 = arith.constant 0 : i32
    %dma_wait3A_185 = tpu.memref_slice %arg13[%dma_wait3A_183, %dma_wait3A_184] : memref<10240x128xf32, #tpu.memory_space<vmem_shared>> -> memref<10240x128xf32, #tpu.memory_space<vmem_shared>>
    %dma_wait3A_186 = tpu.memref_slice %arg12[%dma_wait3A_175] : memref<3x!tpu.dma_semaphore, #tpu.memory_space<semaphore_mem>> -> memref<1x!tpu.dma_semaphore, #tpu.memory_space<semaphore_mem>>
    %dma_wait3A_187 = tpu.memref_squeeze %dma_wait3A_186 : memref<1x!tpu.dma_semaphore, #tpu.memory_space<semaphore_mem>> -> memref<!tpu.dma_semaphore, #tpu.memory_space<semaphore_mem>>
    tpu.wait_indirect_dma semaphore(%dma_wait3A_187 : memref<!tpu.dma_semaphore, #tpu.memory_space<semaphore_mem>>) src(%dma_wait3A_179 : memref<120x128xf32, #tpu.memory_space<vmem>>) dst(%dma_wait3A_185 : memref<10240x128xf32, #tpu.memory_space<vmem_shared>>)
    %barrier3A_188 = arith.constant 0 : index
    tpu.barrier barrier_id(%barrier3A_188)
    %mul3A_189 = arith.constant 640 : i32
    %mul3A_190 = arith.muli %arg1, %mul3A_189 : i32
    %mul3A_191 = arith.constant 640 : i32
    %mul3A_192 = arith.muli %arg1, %mul3A_191 : i32
    "tpu.region"() ({
      %run_scoped3A = tpu.sem_alloc : memref<!tpu.dma_semaphore, #tpu.memory_space<semaphore_mem>>
      %dma_start3A_193 = arith.constant 0 : i32
      %dma_start3A_194 = tpu.memref_slice %arg6[%arg0, %mul3A_192, %dma_start3A_193] : memref<2x10240x128xf32, #tpu.memory_space<hbm>> -> memref<1x640x128xf32, #tpu.memory_space<hbm>>
      %dma_start3A_195 = tpu.memref_squeeze %dma_start3A_194 : memref<1x640x128xf32, #tpu.memory_space<hbm>> -> memref<640x128xf32, #tpu.memory_space<hbm>>
      %dma_start3A_196 = arith.constant 0 : i32
      %dma_start3A_197 = tpu.memref_slice %arg13[%mul3A_190, %dma_start3A_196] : memref<10240x128xf32, #tpu.memory_space<vmem_shared>> -> memref<640x128xf32, #tpu.memory_space<vmem_shared>>
      tpu.enqueue_dma source(%dma_start3A_197 : memref<640x128xf32, #tpu.memory_space<vmem_shared>>) target(%dma_start3A_195 : memref<640x128xf32, #tpu.memory_space<hbm>>) target_semaphore(%run_scoped3A : memref<!tpu.dma_semaphore, #tpu.memory_space<semaphore_mem>>)
      %dma_wait3A_198 = arith.constant 0 : i32
      %dma_wait3A_199 = tpu.memref_slice %arg6[%arg0, %mul3A_192, %dma_wait3A_198] : memref<2x10240x128xf32, #tpu.memory_space<hbm>> -> memref<1x640x128xf32, #tpu.memory_space<hbm>>
      %dma_wait3A_200 = tpu.memref_squeeze %dma_wait3A_199 : memref<1x640x128xf32, #tpu.memory_space<hbm>> -> memref<640x128xf32, #tpu.memory_space<hbm>>
      %dma_wait3A_201 = arith.constant 0 : i32
      %dma_wait3A_202 = tpu.memref_slice %arg13[%mul3A_190, %dma_wait3A_201] : memref<10240x128xf32, #tpu.memory_space<vmem_shared>> -> memref<640x128xf32, #tpu.memory_space<vmem_shared>>
      tpu.wait_dma2 semaphore(%run_scoped3A : memref<!tpu.dma_semaphore, #tpu.memory_space<semaphore_mem>>) src(%dma_wait3A_202 : memref<640x128xf32, #tpu.memory_space<vmem_shared>>) dst(%dma_wait3A_200 : memref<640x128xf32, #tpu.memory_space<hbm>>)
      tpu.yield
    }) : () -> ()
    return
  }
}

#map = affine_map<(d0, d1) -> (0, 0)>
#map1 = affine_map<(d0, d1) -> (0, 0, 0, 0)>
#map2 = affine_map<(d0, d1) -> (0, 0, 0)>
module attributes {stable_mosaic.version = 14 : i64} {
  func.func @_edge_kernel(%arg0: i32, %arg1: i32, %arg2: memref<10240x128xf32, #tpu.memory_space<hbm>>, %arg3: memref<10240x128xf32, #tpu.memory_space<hbm>>, %arg4: memref<32x42x2x120xi32, #tpu.memory_space<hbm>>, %arg5: memref<32x42x2x120xi32, #tpu.memory_space<hbm>>, %arg6: memref<2x10240x128xf32, #tpu.memory_space<hbm>>, %arg7: memref<3x2x120xi32, #tpu.memory_space<vmem>>, %arg8: memref<3x2x120xi32, #tpu.memory_space<vmem>>, %arg9: memref<3x120x128xf32, #tpu.memory_space<vmem>>, %arg10: memref<3x!tpu.dma_semaphore, #tpu.memory_space<semaphore_mem>>, %arg11: memref<3x!tpu.dma_semaphore, #tpu.memory_space<semaphore_mem>>, %arg12: memref<3x!tpu.dma_semaphore, #tpu.memory_space<semaphore_mem>>, %arg13: memref<10240x128xf32, #tpu.memory_space<vmem_shared>>) attributes {dimension_semantics = [#tpu.dimension_semantics<core_parallel>, #tpu.dimension_semantics<subcore_parallel>], iteration_bounds = array<i64: 2, 16>, scalar_prefetch = 0 : i64, scratch_operands = 7 : i64, tpu.core_type = #tpu.core_type<sc_vector_subcore>, window_params = [{transform_indices = #map}, {transform_indices = #map}, {transform_indices = #map1}, {transform_indices = #map1}, {transform_indices = #map2}]} {
    %mul3A = arith.constant 2 : i32
    %mul3A_0 = arith.muli %arg1, %mul3A : i32
    %add3A = arith.addi %mul3A_0, %arg0 : i32
    %eq3A = arith.constant 0 : i32
    %eq3A_1 = arith.cmpi eq, %arg0, %eq3A : i32
    %convert_element_type3A = arith.extui %eq3A_1 : i1 to i32
    %cond3A = arith.constant 0 : i32
    %cond3A_2 = arith.cmpi ne, %convert_element_type3A, %cond3A : i32
    scf.if %cond3A_2 {
      %mul3A_193 = arith.constant 640 : i32
      %mul3A_194 = arith.muli %arg1, %mul3A_193 : i32
      %mul3A_195 = arith.constant 640 : i32
      %mul3A_196 = arith.muli %arg1, %mul3A_195 : i32
      "tpu.region"() ({
        %run_scoped3A = tpu.sem_alloc : memref<!tpu.dma_semaphore, #tpu.memory_space<semaphore_mem>>
        %dma_start3A_197 = arith.constant 0 : i32
        %dma_start3A_198 = tpu.memref_slice %arg13[%mul3A_196, %dma_start3A_197] : memref<10240x128xf32, #tpu.memory_space<vmem_shared>> -> memref<640x128xf32, #tpu.memory_space<vmem_shared>>
        %dma_start3A_199 = arith.constant 0 : i32
        %dma_start3A_200 = tpu.memref_slice %arg2[%mul3A_194, %dma_start3A_199] : memref<10240x128xf32, #tpu.memory_space<hbm>> -> memref<640x128xf32, #tpu.memory_space<hbm>>
        tpu.enqueue_dma source(%dma_start3A_200 : memref<640x128xf32, #tpu.memory_space<hbm>>) target(%dma_start3A_198 : memref<640x128xf32, #tpu.memory_space<vmem_shared>>) target_semaphore(%run_scoped3A : memref<!tpu.dma_semaphore, #tpu.memory_space<semaphore_mem>>)
        %dma_wait3A_201 = arith.constant 0 : i32
        %dma_wait3A_202 = tpu.memref_slice %arg13[%mul3A_196, %dma_wait3A_201] : memref<10240x128xf32, #tpu.memory_space<vmem_shared>> -> memref<640x128xf32, #tpu.memory_space<vmem_shared>>
        %dma_wait3A_203 = arith.constant 0 : i32
        %dma_wait3A_204 = tpu.memref_slice %arg2[%mul3A_194, %dma_wait3A_203] : memref<10240x128xf32, #tpu.memory_space<hbm>> -> memref<640x128xf32, #tpu.memory_space<hbm>>
        tpu.wait_dma2 semaphore(%run_scoped3A : memref<!tpu.dma_semaphore, #tpu.memory_space<semaphore_mem>>) src(%dma_wait3A_204 : memref<640x128xf32, #tpu.memory_space<hbm>>) dst(%dma_wait3A_202 : memref<640x128xf32, #tpu.memory_space<vmem_shared>>)
        tpu.yield
      }) : () -> ()
    } else {
    }
    %eq3A_3 = arith.constant 1 : i32
    %eq3A_4 = arith.cmpi eq, %arg0, %eq3A_3 : i32
    %convert_element_type3A_5 = arith.extui %eq3A_4 : i1 to i32
    %cond3A_6 = arith.constant 0 : i32
    %cond3A_7 = arith.cmpi ne, %convert_element_type3A_5, %cond3A_6 : i32
    scf.if %cond3A_7 {
      %mul3A_193 = arith.constant 640 : i32
      %mul3A_194 = arith.muli %arg1, %mul3A_193 : i32
      %mul3A_195 = arith.constant 640 : i32
      %mul3A_196 = arith.muli %arg1, %mul3A_195 : i32
      "tpu.region"() ({
        %run_scoped3A = tpu.sem_alloc : memref<!tpu.dma_semaphore, #tpu.memory_space<semaphore_mem>>
        %dma_start3A_197 = arith.constant 0 : i32
        %dma_start3A_198 = tpu.memref_slice %arg13[%mul3A_196, %dma_start3A_197] : memref<10240x128xf32, #tpu.memory_space<vmem_shared>> -> memref<640x128xf32, #tpu.memory_space<vmem_shared>>
        %dma_start3A_199 = arith.constant 0 : i32
        %dma_start3A_200 = tpu.memref_slice %arg3[%mul3A_194, %dma_start3A_199] : memref<10240x128xf32, #tpu.memory_space<hbm>> -> memref<640x128xf32, #tpu.memory_space<hbm>>
        tpu.enqueue_dma source(%dma_start3A_200 : memref<640x128xf32, #tpu.memory_space<hbm>>) target(%dma_start3A_198 : memref<640x128xf32, #tpu.memory_space<vmem_shared>>) target_semaphore(%run_scoped3A : memref<!tpu.dma_semaphore, #tpu.memory_space<semaphore_mem>>)
        %dma_wait3A_201 = arith.constant 0 : i32
        %dma_wait3A_202 = tpu.memref_slice %arg13[%mul3A_196, %dma_wait3A_201] : memref<10240x128xf32, #tpu.memory_space<vmem_shared>> -> memref<640x128xf32, #tpu.memory_space<vmem_shared>>
        %dma_wait3A_203 = arith.constant 0 : i32
        %dma_wait3A_204 = tpu.memref_slice %arg3[%mul3A_194, %dma_wait3A_203] : memref<10240x128xf32, #tpu.memory_space<hbm>> -> memref<640x128xf32, #tpu.memory_space<hbm>>
        tpu.wait_dma2 semaphore(%run_scoped3A : memref<!tpu.dma_semaphore, #tpu.memory_space<semaphore_mem>>) src(%dma_wait3A_204 : memref<640x128xf32, #tpu.memory_space<hbm>>) dst(%dma_wait3A_202 : memref<640x128xf32, #tpu.memory_space<vmem_shared>>)
        tpu.yield
      }) : () -> ()
    } else {
    }
    %barrier3A = arith.constant 0 : index
    tpu.barrier barrier_id(%barrier3A)
    %dma_start3A = arith.constant 0 : i32
    %dma_start3A_8 = arith.constant 0 : i32
    %dma_start3A_9 = arith.constant 0 : i32
    %dma_start3A_10 = arith.constant 0 : i32
    %dma_start3A_11 = arith.constant 0 : i32
    %dma_start3A_12 = tpu.memref_slice %arg7[%dma_start3A_8, %dma_start3A_10, %dma_start3A_11] : memref<3x2x120xi32, #tpu.memory_space<vmem>> -> memref<1x2x120xi32, #tpu.memory_space<vmem>>
    %dma_start3A_13 = tpu.memref_squeeze %dma_start3A_12 : memref<1x2x120xi32, #tpu.memory_space<vmem>> -> memref<2x120xi32, #tpu.memory_space<vmem>>
    %dma_start3A_14 = arith.constant 0 : i32
    %dma_start3A_15 = arith.constant 0 : i32
    %dma_start3A_16 = tpu.memref_slice %arg4[%add3A, %dma_start3A, %dma_start3A_14, %dma_start3A_15] : memref<32x42x2x120xi32, #tpu.memory_space<hbm>> -> memref<1x1x2x120xi32, #tpu.memory_space<hbm>>
    %dma_start3A_17 = tpu.memref_squeeze %dma_start3A_16 : memref<1x1x2x120xi32, #tpu.memory_space<hbm>> -> memref<2x120xi32, #tpu.memory_space<hbm>>
    %dma_start3A_18 = tpu.memref_slice %arg10[%dma_start3A_9] : memref<3x!tpu.dma_semaphore, #tpu.memory_space<semaphore_mem>> -> memref<1x!tpu.dma_semaphore, #tpu.memory_space<semaphore_mem>>
    %dma_start3A_19 = tpu.memref_squeeze %dma_start3A_18 : memref<1x!tpu.dma_semaphore, #tpu.memory_space<semaphore_mem>> -> memref<!tpu.dma_semaphore, #tpu.memory_space<semaphore_mem>>
    %dma_start3A_20 = arith.constant 0 : i32
    %dma_start3A_21 = arith.constant 0 : i32
    %dma_start3A_22 = tpu.memref_slice %arg7[%dma_start3A_8, %dma_start3A_20, %dma_start3A_21] : memref<3x2x120xi32, #tpu.memory_space<vmem>> -> memref<1x2x120xi32, #tpu.memory_space<vmem>>
    %dma_start3A_23 = tpu.memref_squeeze %dma_start3A_22 : memref<1x2x120xi32, #tpu.memory_space<vmem>> -> memref<2x120xi32, #tpu.memory_space<vmem>>
    %dma_start3A_24 = arith.constant 0 : i32
    %dma_start3A_25 = arith.constant 0 : i32
    %dma_start3A_26 = tpu.memref_slice %arg4[%add3A, %dma_start3A, %dma_start3A_24, %dma_start3A_25] : memref<32x42x2x120xi32, #tpu.memory_space<hbm>> -> memref<1x1x2x120xi32, #tpu.memory_space<hbm>>
    %dma_start3A_27 = tpu.memref_squeeze %dma_start3A_26 : memref<1x1x2x120xi32, #tpu.memory_space<hbm>> -> memref<2x120xi32, #tpu.memory_space<hbm>>
    tpu.enqueue_dma source(%dma_start3A_27 : memref<2x120xi32, #tpu.memory_space<hbm>>) target(%dma_start3A_23 : memref<2x120xi32, #tpu.memory_space<vmem>>) target_semaphore(%dma_start3A_19 : memref<!tpu.dma_semaphore, #tpu.memory_space<semaphore_mem>>)
    %dma_start3A_28 = arith.constant 0 : i32
    %dma_start3A_29 = arith.constant 0 : i32
    %dma_start3A_30 = arith.constant 0 : i32
    %dma_start3A_31 = arith.constant 0 : i32
    %dma_start3A_32 = arith.constant 0 : i32
    %dma_start3A_33 = tpu.memref_slice %arg8[%dma_start3A_29, %dma_start3A_31, %dma_start3A_32] : memref<3x2x120xi32, #tpu.memory_space<vmem>> -> memref<1x2x120xi32, #tpu.memory_space<vmem>>
    %dma_start3A_34 = tpu.memref_squeeze %dma_start3A_33 : memref<1x2x120xi32, #tpu.memory_space<vmem>> -> memref<2x120xi32, #tpu.memory_space<vmem>>
    %dma_start3A_35 = arith.constant 0 : i32
    %dma_start3A_36 = arith.constant 0 : i32
    %dma_start3A_37 = tpu.memref_slice %arg5[%add3A, %dma_start3A_28, %dma_start3A_35, %dma_start3A_36] : memref<32x42x2x120xi32, #tpu.memory_space<hbm>> -> memref<1x1x2x120xi32, #tpu.memory_space<hbm>>
    %dma_start3A_38 = tpu.memref_squeeze %dma_start3A_37 : memref<1x1x2x120xi32, #tpu.memory_space<hbm>> -> memref<2x120xi32, #tpu.memory_space<hbm>>
    %dma_start3A_39 = tpu.memref_slice %arg10[%dma_start3A_30] : memref<3x!tpu.dma_semaphore, #tpu.memory_space<semaphore_mem>> -> memref<1x!tpu.dma_semaphore, #tpu.memory_space<semaphore_mem>>
    %dma_start3A_40 = tpu.memref_squeeze %dma_start3A_39 : memref<1x!tpu.dma_semaphore, #tpu.memory_space<semaphore_mem>> -> memref<!tpu.dma_semaphore, #tpu.memory_space<semaphore_mem>>
    %dma_start3A_41 = arith.constant 0 : i32
    %dma_start3A_42 = arith.constant 0 : i32
    %dma_start3A_43 = tpu.memref_slice %arg8[%dma_start3A_29, %dma_start3A_41, %dma_start3A_42] : memref<3x2x120xi32, #tpu.memory_space<vmem>> -> memref<1x2x120xi32, #tpu.memory_space<vmem>>
    %dma_start3A_44 = tpu.memref_squeeze %dma_start3A_43 : memref<1x2x120xi32, #tpu.memory_space<vmem>> -> memref<2x120xi32, #tpu.memory_space<vmem>>
    %dma_start3A_45 = arith.constant 0 : i32
    %dma_start3A_46 = arith.constant 0 : i32
    %dma_start3A_47 = tpu.memref_slice %arg5[%add3A, %dma_start3A_28, %dma_start3A_45, %dma_start3A_46] : memref<32x42x2x120xi32, #tpu.memory_space<hbm>> -> memref<1x1x2x120xi32, #tpu.memory_space<hbm>>
    %dma_start3A_48 = tpu.memref_squeeze %dma_start3A_47 : memref<1x1x2x120xi32, #tpu.memory_space<hbm>> -> memref<2x120xi32, #tpu.memory_space<hbm>>
    tpu.enqueue_dma source(%dma_start3A_48 : memref<2x120xi32, #tpu.memory_space<hbm>>) target(%dma_start3A_44 : memref<2x120xi32, #tpu.memory_space<vmem>>) target_semaphore(%dma_start3A_40 : memref<!tpu.dma_semaphore, #tpu.memory_space<semaphore_mem>>)
    %dma_start3A_49 = arith.constant 1 : i32
    %dma_start3A_50 = arith.constant 1 : i32
    %dma_start3A_51 = arith.constant 1 : i32
    %dma_start3A_52 = arith.constant 0 : i32
    %dma_start3A_53 = arith.constant 0 : i32
    %dma_start3A_54 = tpu.memref_slice %arg7[%dma_start3A_50, %dma_start3A_52, %dma_start3A_53] : memref<3x2x120xi32, #tpu.memory_space<vmem>> -> memref<1x2x120xi32, #tpu.memory_space<vmem>>
    %dma_start3A_55 = tpu.memref_squeeze %dma_start3A_54 : memref<1x2x120xi32, #tpu.memory_space<vmem>> -> memref<2x120xi32, #tpu.memory_space<vmem>>
    %dma_start3A_56 = arith.constant 0 : i32
    %dma_start3A_57 = arith.constant 0 : i32
    %dma_start3A_58 = tpu.memref_slice %arg4[%add3A, %dma_start3A_49, %dma_start3A_56, %dma_start3A_57] : memref<32x42x2x120xi32, #tpu.memory_space<hbm>> -> memref<1x1x2x120xi32, #tpu.memory_space<hbm>>
    %dma_start3A_59 = tpu.memref_squeeze %dma_start3A_58 : memref<1x1x2x120xi32, #tpu.memory_space<hbm>> -> memref<2x120xi32, #tpu.memory_space<hbm>>
    %dma_start3A_60 = tpu.memref_slice %arg10[%dma_start3A_51] : memref<3x!tpu.dma_semaphore, #tpu.memory_space<semaphore_mem>> -> memref<1x!tpu.dma_semaphore, #tpu.memory_space<semaphore_mem>>
    %dma_start3A_61 = tpu.memref_squeeze %dma_start3A_60 : memref<1x!tpu.dma_semaphore, #tpu.memory_space<semaphore_mem>> -> memref<!tpu.dma_semaphore, #tpu.memory_space<semaphore_mem>>
    %dma_start3A_62 = arith.constant 0 : i32
    %dma_start3A_63 = arith.constant 0 : i32
    %dma_start3A_64 = tpu.memref_slice %arg7[%dma_start3A_50, %dma_start3A_62, %dma_start3A_63] : memref<3x2x120xi32, #tpu.memory_space<vmem>> -> memref<1x2x120xi32, #tpu.memory_space<vmem>>
    %dma_start3A_65 = tpu.memref_squeeze %dma_start3A_64 : memref<1x2x120xi32, #tpu.memory_space<vmem>> -> memref<2x120xi32, #tpu.memory_space<vmem>>
    %dma_start3A_66 = arith.constant 0 : i32
    %dma_start3A_67 = arith.constant 0 : i32
    %dma_start3A_68 = tpu.memref_slice %arg4[%add3A, %dma_start3A_49, %dma_start3A_66, %dma_start3A_67] : memref<32x42x2x120xi32, #tpu.memory_space<hbm>> -> memref<1x1x2x120xi32, #tpu.memory_space<hbm>>
    %dma_start3A_69 = tpu.memref_squeeze %dma_start3A_68 : memref<1x1x2x120xi32, #tpu.memory_space<hbm>> -> memref<2x120xi32, #tpu.memory_space<hbm>>
    tpu.enqueue_dma source(%dma_start3A_69 : memref<2x120xi32, #tpu.memory_space<hbm>>) target(%dma_start3A_65 : memref<2x120xi32, #tpu.memory_space<vmem>>) target_semaphore(%dma_start3A_61 : memref<!tpu.dma_semaphore, #tpu.memory_space<semaphore_mem>>)
    %dma_start3A_70 = arith.constant 1 : i32
    %dma_start3A_71 = arith.constant 1 : i32
    %dma_start3A_72 = arith.constant 1 : i32
    %dma_start3A_73 = arith.constant 0 : i32
    %dma_start3A_74 = arith.constant 0 : i32
    %dma_start3A_75 = tpu.memref_slice %arg8[%dma_start3A_71, %dma_start3A_73, %dma_start3A_74] : memref<3x2x120xi32, #tpu.memory_space<vmem>> -> memref<1x2x120xi32, #tpu.memory_space<vmem>>
    %dma_start3A_76 = tpu.memref_squeeze %dma_start3A_75 : memref<1x2x120xi32, #tpu.memory_space<vmem>> -> memref<2x120xi32, #tpu.memory_space<vmem>>
    %dma_start3A_77 = arith.constant 0 : i32
    %dma_start3A_78 = arith.constant 0 : i32
    %dma_start3A_79 = tpu.memref_slice %arg5[%add3A, %dma_start3A_70, %dma_start3A_77, %dma_start3A_78] : memref<32x42x2x120xi32, #tpu.memory_space<hbm>> -> memref<1x1x2x120xi32, #tpu.memory_space<hbm>>
    %dma_start3A_80 = tpu.memref_squeeze %dma_start3A_79 : memref<1x1x2x120xi32, #tpu.memory_space<hbm>> -> memref<2x120xi32, #tpu.memory_space<hbm>>
    %dma_start3A_81 = tpu.memref_slice %arg10[%dma_start3A_72] : memref<3x!tpu.dma_semaphore, #tpu.memory_space<semaphore_mem>> -> memref<1x!tpu.dma_semaphore, #tpu.memory_space<semaphore_mem>>
    %dma_start3A_82 = tpu.memref_squeeze %dma_start3A_81 : memref<1x!tpu.dma_semaphore, #tpu.memory_space<semaphore_mem>> -> memref<!tpu.dma_semaphore, #tpu.memory_space<semaphore_mem>>
    %dma_start3A_83 = arith.constant 0 : i32
    %dma_start3A_84 = arith.constant 0 : i32
    %dma_start3A_85 = tpu.memref_slice %arg8[%dma_start3A_71, %dma_start3A_83, %dma_start3A_84] : memref<3x2x120xi32, #tpu.memory_space<vmem>> -> memref<1x2x120xi32, #tpu.memory_space<vmem>>
    %dma_start3A_86 = tpu.memref_squeeze %dma_start3A_85 : memref<1x2x120xi32, #tpu.memory_space<vmem>> -> memref<2x120xi32, #tpu.memory_space<vmem>>
    %dma_start3A_87 = arith.constant 0 : i32
    %dma_start3A_88 = arith.constant 0 : i32
    %dma_start3A_89 = tpu.memref_slice %arg5[%add3A, %dma_start3A_70, %dma_start3A_87, %dma_start3A_88] : memref<32x42x2x120xi32, #tpu.memory_space<hbm>> -> memref<1x1x2x120xi32, #tpu.memory_space<hbm>>
    %dma_start3A_90 = tpu.memref_squeeze %dma_start3A_89 : memref<1x1x2x120xi32, #tpu.memory_space<hbm>> -> memref<2x120xi32, #tpu.memory_space<hbm>>
    tpu.enqueue_dma source(%dma_start3A_90 : memref<2x120xi32, #tpu.memory_space<hbm>>) target(%dma_start3A_86 : memref<2x120xi32, #tpu.memory_space<vmem>>) target_semaphore(%dma_start3A_82 : memref<!tpu.dma_semaphore, #tpu.memory_space<semaphore_mem>>)
    %dma_wait3A = arith.constant 0 : i32
    %dma_wait3A_91 = arith.constant 0 : i32
    %dma_wait3A_92 = arith.constant 0 : i32
    %dma_wait3A_93 = arith.constant 0 : i32
    %dma_wait3A_94 = arith.constant 0 : i32
    %dma_wait3A_95 = tpu.memref_slice %arg7[%dma_wait3A_91, %dma_wait3A_93, %dma_wait3A_94] : memref<3x2x120xi32, #tpu.memory_space<vmem>> -> memref<1x2x120xi32, #tpu.memory_space<vmem>>
    %dma_wait3A_96 = tpu.memref_squeeze %dma_wait3A_95 : memref<1x2x120xi32, #tpu.memory_space<vmem>> -> memref<2x120xi32, #tpu.memory_space<vmem>>
    %dma_wait3A_97 = arith.constant 0 : i32
    %dma_wait3A_98 = arith.constant 0 : i32
    %dma_wait3A_99 = tpu.memref_slice %arg4[%add3A, %dma_wait3A, %dma_wait3A_97, %dma_wait3A_98] : memref<32x42x2x120xi32, #tpu.memory_space<hbm>> -> memref<1x1x2x120xi32, #tpu.memory_space<hbm>>
    %dma_wait3A_100 = tpu.memref_squeeze %dma_wait3A_99 : memref<1x1x2x120xi32, #tpu.memory_space<hbm>> -> memref<2x120xi32, #tpu.memory_space<hbm>>
    %dma_wait3A_101 = tpu.memref_slice %arg10[%dma_wait3A_92] : memref<3x!tpu.dma_semaphore, #tpu.memory_space<semaphore_mem>> -> memref<1x!tpu.dma_semaphore, #tpu.memory_space<semaphore_mem>>
    %dma_wait3A_102 = tpu.memref_squeeze %dma_wait3A_101 : memref<1x!tpu.dma_semaphore, #tpu.memory_space<semaphore_mem>> -> memref<!tpu.dma_semaphore, #tpu.memory_space<semaphore_mem>>
    %dma_wait3A_103 = arith.constant 0 : i32
    %dma_wait3A_104 = arith.constant 0 : i32
    %dma_wait3A_105 = tpu.memref_slice %arg7[%dma_wait3A_91, %dma_wait3A_103, %dma_wait3A_104] : memref<3x2x120xi32, #tpu.memory_space<vmem>> -> memref<1x2x120xi32, #tpu.memory_space<vmem>>
    %dma_wait3A_106 = tpu.memref_squeeze %dma_wait3A_105 : memref<1x2x120xi32, #tpu.memory_space<vmem>> -> memref<2x120xi32, #tpu.memory_space<vmem>>
    %dma_wait3A_107 = arith.constant 0 : i32
    %dma_wait3A_108 = arith.constant 0 : i32
    %dma_wait3A_109 = tpu.memref_slice %arg4[%add3A, %dma_wait3A, %dma_wait3A_107, %dma_wait3A_108] : memref<32x42x2x120xi32, #tpu.memory_space<hbm>> -> memref<1x1x2x120xi32, #tpu.memory_space<hbm>>
    %dma_wait3A_110 = tpu.memref_squeeze %dma_wait3A_109 : memref<1x1x2x120xi32, #tpu.memory_space<hbm>> -> memref<2x120xi32, #tpu.memory_space<hbm>>
    tpu.wait_dma2 semaphore(%dma_wait3A_102 : memref<!tpu.dma_semaphore, #tpu.memory_space<semaphore_mem>>) src(%dma_wait3A_110 : memref<2x120xi32, #tpu.memory_space<hbm>>) dst(%dma_wait3A_106 : memref<2x120xi32, #tpu.memory_space<vmem>>)
    %dma_wait3A_111 = arith.constant 0 : i32
    %dma_wait3A_112 = arith.constant 0 : i32
    %dma_wait3A_113 = arith.constant 0 : i32
    %dma_wait3A_114 = arith.constant 0 : i32
    %dma_wait3A_115 = arith.constant 0 : i32
    %dma_wait3A_116 = tpu.memref_slice %arg8[%dma_wait3A_112, %dma_wait3A_114, %dma_wait3A_115] : memref<3x2x120xi32, #tpu.memory_space<vmem>> -> memref<1x2x120xi32, #tpu.memory_space<vmem>>
    %dma_wait3A_117 = tpu.memref_squeeze %dma_wait3A_116 : memref<1x2x120xi32, #tpu.memory_space<vmem>> -> memref<2x120xi32, #tpu.memory_space<vmem>>
    %dma_wait3A_118 = arith.constant 0 : i32
    %dma_wait3A_119 = arith.constant 0 : i32
    %dma_wait3A_120 = tpu.memref_slice %arg5[%add3A, %dma_wait3A_111, %dma_wait3A_118, %dma_wait3A_119] : memref<32x42x2x120xi32, #tpu.memory_space<hbm>> -> memref<1x1x2x120xi32, #tpu.memory_space<hbm>>
    %dma_wait3A_121 = tpu.memref_squeeze %dma_wait3A_120 : memref<1x1x2x120xi32, #tpu.memory_space<hbm>> -> memref<2x120xi32, #tpu.memory_space<hbm>>
    %dma_wait3A_122 = tpu.memref_slice %arg10[%dma_wait3A_113] : memref<3x!tpu.dma_semaphore, #tpu.memory_space<semaphore_mem>> -> memref<1x!tpu.dma_semaphore, #tpu.memory_space<semaphore_mem>>
    %dma_wait3A_123 = tpu.memref_squeeze %dma_wait3A_122 : memref<1x!tpu.dma_semaphore, #tpu.memory_space<semaphore_mem>> -> memref<!tpu.dma_semaphore, #tpu.memory_space<semaphore_mem>>
    %dma_wait3A_124 = arith.constant 0 : i32
    %dma_wait3A_125 = arith.constant 0 : i32
    %dma_wait3A_126 = tpu.memref_slice %arg8[%dma_wait3A_112, %dma_wait3A_124, %dma_wait3A_125] : memref<3x2x120xi32, #tpu.memory_space<vmem>> -> memref<1x2x120xi32, #tpu.memory_space<vmem>>
    %dma_wait3A_127 = tpu.memref_squeeze %dma_wait3A_126 : memref<1x2x120xi32, #tpu.memory_space<vmem>> -> memref<2x120xi32, #tpu.memory_space<vmem>>
    %dma_wait3A_128 = arith.constant 0 : i32
    %dma_wait3A_129 = arith.constant 0 : i32
    %dma_wait3A_130 = tpu.memref_slice %arg5[%add3A, %dma_wait3A_111, %dma_wait3A_128, %dma_wait3A_129] : memref<32x42x2x120xi32, #tpu.memory_space<hbm>> -> memref<1x1x2x120xi32, #tpu.memory_space<hbm>>
    %dma_wait3A_131 = tpu.memref_squeeze %dma_wait3A_130 : memref<1x1x2x120xi32, #tpu.memory_space<hbm>> -> memref<2x120xi32, #tpu.memory_space<hbm>>
    tpu.wait_dma2 semaphore(%dma_wait3A_123 : memref<!tpu.dma_semaphore, #tpu.memory_space<semaphore_mem>>) src(%dma_wait3A_131 : memref<2x120xi32, #tpu.memory_space<hbm>>) dst(%dma_wait3A_127 : memref<2x120xi32, #tpu.memory_space<vmem>>)
    %dma_start3A_132 = arith.constant 0 : i32
    %dma_start3A_133 = arith.constant 0 : i32
    %dma_start3A_134 = arith.constant 0 : i32
    %dma_start3A_135 = arith.constant 0 : i32
    %dma_start3A_136 = arith.constant 0 : i32
    %dma_start3A_137 = arith.constant 0 : i32
    %dma_start3A_138 = tpu.memref_slice %arg9[%dma_start3A_134, %dma_start3A_136, %dma_start3A_137] : memref<3x120x128xf32, #tpu.memory_space<vmem>> -> memref<1x120x128xf32, #tpu.memory_space<vmem>>
    %dma_start3A_139 = tpu.memref_squeeze %dma_start3A_138 : memref<1x120x128xf32, #tpu.memory_space<vmem>> -> memref<120x128xf32, #tpu.memory_space<vmem>>
    %dma_start3A_140 = arith.constant 0 : i32
    %dma_start3A_141 = tpu.memref_slice %arg7[%dma_start3A_132, %dma_start3A_133, %dma_start3A_140] : memref<3x2x120xi32, #tpu.memory_space<vmem>> -> memref<1x1x120xi32, #tpu.memory_space<vmem>>
    %dma_start3A_142 = tpu.memref_squeeze %dma_start3A_141 : memref<1x1x120xi32, #tpu.memory_space<vmem>> -> memref<120xi32, #tpu.memory_space<vmem>>
    %dma_start3A_143 = arith.constant 0 : i32
    %dma_start3A_144 = arith.constant 0 : i32
    %dma_start3A_145 = tpu.memref_slice %arg2[%dma_start3A_143, %dma_start3A_144] : memref<10240x128xf32, #tpu.memory_space<hbm>> -> memref<10240x128xf32, #tpu.memory_space<hbm>>
    %dma_start3A_146 = tpu.memref_slice %arg11[%dma_start3A_135] : memref<3x!tpu.dma_semaphore, #tpu.memory_space<semaphore_mem>> -> memref<1x!tpu.dma_semaphore, #tpu.memory_space<semaphore_mem>>
    %dma_start3A_147 = tpu.memref_squeeze %dma_start3A_146 : memref<1x!tpu.dma_semaphore, #tpu.memory_space<semaphore_mem>> -> memref<!tpu.dma_semaphore, #tpu.memory_space<semaphore_mem>>
    tpu.enqueue_indirect_dma source(%dma_start3A_145 : memref<10240x128xf32, #tpu.memory_space<hbm>>) target(%dma_start3A_139 : memref<120x128xf32, #tpu.memory_space<vmem>>) offsets(%dma_start3A_142 : memref<120xi32, #tpu.memory_space<vmem>>) semaphore(%dma_start3A_147 : memref<!tpu.dma_semaphore, #tpu.memory_space<semaphore_mem>>)
    %scan3A = arith.constant 0 : i32
    %scan3A_148 = arith.constant 0 : i32
    %scan3A_149 = arith.constant 84 : i32
    %scan3A_150 = arith.addi %scan3A_148, %scan3A_149 : i32
    %scan3A_151 = arith.constant 1 : i32
    scf.for %scan3A_193 = %scan3A_148 to %scan3A_150 step %scan3A_151  : i32 {
      %rem3A_194 = arith.constant 3 : i32
      %rem3A_195 = arith.remsi %scan3A_193, %rem3A_194 : i32
      %rem3A_196 = arith.constant 2 : i32
      %rem3A_197 = arith.remsi %scan3A_193, %rem3A_196 : i32
      %jit3A = arith.constant 2 : i32
      %div3A = arith.divsi %scan3A_193, %jit3A : i32
      %sign3A = arith.constant 0 : i32
      %sign3A_198 = arith.cmpi sgt, %scan3A_193, %sign3A : i32
      %sign3A_199 = arith.extui %sign3A_198 : i1 to i32
      %sign3A_200 = arith.constant 0 : i32
      %sign3A_201 = arith.cmpi slt, %scan3A_193, %sign3A_200 : i32
      %sign3A_202 = arith.extui %sign3A_201 : i1 to i32
      %sign3A_203 = arith.subi %sign3A_199, %sign3A_202 : i32
      %sign3A_204 = arith.constant 0 : i32
      %sign3A_205 = arith.cmpi sgt, %jit3A, %sign3A_204 : i32
      %sign3A_206 = arith.extui %sign3A_205 : i1 to i32
      %sign3A_207 = arith.constant 0 : i32
      %sign3A_208 = arith.cmpi slt, %jit3A, %sign3A_207 : i32
      %sign3A_209 = arith.extui %sign3A_208 : i1 to i32
      %sign3A_210 = arith.subi %sign3A_206, %sign3A_209 : i32
      %ne3A = arith.cmpi ne, %sign3A_203, %sign3A_210 : i32
      %rem3A_211 = arith.remsi %scan3A_193, %jit3A : i32
      %ne3A_212 = arith.constant 0 : i32
      %ne3A_213 = arith.cmpi ne, %rem3A_211, %ne3A_212 : i32
      %and3A = arith.andi %ne3A, %ne3A_213 : i1
      %sub3A = arith.constant 1 : i32
      %sub3A_214 = arith.subi %div3A, %sub3A : i32
      %select_n3A = arith.select %and3A, %sub3A_214, %div3A : i32
      %rem3A_215 = arith.constant 3 : i32
      %rem3A_216 = arith.remsi %select_n3A, %rem3A_215 : i32
      %ge3A = arith.constant 2 : i32
      %ge3A_217 = arith.cmpi sge, %scan3A_193, %ge3A : i32
      %convert_element_type3A_218 = arith.extui %ge3A_217 : i1 to i32
      %cond3A_219 = arith.constant 0 : i32
      %cond3A_220 = arith.cmpi ne, %convert_element_type3A_218, %cond3A_219 : i32
      scf.if %cond3A_220 {
        %sub3A_256 = arith.constant 2 : i32
        %sub3A_257 = arith.subi %scan3A_193, %sub3A_256 : i32
        %jit3A_258 = arith.constant 2 : i32
        %div3A_259 = arith.divsi %sub3A_257, %jit3A_258 : i32
        %sign3A_260 = arith.constant 0 : i32
        %sign3A_261 = arith.cmpi sgt, %sub3A_257, %sign3A_260 : i32
        %sign3A_262 = arith.extui %sign3A_261 : i1 to i32
        %sign3A_263 = arith.constant 0 : i32
        %sign3A_264 = arith.cmpi slt, %sub3A_257, %sign3A_263 : i32
        %sign3A_265 = arith.extui %sign3A_264 : i1 to i32
        %sign3A_266 = arith.subi %sign3A_262, %sign3A_265 : i32
        %sign3A_267 = arith.constant 0 : i32
        %sign3A_268 = arith.cmpi sgt, %jit3A_258, %sign3A_267 : i32
        %sign3A_269 = arith.extui %sign3A_268 : i1 to i32
        %sign3A_270 = arith.constant 0 : i32
        %sign3A_271 = arith.cmpi slt, %jit3A_258, %sign3A_270 : i32
        %sign3A_272 = arith.extui %sign3A_271 : i1 to i32
        %sign3A_273 = arith.subi %sign3A_269, %sign3A_272 : i32
        %ne3A_274 = arith.cmpi ne, %sign3A_266, %sign3A_273 : i32
        %rem3A_275 = arith.remsi %sub3A_257, %jit3A_258 : i32
        %ne3A_276 = arith.constant 0 : i32
        %ne3A_277 = arith.cmpi ne, %rem3A_275, %ne3A_276 : i32
        %and3A_278 = arith.andi %ne3A_274, %ne3A_277 : i1
        %sub3A_279 = arith.constant 1 : i32
        %sub3A_280 = arith.subi %div3A_259, %sub3A_279 : i32
        %select_n3A_281 = arith.select %and3A_278, %sub3A_280, %div3A_259 : i32
        %rem3A_282 = arith.constant 3 : i32
        %rem3A_283 = arith.remsi %select_n3A_281, %rem3A_282 : i32
        %add3A_284 = arith.constant 1 : i32
        %add3A_285 = arith.addi %scan3A_193, %add3A_284 : i32
        %rem3A_286 = arith.constant 3 : i32
        %rem3A_287 = arith.remsi %add3A_285, %rem3A_286 : i32
        %dma_wait3A_288 = arith.constant 0 : i32
        %dma_wait3A_289 = arith.constant 0 : i32
        %dma_wait3A_290 = tpu.memref_slice %arg9[%rem3A_287, %dma_wait3A_288, %dma_wait3A_289] : memref<3x120x128xf32, #tpu.memory_space<vmem>> -> memref<1x120x128xf32, #tpu.memory_space<vmem>>
        %dma_wait3A_291 = tpu.memref_squeeze %dma_wait3A_290 : memref<1x120x128xf32, #tpu.memory_space<vmem>> -> memref<120x128xf32, #tpu.memory_space<vmem>>
        %dma_wait3A_292 = arith.constant 0 : i32
        %dma_wait3A_293 = tpu.memref_slice %arg8[%rem3A_283, %rem3A_197, %dma_wait3A_292] : memref<3x2x120xi32, #tpu.memory_space<vmem>> -> memref<1x1x120xi32, #tpu.memory_space<vmem>>
        %dma_wait3A_294 = tpu.memref_squeeze %dma_wait3A_293 : memref<1x1x120xi32, #tpu.memory_space<vmem>> -> memref<120xi32, #tpu.memory_space<vmem>>
        %dma_wait3A_295 = arith.constant 0 : i32
        %dma_wait3A_296 = arith.constant 0 : i32
        %dma_wait3A_297 = tpu.memref_slice %arg13[%dma_wait3A_295, %dma_wait3A_296] : memref<10240x128xf32, #tpu.memory_space<vmem_shared>> -> memref<10240x128xf32, #tpu.memory_space<vmem_shared>>
        %dma_wait3A_298 = tpu.memref_slice %arg12[%rem3A_287] : memref<3x!tpu.dma_semaphore, #tpu.memory_space<semaphore_mem>> -> memref<1x!tpu.dma_semaphore, #tpu.memory_space<semaphore_mem>>
        %dma_wait3A_299 = tpu.memref_squeeze %dma_wait3A_298 : memref<1x!tpu.dma_semaphore, #tpu.memory_space<semaphore_mem>> -> memref<!tpu.dma_semaphore, #tpu.memory_space<semaphore_mem>>
        tpu.wait_indirect_dma semaphore(%dma_wait3A_299 : memref<!tpu.dma_semaphore, #tpu.memory_space<semaphore_mem>>) src(%dma_wait3A_291 : memref<120x128xf32, #tpu.memory_space<vmem>>) dst(%dma_wait3A_297 : memref<10240x128xf32, #tpu.memory_space<vmem_shared>>)
      } else {
      }
      %eq3A_221 = arith.constant 1 : i32
      %eq3A_222 = arith.cmpi eq, %rem3A_197, %eq3A_221 : i32
      %convert_element_type3A_223 = arith.extui %eq3A_222 : i1 to i32
      %cond3A_224 = arith.constant 0 : i32
      %cond3A_225 = arith.cmpi ne, %convert_element_type3A_223, %cond3A_224 : i32
      scf.if %cond3A_225 {
        %add3A_256 = arith.constant 3 : i32
        %add3A_257 = arith.addi %scan3A_193, %add3A_256 : i32
        %jit3A_258 = arith.constant 2 : i32
        %div3A_259 = arith.divsi %add3A_257, %jit3A_258 : i32
        %sign3A_260 = arith.constant 0 : i32
        %sign3A_261 = arith.cmpi sgt, %add3A_257, %sign3A_260 : i32
        %sign3A_262 = arith.extui %sign3A_261 : i1 to i32
        %sign3A_263 = arith.constant 0 : i32
        %sign3A_264 = arith.cmpi slt, %add3A_257, %sign3A_263 : i32
        %sign3A_265 = arith.extui %sign3A_264 : i1 to i32
        %sign3A_266 = arith.subi %sign3A_262, %sign3A_265 : i32
        %sign3A_267 = arith.constant 0 : i32
        %sign3A_268 = arith.cmpi sgt, %jit3A_258, %sign3A_267 : i32
        %sign3A_269 = arith.extui %sign3A_268 : i1 to i32
        %sign3A_270 = arith.constant 0 : i32
        %sign3A_271 = arith.cmpi slt, %jit3A_258, %sign3A_270 : i32
        %sign3A_272 = arith.extui %sign3A_271 : i1 to i32
        %sign3A_273 = arith.subi %sign3A_269, %sign3A_272 : i32
        %ne3A_274 = arith.cmpi ne, %sign3A_266, %sign3A_273 : i32
        %rem3A_275 = arith.remsi %add3A_257, %jit3A_258 : i32
        %ne3A_276 = arith.constant 0 : i32
        %ne3A_277 = arith.cmpi ne, %rem3A_275, %ne3A_276 : i32
        %and3A_278 = arith.andi %ne3A_274, %ne3A_277 : i1
        %sub3A_279 = arith.constant 1 : i32
        %sub3A_280 = arith.subi %div3A_259, %sub3A_279 : i32
        %select_n3A_281 = arith.select %and3A_278, %sub3A_280, %div3A_259 : i32
        %lt3A_282 = arith.constant 42 : i32
        %lt3A_283 = arith.cmpi slt, %select_n3A_281, %lt3A_282 : i32
        %convert_element_type3A_284 = arith.extui %lt3A_283 : i1 to i32
        %cond3A_285 = arith.constant 0 : i32
        %cond3A_286 = arith.cmpi ne, %convert_element_type3A_284, %cond3A_285 : i32
        scf.if %cond3A_286 {
          %rem3A_294 = arith.constant 3 : i32
          %rem3A_295 = arith.remsi %select_n3A_281, %rem3A_294 : i32
          %dma_start3A_296 = arith.constant 0 : i32
          %dma_start3A_297 = arith.constant 0 : i32
          %dma_start3A_298 = tpu.memref_slice %arg7[%rem3A_295, %dma_start3A_296, %dma_start3A_297] : memref<3x2x120xi32, #tpu.memory_space<vmem>> -> memref<1x2x120xi32, #tpu.memory_space<vmem>>
          %dma_start3A_299 = tpu.memref_squeeze %dma_start3A_298 : memref<1x2x120xi32, #tpu.memory_space<vmem>> -> memref<2x120xi32, #tpu.memory_space<vmem>>
          %dma_start3A_300 = arith.constant 0 : i32
          %dma_start3A_301 = arith.constant 0 : i32
          %dma_start3A_302 = tpu.memref_slice %arg4[%add3A, %select_n3A_281, %dma_start3A_300, %dma_start3A_301] : memref<32x42x2x120xi32, #tpu.memory_space<hbm>> -> memref<1x1x2x120xi32, #tpu.memory_space<hbm>>
          %dma_start3A_303 = tpu.memref_squeeze %dma_start3A_302 : memref<1x1x2x120xi32, #tpu.memory_space<hbm>> -> memref<2x120xi32, #tpu.memory_space<hbm>>
          %dma_start3A_304 = tpu.memref_slice %arg10[%rem3A_295] : memref<3x!tpu.dma_semaphore, #tpu.memory_space<semaphore_mem>> -> memref<1x!tpu.dma_semaphore, #tpu.memory_space<semaphore_mem>>
          %dma_start3A_305 = tpu.memref_squeeze %dma_start3A_304 : memref<1x!tpu.dma_semaphore, #tpu.memory_space<semaphore_mem>> -> memref<!tpu.dma_semaphore, #tpu.memory_space<semaphore_mem>>
          %dma_start3A_306 = arith.constant 0 : i32
          %dma_start3A_307 = arith.constant 0 : i32
          %dma_start3A_308 = tpu.memref_slice %arg7[%rem3A_295, %dma_start3A_306, %dma_start3A_307] : memref<3x2x120xi32, #tpu.memory_space<vmem>> -> memref<1x2x120xi32, #tpu.memory_space<vmem>>
          %dma_start3A_309 = tpu.memref_squeeze %dma_start3A_308 : memref<1x2x120xi32, #tpu.memory_space<vmem>> -> memref<2x120xi32, #tpu.memory_space<vmem>>
          %dma_start3A_310 = arith.constant 0 : i32
          %dma_start3A_311 = arith.constant 0 : i32
          %dma_start3A_312 = tpu.memref_slice %arg4[%add3A, %select_n3A_281, %dma_start3A_310, %dma_start3A_311] : memref<32x42x2x120xi32, #tpu.memory_space<hbm>> -> memref<1x1x2x120xi32, #tpu.memory_space<hbm>>
          %dma_start3A_313 = tpu.memref_squeeze %dma_start3A_312 : memref<1x1x2x120xi32, #tpu.memory_space<hbm>> -> memref<2x120xi32, #tpu.memory_space<hbm>>
          tpu.enqueue_dma source(%dma_start3A_313 : memref<2x120xi32, #tpu.memory_space<hbm>>) target(%dma_start3A_309 : memref<2x120xi32, #tpu.memory_space<vmem>>) target_semaphore(%dma_start3A_305 : memref<!tpu.dma_semaphore, #tpu.memory_space<semaphore_mem>>)
          %dma_start3A_314 = arith.constant 0 : i32
          %dma_start3A_315 = arith.constant 0 : i32
          %dma_start3A_316 = tpu.memref_slice %arg8[%rem3A_295, %dma_start3A_314, %dma_start3A_315] : memref<3x2x120xi32, #tpu.memory_space<vmem>> -> memref<1x2x120xi32, #tpu.memory_space<vmem>>
          %dma_start3A_317 = tpu.memref_squeeze %dma_start3A_316 : memref<1x2x120xi32, #tpu.memory_space<vmem>> -> memref<2x120xi32, #tpu.memory_space<vmem>>
          %dma_start3A_318 = arith.constant 0 : i32
          %dma_start3A_319 = arith.constant 0 : i32
          %dma_start3A_320 = tpu.memref_slice %arg5[%add3A, %select_n3A_281, %dma_start3A_318, %dma_start3A_319] : memref<32x42x2x120xi32, #tpu.memory_space<hbm>> -> memref<1x1x2x120xi32, #tpu.memory_space<hbm>>
          %dma_start3A_321 = tpu.memref_squeeze %dma_start3A_320 : memref<1x1x2x120xi32, #tpu.memory_space<hbm>> -> memref<2x120xi32, #tpu.memory_space<hbm>>
          %dma_start3A_322 = tpu.memref_slice %arg10[%rem3A_295] : memref<3x!tpu.dma_semaphore, #tpu.memory_space<semaphore_mem>> -> memref<1x!tpu.dma_semaphore, #tpu.memory_space<semaphore_mem>>
          %dma_start3A_323 = tpu.memref_squeeze %dma_start3A_322 : memref<1x!tpu.dma_semaphore, #tpu.memory_space<semaphore_mem>> -> memref<!tpu.dma_semaphore, #tpu.memory_space<semaphore_mem>>
          %dma_start3A_324 = arith.constant 0 : i32
          %dma_start3A_325 = arith.constant 0 : i32
          %dma_start3A_326 = tpu.memref_slice %arg8[%rem3A_295, %dma_start3A_324, %dma_start3A_325] : memref<3x2x120xi32, #tpu.memory_space<vmem>> -> memref<1x2x120xi32, #tpu.memory_space<vmem>>
          %dma_start3A_327 = tpu.memref_squeeze %dma_start3A_326 : memref<1x2x120xi32, #tpu.memory_space<vmem>> -> memref<2x120xi32, #tpu.memory_space<vmem>>
          %dma_start3A_328 = arith.constant 0 : i32
          %dma_start3A_329 = arith.constant 0 : i32
          %dma_start3A_330 = tpu.memref_slice %arg5[%add3A, %select_n3A_281, %dma_start3A_328, %dma_start3A_329] : memref<32x42x2x120xi32, #tpu.memory_space<hbm>> -> memref<1x1x2x120xi32, #tpu.memory_space<hbm>>
          %dma_start3A_331 = tpu.memref_squeeze %dma_start3A_330 : memref<1x1x2x120xi32, #tpu.memory_space<hbm>> -> memref<2x120xi32, #tpu.memory_space<hbm>>
          tpu.enqueue_dma source(%dma_start3A_331 : memref<2x120xi32, #tpu.memory_space<hbm>>) target(%dma_start3A_327 : memref<2x120xi32, #tpu.memory_space<vmem>>) target_semaphore(%dma_start3A_323 : memref<!tpu.dma_semaphore, #tpu.memory_space<semaphore_mem>>)
        } else {
        }
        %add3A_287 = arith.constant 1 : i32
        %add3A_288 = arith.addi %select_n3A, %add3A_287 : i32
        %lt3A_289 = arith.constant 42 : i32
        %lt3A_290 = arith.cmpi slt, %add3A_288, %lt3A_289 : i32
        %convert_element_type3A_291 = arith.extui %lt3A_290 : i1 to i32
        %cond3A_292 = arith.constant 0 : i32
        %cond3A_293 = arith.cmpi ne, %convert_element_type3A_291, %cond3A_292 : i32
        scf.if %cond3A_293 {
          %add3A_294 = arith.constant 1 : i32
          %add3A_295 = arith.addi %select_n3A, %add3A_294 : i32
          %add3A_296 = arith.constant 1 : i32
          %add3A_297 = arith.addi %select_n3A, %add3A_296 : i32
          %rem3A_298 = arith.constant 3 : i32
          %rem3A_299 = arith.remsi %add3A_297, %rem3A_298 : i32
          %dma_wait3A_300 = arith.constant 0 : i32
          %dma_wait3A_301 = arith.constant 0 : i32
          %dma_wait3A_302 = tpu.memref_slice %arg7[%rem3A_299, %dma_wait3A_300, %dma_wait3A_301] : memref<3x2x120xi32, #tpu.memory_space<vmem>> -> memref<1x2x120xi32, #tpu.memory_space<vmem>>
          %dma_wait3A_303 = tpu.memref_squeeze %dma_wait3A_302 : memref<1x2x120xi32, #tpu.memory_space<vmem>> -> memref<2x120xi32, #tpu.memory_space<vmem>>
          %dma_wait3A_304 = arith.constant 0 : i32
          %dma_wait3A_305 = arith.constant 0 : i32
          %dma_wait3A_306 = tpu.memref_slice %arg4[%add3A, %add3A_295, %dma_wait3A_304, %dma_wait3A_305] : memref<32x42x2x120xi32, #tpu.memory_space<hbm>> -> memref<1x1x2x120xi32, #tpu.memory_space<hbm>>
          %dma_wait3A_307 = tpu.memref_squeeze %dma_wait3A_306 : memref<1x1x2x120xi32, #tpu.memory_space<hbm>> -> memref<2x120xi32, #tpu.memory_space<hbm>>
          %dma_wait3A_308 = tpu.memref_slice %arg10[%rem3A_299] : memref<3x!tpu.dma_semaphore, #tpu.memory_space<semaphore_mem>> -> memref<1x!tpu.dma_semaphore, #tpu.memory_space<semaphore_mem>>
          %dma_wait3A_309 = tpu.memref_squeeze %dma_wait3A_308 : memref<1x!tpu.dma_semaphore, #tpu.memory_space<semaphore_mem>> -> memref<!tpu.dma_semaphore, #tpu.memory_space<semaphore_mem>>
          %dma_wait3A_310 = arith.constant 0 : i32
          %dma_wait3A_311 = arith.constant 0 : i32
          %dma_wait3A_312 = tpu.memref_slice %arg7[%rem3A_299, %dma_wait3A_310, %dma_wait3A_311] : memref<3x2x120xi32, #tpu.memory_space<vmem>> -> memref<1x2x120xi32, #tpu.memory_space<vmem>>
          %dma_wait3A_313 = tpu.memref_squeeze %dma_wait3A_312 : memref<1x2x120xi32, #tpu.memory_space<vmem>> -> memref<2x120xi32, #tpu.memory_space<vmem>>
          %dma_wait3A_314 = arith.constant 0 : i32
          %dma_wait3A_315 = arith.constant 0 : i32
          %dma_wait3A_316 = tpu.memref_slice %arg4[%add3A, %add3A_295, %dma_wait3A_314, %dma_wait3A_315] : memref<32x42x2x120xi32, #tpu.memory_space<hbm>> -> memref<1x1x2x120xi32, #tpu.memory_space<hbm>>
          %dma_wait3A_317 = tpu.memref_squeeze %dma_wait3A_316 : memref<1x1x2x120xi32, #tpu.memory_space<hbm>> -> memref<2x120xi32, #tpu.memory_space<hbm>>
          tpu.wait_dma2 semaphore(%dma_wait3A_309 : memref<!tpu.dma_semaphore, #tpu.memory_space<semaphore_mem>>) src(%dma_wait3A_317 : memref<2x120xi32, #tpu.memory_space<hbm>>) dst(%dma_wait3A_313 : memref<2x120xi32, #tpu.memory_space<vmem>>)
          %dma_wait3A_318 = arith.constant 0 : i32
          %dma_wait3A_319 = arith.constant 0 : i32
          %dma_wait3A_320 = tpu.memref_slice %arg8[%rem3A_299, %dma_wait3A_318, %dma_wait3A_319] : memref<3x2x120xi32, #tpu.memory_space<vmem>> -> memref<1x2x120xi32, #tpu.memory_space<vmem>>
          %dma_wait3A_321 = tpu.memref_squeeze %dma_wait3A_320 : memref<1x2x120xi32, #tpu.memory_space<vmem>> -> memref<2x120xi32, #tpu.memory_space<vmem>>
          %dma_wait3A_322 = arith.constant 0 : i32
          %dma_wait3A_323 = arith.constant 0 : i32
          %dma_wait3A_324 = tpu.memref_slice %arg5[%add3A, %add3A_295, %dma_wait3A_322, %dma_wait3A_323] : memref<32x42x2x120xi32, #tpu.memory_space<hbm>> -> memref<1x1x2x120xi32, #tpu.memory_space<hbm>>
          %dma_wait3A_325 = tpu.memref_squeeze %dma_wait3A_324 : memref<1x1x2x120xi32, #tpu.memory_space<hbm>> -> memref<2x120xi32, #tpu.memory_space<hbm>>
          %dma_wait3A_326 = tpu.memref_slice %arg10[%rem3A_299] : memref<3x!tpu.dma_semaphore, #tpu.memory_space<semaphore_mem>> -> memref<1x!tpu.dma_semaphore, #tpu.memory_space<semaphore_mem>>
          %dma_wait3A_327 = tpu.memref_squeeze %dma_wait3A_326 : memref<1x!tpu.dma_semaphore, #tpu.memory_space<semaphore_mem>> -> memref<!tpu.dma_semaphore, #tpu.memory_space<semaphore_mem>>
          %dma_wait3A_328 = arith.constant 0 : i32
          %dma_wait3A_329 = arith.constant 0 : i32
          %dma_wait3A_330 = tpu.memref_slice %arg8[%rem3A_299, %dma_wait3A_328, %dma_wait3A_329] : memref<3x2x120xi32, #tpu.memory_space<vmem>> -> memref<1x2x120xi32, #tpu.memory_space<vmem>>
          %dma_wait3A_331 = tpu.memref_squeeze %dma_wait3A_330 : memref<1x2x120xi32, #tpu.memory_space<vmem>> -> memref<2x120xi32, #tpu.memory_space<vmem>>
          %dma_wait3A_332 = arith.constant 0 : i32
          %dma_wait3A_333 = arith.constant 0 : i32
          %dma_wait3A_334 = tpu.memref_slice %arg5[%add3A, %add3A_295, %dma_wait3A_332, %dma_wait3A_333] : memref<32x42x2x120xi32, #tpu.memory_space<hbm>> -> memref<1x1x2x120xi32, #tpu.memory_space<hbm>>
          %dma_wait3A_335 = tpu.memref_squeeze %dma_wait3A_334 : memref<1x1x2x120xi32, #tpu.memory_space<hbm>> -> memref<2x120xi32, #tpu.memory_space<hbm>>
          tpu.wait_dma2 semaphore(%dma_wait3A_327 : memref<!tpu.dma_semaphore, #tpu.memory_space<semaphore_mem>>) src(%dma_wait3A_335 : memref<2x120xi32, #tpu.memory_space<hbm>>) dst(%dma_wait3A_331 : memref<2x120xi32, #tpu.memory_space<vmem>>)
        } else {
        }
      } else {
      }
      %add3A_226 = arith.constant 1 : i32
      %add3A_227 = arith.addi %scan3A_193, %add3A_226 : i32
      %lt3A = arith.constant 84 : i32
      %lt3A_228 = arith.cmpi slt, %add3A_227, %lt3A : i32
      %convert_element_type3A_229 = arith.extui %lt3A_228 : i1 to i32
      %cond3A_230 = arith.constant 0 : i32
      %cond3A_231 = arith.cmpi ne, %convert_element_type3A_229, %cond3A_230 : i32
      scf.if %cond3A_231 {
        %add3A_256 = arith.constant 1 : i32
        %add3A_257 = arith.addi %scan3A_193, %add3A_256 : i32
        %jit3A_258 = arith.constant 2 : i32
        %div3A_259 = arith.divsi %add3A_257, %jit3A_258 : i32
        %sign3A_260 = arith.constant 0 : i32
        %sign3A_261 = arith.cmpi sgt, %add3A_257, %sign3A_260 : i32
        %sign3A_262 = arith.extui %sign3A_261 : i1 to i32
        %sign3A_263 = arith.constant 0 : i32
        %sign3A_264 = arith.cmpi slt, %add3A_257, %sign3A_263 : i32
        %sign3A_265 = arith.extui %sign3A_264 : i1 to i32
        %sign3A_266 = arith.subi %sign3A_262, %sign3A_265 : i32
        %sign3A_267 = arith.constant 0 : i32
        %sign3A_268 = arith.cmpi sgt, %jit3A_258, %sign3A_267 : i32
        %sign3A_269 = arith.extui %sign3A_268 : i1 to i32
        %sign3A_270 = arith.constant 0 : i32
        %sign3A_271 = arith.cmpi slt, %jit3A_258, %sign3A_270 : i32
        %sign3A_272 = arith.extui %sign3A_271 : i1 to i32
        %sign3A_273 = arith.subi %sign3A_269, %sign3A_272 : i32
        %ne3A_274 = arith.cmpi ne, %sign3A_266, %sign3A_273 : i32
        %rem3A_275 = arith.remsi %add3A_257, %jit3A_258 : i32
        %ne3A_276 = arith.constant 0 : i32
        %ne3A_277 = arith.cmpi ne, %rem3A_275, %ne3A_276 : i32
        %and3A_278 = arith.andi %ne3A_274, %ne3A_277 : i1
        %sub3A_279 = arith.constant 1 : i32
        %sub3A_280 = arith.subi %div3A_259, %sub3A_279 : i32
        %select_n3A_281 = arith.select %and3A_278, %sub3A_280, %div3A_259 : i32
        %rem3A_282 = arith.constant 3 : i32
        %rem3A_283 = arith.remsi %select_n3A_281, %rem3A_282 : i32
        %add3A_284 = arith.constant 1 : i32
        %add3A_285 = arith.addi %scan3A_193, %add3A_284 : i32
        %rem3A_286 = arith.constant 2 : i32
        %rem3A_287 = arith.remsi %add3A_285, %rem3A_286 : i32
        %add3A_288 = arith.constant 1 : i32
        %add3A_289 = arith.addi %scan3A_193, %add3A_288 : i32
        %rem3A_290 = arith.constant 3 : i32
        %rem3A_291 = arith.remsi %add3A_289, %rem3A_290 : i32
        %dma_start3A_292 = arith.constant 0 : i32
        %dma_start3A_293 = arith.constant 0 : i32
        %dma_start3A_294 = tpu.memref_slice %arg9[%rem3A_291, %dma_start3A_292, %dma_start3A_293] : memref<3x120x128xf32, #tpu.memory_space<vmem>> -> memref<1x120x128xf32, #tpu.memory_space<vmem>>
        %dma_start3A_295 = tpu.memref_squeeze %dma_start3A_294 : memref<1x120x128xf32, #tpu.memory_space<vmem>> -> memref<120x128xf32, #tpu.memory_space<vmem>>
        %dma_start3A_296 = arith.constant 0 : i32
        %dma_start3A_297 = tpu.memref_slice %arg7[%rem3A_283, %rem3A_287, %dma_start3A_296] : memref<3x2x120xi32, #tpu.memory_space<vmem>> -> memref<1x1x120xi32, #tpu.memory_space<vmem>>
        %dma_start3A_298 = tpu.memref_squeeze %dma_start3A_297 : memref<1x1x120xi32, #tpu.memory_space<vmem>> -> memref<120xi32, #tpu.memory_space<vmem>>
        %dma_start3A_299 = arith.constant 0 : i32
        %dma_start3A_300 = arith.constant 0 : i32
        %dma_start3A_301 = tpu.memref_slice %arg2[%dma_start3A_299, %dma_start3A_300] : memref<10240x128xf32, #tpu.memory_space<hbm>> -> memref<10240x128xf32, #tpu.memory_space<hbm>>
        %dma_start3A_302 = tpu.memref_slice %arg11[%rem3A_291] : memref<3x!tpu.dma_semaphore, #tpu.memory_space<semaphore_mem>> -> memref<1x!tpu.dma_semaphore, #tpu.memory_space<semaphore_mem>>
        %dma_start3A_303 = tpu.memref_squeeze %dma_start3A_302 : memref<1x!tpu.dma_semaphore, #tpu.memory_space<semaphore_mem>> -> memref<!tpu.dma_semaphore, #tpu.memory_space<semaphore_mem>>
        tpu.enqueue_indirect_dma source(%dma_start3A_301 : memref<10240x128xf32, #tpu.memory_space<hbm>>) target(%dma_start3A_295 : memref<120x128xf32, #tpu.memory_space<vmem>>) offsets(%dma_start3A_298 : memref<120xi32, #tpu.memory_space<vmem>>) semaphore(%dma_start3A_303 : memref<!tpu.dma_semaphore, #tpu.memory_space<semaphore_mem>>)
      } else {
      }
      %dma_wait3A_232 = arith.constant 0 : i32
      %dma_wait3A_233 = arith.constant 0 : i32
      %dma_wait3A_234 = tpu.memref_slice %arg9[%rem3A_195, %dma_wait3A_232, %dma_wait3A_233] : memref<3x120x128xf32, #tpu.memory_space<vmem>> -> memref<1x120x128xf32, #tpu.memory_space<vmem>>
      %dma_wait3A_235 = tpu.memref_squeeze %dma_wait3A_234 : memref<1x120x128xf32, #tpu.memory_space<vmem>> -> memref<120x128xf32, #tpu.memory_space<vmem>>
      %dma_wait3A_236 = arith.constant 0 : i32
      %dma_wait3A_237 = tpu.memref_slice %arg7[%rem3A_216, %rem3A_197, %dma_wait3A_236] : memref<3x2x120xi32, #tpu.memory_space<vmem>> -> memref<1x1x120xi32, #tpu.memory_space<vmem>>
      %dma_wait3A_238 = tpu.memref_squeeze %dma_wait3A_237 : memref<1x1x120xi32, #tpu.memory_space<vmem>> -> memref<120xi32, #tpu.memory_space<vmem>>
      %dma_wait3A_239 = arith.constant 0 : i32
      %dma_wait3A_240 = arith.constant 0 : i32
      %dma_wait3A_241 = tpu.memref_slice %arg2[%dma_wait3A_239, %dma_wait3A_240] : memref<10240x128xf32, #tpu.memory_space<hbm>> -> memref<10240x128xf32, #tpu.memory_space<hbm>>
      %dma_wait3A_242 = tpu.memref_slice %arg11[%rem3A_195] : memref<3x!tpu.dma_semaphore, #tpu.memory_space<semaphore_mem>> -> memref<1x!tpu.dma_semaphore, #tpu.memory_space<semaphore_mem>>
      %dma_wait3A_243 = tpu.memref_squeeze %dma_wait3A_242 : memref<1x!tpu.dma_semaphore, #tpu.memory_space<semaphore_mem>> -> memref<!tpu.dma_semaphore, #tpu.memory_space<semaphore_mem>>
      tpu.wait_indirect_dma semaphore(%dma_wait3A_243 : memref<!tpu.dma_semaphore, #tpu.memory_space<semaphore_mem>>) src(%dma_wait3A_241 : memref<10240x128xf32, #tpu.memory_space<hbm>>) dst(%dma_wait3A_235 : memref<120x128xf32, #tpu.memory_space<vmem>>)
      %dma_start3A_244 = arith.constant 0 : i32
      %dma_start3A_245 = arith.constant 0 : i32
      %dma_start3A_246 = tpu.memref_slice %arg9[%rem3A_195, %dma_start3A_244, %dma_start3A_245] : memref<3x120x128xf32, #tpu.memory_space<vmem>> -> memref<1x120x128xf32, #tpu.memory_space<vmem>>
      %dma_start3A_247 = tpu.memref_squeeze %dma_start3A_246 : memref<1x120x128xf32, #tpu.memory_space<vmem>> -> memref<120x128xf32, #tpu.memory_space<vmem>>
      %dma_start3A_248 = arith.constant 0 : i32
      %dma_start3A_249 = tpu.memref_slice %arg8[%rem3A_216, %rem3A_197, %dma_start3A_248] : memref<3x2x120xi32, #tpu.memory_space<vmem>> -> memref<1x1x120xi32, #tpu.memory_space<vmem>>
      %dma_start3A_250 = tpu.memref_squeeze %dma_start3A_249 : memref<1x1x120xi32, #tpu.memory_space<vmem>> -> memref<120xi32, #tpu.memory_space<vmem>>
      %dma_start3A_251 = arith.constant 0 : i32
      %dma_start3A_252 = arith.constant 0 : i32
      %dma_start3A_253 = tpu.memref_slice %arg13[%dma_start3A_251, %dma_start3A_252] : memref<10240x128xf32, #tpu.memory_space<vmem_shared>> -> memref<10240x128xf32, #tpu.memory_space<vmem_shared>>
      %dma_start3A_254 = tpu.memref_slice %arg12[%rem3A_195] : memref<3x!tpu.dma_semaphore, #tpu.memory_space<semaphore_mem>> -> memref<1x!tpu.dma_semaphore, #tpu.memory_space<semaphore_mem>>
      %dma_start3A_255 = tpu.memref_squeeze %dma_start3A_254 : memref<1x!tpu.dma_semaphore, #tpu.memory_space<semaphore_mem>> -> memref<!tpu.dma_semaphore, #tpu.memory_space<semaphore_mem>>
      tpu.enqueue_indirect_dma source(%dma_start3A_247 : memref<120x128xf32, #tpu.memory_space<vmem>>) target(%dma_start3A_253 : memref<10240x128xf32, #tpu.memory_space<vmem_shared>>) offsets(%dma_start3A_250 : memref<120xi32, #tpu.memory_space<vmem>>) semaphore(%dma_start3A_255 : memref<!tpu.dma_semaphore, #tpu.memory_space<semaphore_mem>>) {add = true}
    }
    %scan3A_152 = arith.constant 84 : i32
    %rem3A = arith.constant 41 : i32
    %rem3A_153 = arith.constant 3 : i32
    %rem3A_154 = arith.remsi %rem3A, %rem3A_153 : i32
    %dma_wait3A_155 = arith.constant 1 : i32
    %dma_wait3A_156 = arith.constant 0 : i32
    %dma_wait3A_157 = arith.constant 1 : i32
    %dma_wait3A_158 = arith.constant 0 : i32
    %dma_wait3A_159 = arith.constant 0 : i32
    %dma_wait3A_160 = tpu.memref_slice %arg9[%dma_wait3A_155, %dma_wait3A_158, %dma_wait3A_159] : memref<3x120x128xf32, #tpu.memory_space<vmem>> -> memref<1x120x128xf32, #tpu.memory_space<vmem>>
    %dma_wait3A_161 = tpu.memref_squeeze %dma_wait3A_160 : memref<1x120x128xf32, #tpu.memory_space<vmem>> -> memref<120x128xf32, #tpu.memory_space<vmem>>
    %dma_wait3A_162 = arith.constant 0 : i32
    %dma_wait3A_163 = tpu.memref_slice %arg8[%rem3A_154, %dma_wait3A_156, %dma_wait3A_162] : memref<3x2x120xi32, #tpu.memory_space<vmem>> -> memref<1x1x120xi32, #tpu.memory_space<vmem>>
    %dma_wait3A_164 = tpu.memref_squeeze %dma_wait3A_163 : memref<1x1x120xi32, #tpu.memory_space<vmem>> -> memref<120xi32, #tpu.memory_space<vmem>>
    %dma_wait3A_165 = arith.constant 0 : i32
    %dma_wait3A_166 = arith.constant 0 : i32
    %dma_wait3A_167 = tpu.memref_slice %arg13[%dma_wait3A_165, %dma_wait3A_166] : memref<10240x128xf32, #tpu.memory_space<vmem_shared>> -> memref<10240x128xf32, #tpu.memory_space<vmem_shared>>
    %dma_wait3A_168 = tpu.memref_slice %arg12[%dma_wait3A_157] : memref<3x!tpu.dma_semaphore, #tpu.memory_space<semaphore_mem>> -> memref<1x!tpu.dma_semaphore, #tpu.memory_space<semaphore_mem>>
    %dma_wait3A_169 = tpu.memref_squeeze %dma_wait3A_168 : memref<1x!tpu.dma_semaphore, #tpu.memory_space<semaphore_mem>> -> memref<!tpu.dma_semaphore, #tpu.memory_space<semaphore_mem>>
    tpu.wait_indirect_dma semaphore(%dma_wait3A_169 : memref<!tpu.dma_semaphore, #tpu.memory_space<semaphore_mem>>) src(%dma_wait3A_161 : memref<120x128xf32, #tpu.memory_space<vmem>>) dst(%dma_wait3A_167 : memref<10240x128xf32, #tpu.memory_space<vmem_shared>>)
    %rem3A_170 = arith.constant 41 : i32
    %rem3A_171 = arith.constant 3 : i32
    %rem3A_172 = arith.remsi %rem3A_170, %rem3A_171 : i32
    %dma_wait3A_173 = arith.constant 2 : i32
    %dma_wait3A_174 = arith.constant 1 : i32
    %dma_wait3A_175 = arith.constant 2 : i32
    %dma_wait3A_176 = arith.constant 0 : i32
    %dma_wait3A_177 = arith.constant 0 : i32
    %dma_wait3A_178 = tpu.memref_slice %arg9[%dma_wait3A_173, %dma_wait3A_176, %dma_wait3A_177] : memref<3x120x128xf32, #tpu.memory_space<vmem>> -> memref<1x120x128xf32, #tpu.memory_space<vmem>>
    %dma_wait3A_179 = tpu.memref_squeeze %dma_wait3A_178 : memref<1x120x128xf32, #tpu.memory_space<vmem>> -> memref<120x128xf32, #tpu.memory_space<vmem>>
    %dma_wait3A_180 = arith.constant 0 : i32
    %dma_wait3A_181 = tpu.memref_slice %arg8[%rem3A_172, %dma_wait3A_174, %dma_wait3A_180] : memref<3x2x120xi32, #tpu.memory_space<vmem>> -> memref<1x1x120xi32, #tpu.memory_space<vmem>>
    %dma_wait3A_182 = tpu.memref_squeeze %dma_wait3A_181 : memref<1x1x120xi32, #tpu.memory_space<vmem>> -> memref<120xi32, #tpu.memory_space<vmem>>
    %dma_wait3A_183 = arith.constant 0 : i32
    %dma_wait3A_184 = arith.constant 0 : i32
    %dma_wait3A_185 = tpu.memref_slice %arg13[%dma_wait3A_183, %dma_wait3A_184] : memref<10240x128xf32, #tpu.memory_space<vmem_shared>> -> memref<10240x128xf32, #tpu.memory_space<vmem_shared>>
    %dma_wait3A_186 = tpu.memref_slice %arg12[%dma_wait3A_175] : memref<3x!tpu.dma_semaphore, #tpu.memory_space<semaphore_mem>> -> memref<1x!tpu.dma_semaphore, #tpu.memory_space<semaphore_mem>>
    %dma_wait3A_187 = tpu.memref_squeeze %dma_wait3A_186 : memref<1x!tpu.dma_semaphore, #tpu.memory_space<semaphore_mem>> -> memref<!tpu.dma_semaphore, #tpu.memory_space<semaphore_mem>>
    tpu.wait_indirect_dma semaphore(%dma_wait3A_187 : memref<!tpu.dma_semaphore, #tpu.memory_space<semaphore_mem>>) src(%dma_wait3A_179 : memref<120x128xf32, #tpu.memory_space<vmem>>) dst(%dma_wait3A_185 : memref<10240x128xf32, #tpu.memory_space<vmem_shared>>)
    %barrier3A_188 = arith.constant 0 : index
    tpu.barrier barrier_id(%barrier3A_188)
    %mul3A_189 = arith.constant 640 : i32
    %mul3A_190 = arith.muli %arg1, %mul3A_189 : i32
    %mul3A_191 = arith.constant 640 : i32
    %mul3A_192 = arith.muli %arg1, %mul3A_191 : i32
    "tpu.region"() ({
      %run_scoped3A = tpu.sem_alloc : memref<!tpu.dma_semaphore, #tpu.memory_space<semaphore_mem>>
      %dma_start3A_193 = arith.constant 0 : i32
      %dma_start3A_194 = tpu.memref_slice %arg6[%arg0, %mul3A_192, %dma_start3A_193] : memref<2x10240x128xf32, #tpu.memory_space<hbm>> -> memref<1x640x128xf32, #tpu.memory_space<hbm>>
      %dma_start3A_195 = tpu.memref_squeeze %dma_start3A_194 : memref<1x640x128xf32, #tpu.memory_space<hbm>> -> memref<640x128xf32, #tpu.memory_space<hbm>>
      %dma_start3A_196 = arith.constant 0 : i32
      %dma_start3A_197 = tpu.memref_slice %arg13[%mul3A_190, %dma_start3A_196] : memref<10240x128xf32, #tpu.memory_space<vmem_shared>> -> memref<640x128xf32, #tpu.memory_space<vmem_shared>>
      tpu.enqueue_dma source(%dma_start3A_197 : memref<640x128xf32, #tpu.memory_space<vmem_shared>>) target(%dma_start3A_195 : memref<640x128xf32, #tpu.memory_space<hbm>>) target_semaphore(%run_scoped3A : memref<!tpu.dma_semaphore, #tpu.memory_space<semaphore_mem>>)
      %dma_wait3A_198 = arith.constant 0 : i32
      %dma_wait3A_199 = tpu.memref_slice %arg6[%arg0, %mul3A_192, %dma_wait3A_198] : memref<2x10240x128xf32, #tpu.memory_space<hbm>> -> memref<1x640x128xf32, #tpu.memory_space<hbm>>
      %dma_wait3A_200 = tpu.memref_squeeze %dma_wait3A_199 : memref<1x640x128xf32, #tpu.memory_space<hbm>> -> memref<640x128xf32, #tpu.memory_space<hbm>>
      %dma_wait3A_201 = arith.constant 0 : i32
      %dma_wait3A_202 = tpu.memref_slice %arg13[%mul3A_190, %dma_wait3A_201] : memref<10240x128xf32, #tpu.memory_space<vmem_shared>> -> memref<640x128xf32, #tpu.memory_space<vmem_shared>>
      tpu.wait_dma2 semaphore(%run_scoped3A : memref<!tpu.dma_semaphore, #tpu.memory_space<semaphore_mem>>) src(%dma_wait3A_202 : memref<640x128xf32, #tpu.memory_space<vmem_shared>>) dst(%dma_wait3A_200 : memref<640x128xf32, #tpu.memory_space<hbm>>)
      tpu.yield
    }) : () -> ()
    return
  }
}

module attributes {stable_mosaic.version = 14 : i64} {
  func.func @_pre_body(%arg0: i32, %arg1: memref<1024x128xf32, #tpu.memory_space<vmem>>, %arg2: memref<2x8x128xf32, #tpu.memory_space<vmem>>, %arg3: memref<128x128xf32, #tpu.memory_space<vmem>>, %arg4: memref<1024x128xf32, #tpu.memory_space<vmem>>, %arg5: memref<8x128xf32, #tpu.memory_space<vmem>>) attributes {dimension_semantics = [#tpu.dimension_semantics<arbitrary>], iteration_bounds = array<i64: 10>, scalar_prefetch = 0 : i64, scratch_operands = 0 : i64, tpu.core_type = #tpu.core_type<tc>, window_params = [{transform_indices = @transform_0, window_bounds = array<i64: 1024, 128>}, {transform_indices = @transform_1, window_bounds = array<i64: 2, 8, 128>}, {pipeline_mode = #tpu.pipeline_mode<synchronous>, transform_indices = @transform_2, window_bounds = array<i64: 128, 128>}, {transform_indices = @transform_3, window_bounds = array<i64: 1024, 128>}, {transform_indices = @transform_4, window_bounds = array<i64: 8, 128>}]} {
    %get3A = arith.constant 0 : index
    %get3A_0 = arith.constant 0 : index
    %get3A_1 = arith.constant 0 : index
    %get3A_2 = vector.load %arg2[%get3A, %get3A_0, %get3A_1] : memref<2x8x128xf32, #tpu.memory_space<vmem>>, vector<1x8x128xf32>
    %get3A_3 = vector.shape_cast %get3A_2 : vector<1x8x128xf32> to vector<8x128xf32>
    %get3A_4 = arith.constant 1 : index
    %get3A_5 = arith.constant 0 : index
    %get3A_6 = arith.constant 0 : index
    %get3A_7 = vector.load %arg2[%get3A_4, %get3A_5, %get3A_6] : memref<2x8x128xf32, #tpu.memory_space<vmem>>, vector<1x8x128xf32>
    %get3A_8 = vector.shape_cast %get3A_7 : vector<1x8x128xf32> to vector<8x128xf32>
    %add3A = arith.addf %get3A_3, %get3A_8 : vector<8x128xf32>
    %add3A_9 = arith.constant 1.000000e+00 : f32
    %add3A_10 = vector.broadcast %add3A_9 : f32 to vector<8x128xf32>
    %add3A_11 = arith.addf %add3A, %add3A_10 : vector<8x128xf32>
    %rsqrt3A = math.rsqrt %add3A_11 : vector<8x128xf32>
    %get3A_12 = arith.constant 0 : index
    %get3A_13 = arith.constant 0 : index
    %get3A_14 = vector.load %arg1[%get3A_12, %get3A_13] : memref<1024x128xf32, #tpu.memory_space<vmem>>, vector<1024x128xf32>
    %get3A_15 = arith.constant 0 : index
    %get3A_16 = arith.constant 0 : index
    %get3A_17 = vector.load %arg3[%get3A_15, %get3A_16] : memref<128x128xf32, #tpu.memory_space<vmem>>, vector<128x128xf32>
    %dot_general3A = arith.constant dense<0.000000e+00> : vector<1024x128xf32>
    %dot_general3A_18 = tpu.matmul %get3A_14, %get3A_17, %dot_general3A {dimension_numbers = #tpu.dot_dimension_numbers<[1], [0], [0], [1], [0, 0, 1, 1], [], []>, transpose_lhs_hint = false} : vector<1024x128xf32>, vector<128x128xf32>, vector<1024x128xf32> -> vector<1024x128xf32>
    %reshape3A = vector.shape_cast %dot_general3A_18 : vector<1024x128xf32> to vector<8x128x128xf32>
    %broadcast_in_dim3A = vector.shape_cast %rsqrt3A : vector<8x128xf32> to vector<8x128x1xf32>
    %mul3A = vector.broadcast %broadcast_in_dim3A : vector<8x128x1xf32> to vector<8x128x128xf32>
    %mul3A_19 = arith.mulf %reshape3A, %mul3A : vector<8x128x128xf32>
    %reshape3A_20 = vector.shape_cast %mul3A_19 : vector<8x128x128xf32> to vector<1024x128xf32>
    %swap3A = arith.constant 0 : index
    %swap3A_21 = arith.constant 0 : index
    %swap3A_22 = vector.load %arg4[%swap3A, %swap3A_21] : memref<1024x128xf32, #tpu.memory_space<vmem>>, vector<1024x128xf32>
    tpu.vector_store %arg4[%swap3A, %swap3A_21], %reshape3A_20 {strides = array<i32>} : memref<1024x128xf32, #tpu.memory_space<vmem>>, vector<1024x128xf32>,
    %swap3A_23 = arith.constant 0 : index
    %swap3A_24 = arith.constant 0 : index
    %swap3A_25 = vector.load %arg5[%swap3A_23, %swap3A_24] : memref<8x128xf32, #tpu.memory_space<vmem>>, vector<8x128xf32>
    tpu.vector_store %arg5[%swap3A_23, %swap3A_24], %rsqrt3A {strides = array<i32>} : memref<8x128xf32, #tpu.memory_space<vmem>>, vector<8x128xf32>,
    return
  }
  func.func @transform_0(%arg0: i32) -> (i32, i32) {
    %c0_i32 = arith.constant 0 : i32
    %c0_i32_0 = arith.constant 0 : i32
    return %arg0, %c0_i32 : i32, i32
  }
  func.func @transform_1(%arg0: i32) -> (i32, i32, i32) {
    %c0_i32 = arith.constant 0 : i32
    %c0_i32_0 = arith.constant 0 : i32
    %c0_i32_1 = arith.constant 0 : i32
    return %c0_i32, %arg0, %c0_i32_0 : i32, i32, i32
  }
  func.func @transform_2(%arg0: i32) -> (i32, i32) {
    %c0_i32 = arith.constant 0 : i32
    %c0_i32_0 = arith.constant 0 : i32
    %c0_i32_1 = arith.constant 0 : i32
    return %c0_i32, %c0_i32_0 : i32, i32
  }
  func.func @transform_3(%arg0: i32) -> (i32, i32) {
    %c0_i32 = arith.constant 0 : i32
    %c0_i32_0 = arith.constant 0 : i32
    return %arg0, %c0_i32 : i32, i32
  }
  func.func @transform_4(%arg0: i32) -> (i32, i32) {
    %c0_i32 = arith.constant 0 : i32
    %c0_i32_0 = arith.constant 0 : i32
    return %arg0, %c0_i32 : i32, i32
  }
}

module attributes {stable_mosaic.version = 14 : i64} {
  func.func @_mid_body(%arg0: i32, %arg1: memref<1x1024x128xf32, #tpu.memory_space<vmem>>, %arg2: memref<1x1024x128xf32, #tpu.memory_space<vmem>>, %arg3: memref<8x128xf32, #tpu.memory_space<vmem>>, %arg4: memref<1x128xf32, #tpu.memory_space<vmem>>, %arg5: memref<128x128xf32, #tpu.memory_space<vmem>>, %arg6: memref<1024x128xf32, #tpu.memory_space<vmem>>) attributes {dimension_semantics = [#tpu.dimension_semantics<arbitrary>], iteration_bounds = array<i64: 10>, scalar_prefetch = 0 : i64, scratch_operands = 0 : i64, tpu.core_type = #tpu.core_type<tc>, window_params = [{transform_indices = @transform_0, window_bounds = array<i64: 1, 1024, 128>}, {transform_indices = @transform_1, window_bounds = array<i64: 1, 1024, 128>}, {transform_indices = @transform_2, window_bounds = array<i64: 8, 128>}, {pipeline_mode = #tpu.pipeline_mode<synchronous>, transform_indices = @transform_3, window_bounds = array<i64: 1, 128>}, {pipeline_mode = #tpu.pipeline_mode<synchronous>, transform_indices = @transform_4, window_bounds = array<i64: 128, 128>}, {transform_indices = @transform_5, window_bounds = array<i64: 1024, 128>}]} {
    %get3A = arith.constant 0 : index
    %get3A_0 = arith.constant 0 : index
    %get3A_1 = vector.load %arg3[%get3A, %get3A_0] : memref<8x128xf32, #tpu.memory_space<vmem>>, vector<8x128xf32>
    %broadcast_in_dim3A = vector.shape_cast %get3A_1 : vector<8x128xf32> to vector<8x128x1xf32>
    %get3A_2 = arith.constant 0 : index
    %get3A_3 = arith.constant 0 : index
    %get3A_4 = arith.constant 0 : index
    %get3A_5 = vector.load %arg1[%get3A_2, %get3A_3, %get3A_4] : memref<1x1024x128xf32, #tpu.memory_space<vmem>>, vector<1x1024x128xf32>
    %get3A_6 = vector.shape_cast %get3A_5 : vector<1x1024x128xf32> to vector<1024x128xf32>
    %get3A_7 = arith.constant 0 : index
    %get3A_8 = arith.constant 0 : index
    %get3A_9 = arith.constant 0 : index
    %get3A_10 = vector.load %arg2[%get3A_7, %get3A_8, %get3A_9] : memref<1x1024x128xf32, #tpu.memory_space<vmem>>, vector<1x1024x128xf32>
    %get3A_11 = vector.shape_cast %get3A_10 : vector<1x1024x128xf32> to vector<1024x128xf32>
    %add3A = arith.addf %get3A_6, %get3A_11 : vector<1024x128xf32>
    %reshape3A = vector.shape_cast %add3A : vector<1024x128xf32> to vector<8x128x128xf32>
    %mul3A = vector.broadcast %broadcast_in_dim3A : vector<8x128x1xf32> to vector<8x128x128xf32>
    %mul3A_12 = arith.mulf %reshape3A, %mul3A : vector<8x128x128xf32>
    %reshape3A_13 = vector.shape_cast %mul3A_12 : vector<8x128x128xf32> to vector<1024x128xf32>
    %get3A_14 = arith.constant 0 : index
    %get3A_15 = arith.constant 0 : index
    %get3A_16 = vector.load %arg4[%get3A_14, %get3A_15] : memref<1x128xf32, #tpu.memory_space<vmem>>, vector<1x128xf32>
    %add3A_17 = vector.broadcast %get3A_16 : vector<1x128xf32> to vector<1024x128xf32>
    %add3A_18 = arith.addf %reshape3A_13, %add3A_17 : vector<1024x128xf32>
    %max3A = arith.constant 0.000000e+00 : f32
    %max3A_19 = vector.broadcast %max3A : f32 to vector<1024x128xf32>
    %max3A_20 = arith.maximumf %add3A_18, %max3A_19 : vector<1024x128xf32>
    %get3A_21 = arith.constant 0 : index
    %get3A_22 = arith.constant 0 : index
    %get3A_23 = vector.load %arg5[%get3A_21, %get3A_22] : memref<128x128xf32, #tpu.memory_space<vmem>>, vector<128x128xf32>
    %dot_general3A = arith.constant dense<0.000000e+00> : vector<1024x128xf32>
    %dot_general3A_24 = tpu.matmul %max3A_20, %get3A_23, %dot_general3A {dimension_numbers = #tpu.dot_dimension_numbers<[1], [0], [0], [1], [0, 0, 1, 1], [], []>, transpose_lhs_hint = false} : vector<1024x128xf32>, vector<128x128xf32>, vector<1024x128xf32> -> vector<1024x128xf32>
    %reshape3A_25 = vector.shape_cast %dot_general3A_24 : vector<1024x128xf32> to vector<8x128x128xf32>
    %mul3A_26 = vector.broadcast %broadcast_in_dim3A : vector<8x128x1xf32> to vector<8x128x128xf32>
    %mul3A_27 = arith.mulf %reshape3A_25, %mul3A_26 : vector<8x128x128xf32>
    %reshape3A_28 = vector.shape_cast %mul3A_27 : vector<8x128x128xf32> to vector<1024x128xf32>
    %swap3A = arith.constant 0 : index
    %swap3A_29 = arith.constant 0 : index
    %swap3A_30 = vector.load %arg6[%swap3A, %swap3A_29] : memref<1024x128xf32, #tpu.memory_space<vmem>>, vector<1024x128xf32>
    tpu.vector_store %arg6[%swap3A, %swap3A_29], %reshape3A_28 {strides = array<i32>} : memref<1024x128xf32, #tpu.memory_space<vmem>>, vector<1024x128xf32>,
    return
  }
  func.func @transform_0(%arg0: i32) -> (i32, i32, i32) {
    %c0_i32 = arith.constant 0 : i32
    %c0_i32_0 = arith.constant 0 : i32
    %c0_i32_1 = arith.constant 0 : i32
    return %c0_i32, %arg0, %c0_i32_0 : i32, i32, i32
  }
  func.func @transform_1(%arg0: i32) -> (i32, i32, i32) {
    %c1_i32 = arith.constant 1 : i32
    %c0_i32 = arith.constant 0 : i32
    %c0_i32_0 = arith.constant 0 : i32
    return %c1_i32, %arg0, %c0_i32 : i32, i32, i32
  }
  func.func @transform_2(%arg0: i32) -> (i32, i32) {
    %c0_i32 = arith.constant 0 : i32
    %c0_i32_0 = arith.constant 0 : i32
    return %arg0, %c0_i32 : i32, i32
  }
  func.func @transform_3(%arg0: i32) -> (i32, i32) {
    %c0_i32 = arith.constant 0 : i32
    %c0_i32_0 = arith.constant 0 : i32
    %c0_i32_1 = arith.constant 0 : i32
    return %c0_i32, %c0_i32_0 : i32, i32
  }
  func.func @transform_4(%arg0: i32) -> (i32, i32) {
    %c0_i32 = arith.constant 0 : i32
    %c0_i32_0 = arith.constant 0 : i32
    %c0_i32_1 = arith.constant 0 : i32
    return %c0_i32, %c0_i32_0 : i32, i32
  }
  func.func @transform_5(%arg0: i32) -> (i32, i32) {
    %c0_i32 = arith.constant 0 : i32
    %c0_i32_0 = arith.constant 0 : i32
    return %arg0, %c0_i32 : i32, i32
  }
}

module attributes {stable_mosaic.version = 14 : i64} {
  func.func @_fin_body(%arg0: i32, %arg1: memref<1x1024x128xf32, #tpu.memory_space<vmem>>, %arg2: memref<1x1024x128xf32, #tpu.memory_space<vmem>>, %arg3: memref<8x128xf32, #tpu.memory_space<vmem>>, %arg4: memref<1x128xf32, #tpu.memory_space<vmem>>, %arg5: memref<1x1024xi32, #tpu.memory_space<vmem>>, %arg6: memref<1x512xi32, #tpu.memory_space<vmem>>, %arg7: memref<128x128xf32, #tpu.memory_space<vmem>>, %arg8: memref<1x128xf32, #tpu.memory_space<vmem>>, %arg9: memref<128x128xf32, #tpu.memory_space<vmem>>, %arg10: memref<1x128xf32, #tpu.memory_space<vmem>>, %arg11: memref<128x128xf32, #tpu.memory_space<vmem>>, %arg12: memref<1x128xf32, #tpu.memory_space<vmem>>, %arg13: memref<128x16xf32, #tpu.memory_space<vmem>>, %arg14: memref<1x16xf32, #tpu.memory_space<vmem>>, %arg15: memref<64x16xf32, #tpu.memory_space<vmem>>, %arg16: memref<512x128xf32, #tpu.memory_space<vmem>>, %arg17: memref<512x1xf32, #tpu.memory_space<vmem>>) attributes {dimension_semantics = [#tpu.dimension_semantics<arbitrary>], iteration_bounds = array<i64: 10>, scalar_prefetch = 0 : i64, scratch_operands = 2 : i64, tpu.core_type = #tpu.core_type<tc>, window_params = [{transform_indices = @transform_0, window_bounds = array<i64: 1, 1024, 128>}, {transform_indices = @transform_1, window_bounds = array<i64: 1, 1024, 128>}, {transform_indices = @transform_2, window_bounds = array<i64: 8, 128>}, {pipeline_mode = #tpu.pipeline_mode<synchronous>, transform_indices = @transform_3, window_bounds = array<i64: 1, 128>}, {transform_indices = @transform_4, window_bounds = array<i64: 1, 1024>}, {pipeline_mode = #tpu.pipeline_mode<synchronous>, transform_indices = @transform_5, window_bounds = array<i64: 1, 512>}, {pipeline_mode = #tpu.pipeline_mode<synchronous>, transform_indices = @transform_6, window_bounds = array<i64: 128, 128>}, {pipeline_mode = #tpu.pipeline_mode<synchronous>, transform_indices = @transform_7, window_bounds = array<i64: 1, 128>}, {pipeline_mode = #tpu.pipeline_mode<synchronous>, transform_indices = @transform_8, window_bounds = array<i64: 128, 128>}, {pipeline_mode = #tpu.pipeline_mode<synchronous>, transform_indices = @transform_9, window_bounds = array<i64: 1, 128>}, {pipeline_mode = #tpu.pipeline_mode<synchronous>, transform_indices = @transform_10, window_bounds = array<i64: 128, 128>}, {pipeline_mode = #tpu.pipeline_mode<synchronous>, transform_indices = @transform_11, window_bounds = array<i64: 1, 128>}, {pipeline_mode = #tpu.pipeline_mode<synchronous>, transform_indices = @transform_12, window_bounds = array<i64: 128, 16>}, {pipeline_mode = #tpu.pipeline_mode<synchronous>, transform_indices = @transform_13, window_bounds = array<i64: 1, 16>}, {pipeline_mode = #tpu.pipeline_mode<synchronous>, transform_indices = @transform_14, window_bounds = array<i64: 64, 16>}]} {
    %eq3A = arith.constant 0 : i32
    %eq3A_0 = arith.cmpi eq, %arg0, %eq3A : i32
    %convert_element_type3A = arith.extui %eq3A_0 : i1 to i32
    %cond3A = arith.constant 0 : i32
    %cond3A_1 = arith.cmpi ne, %convert_element_type3A, %cond3A : i32
    scf.if %cond3A_1 {
      %broadcast_in_dim3A_59 = arith.constant 0.000000e+00 : f32
      %broadcast_in_dim3A_60 = vector.broadcast %broadcast_in_dim3A_59 : f32 to vector<512x128xf32>
      %swap3A_61 = arith.constant 0 : index
      %swap3A_62 = arith.constant 0 : index
      %swap3A_63 = vector.load %arg16[%swap3A_61, %swap3A_62] : memref<512x128xf32, #tpu.memory_space<vmem>>, vector<512x128xf32>
      tpu.vector_store %arg16[%swap3A_61, %swap3A_62], %broadcast_in_dim3A_60 {strides = array<i32>} : memref<512x128xf32, #tpu.memory_space<vmem>>, vector<512x128xf32>,
      %broadcast_in_dim3A_64 = arith.constant 0.000000e+00 : f32
      %broadcast_in_dim3A_65 = vector.broadcast %broadcast_in_dim3A_64 : f32 to vector<512x1xf32>
      %swap3A_66 = arith.constant 0 : index
      %swap3A_67 = arith.constant 0 : index
      %swap3A_68 = vector.load %arg17[%swap3A_66, %swap3A_67] : memref<512x1xf32, #tpu.memory_space<vmem>>, vector<512x1xf32>
      tpu.vector_store %arg17[%swap3A_66, %swap3A_67], %broadcast_in_dim3A_65 {strides = array<i32>} : memref<512x1xf32, #tpu.memory_space<vmem>>, vector<512x1xf32>,
    } else {
    }
    %get3A = arith.constant 0 : index
    %get3A_2 = arith.constant 0 : index
    %get3A_3 = arith.constant 0 : index
    %get3A_4 = vector.load %arg1[%get3A, %get3A_2, %get3A_3] : memref<1x1024x128xf32, #tpu.memory_space<vmem>>, vector<1x1024x128xf32>
    %get3A_5 = vector.shape_cast %get3A_4 : vector<1x1024x128xf32> to vector<1024x128xf32>
    %get3A_6 = arith.constant 0 : index
    %get3A_7 = arith.constant 0 : index
    %get3A_8 = arith.constant 0 : index
    %get3A_9 = vector.load %arg2[%get3A_6, %get3A_7, %get3A_8] : memref<1x1024x128xf32, #tpu.memory_space<vmem>>, vector<1x1024x128xf32>
    %get3A_10 = vector.shape_cast %get3A_9 : vector<1x1024x128xf32> to vector<1024x128xf32>
    %add3A = arith.addf %get3A_5, %get3A_10 : vector<1024x128xf32>
    %reshape3A = vector.shape_cast %add3A : vector<1024x128xf32> to vector<8x128x128xf32>
    %get3A_11 = arith.constant 0 : index
    %get3A_12 = arith.constant 0 : index
    %get3A_13 = vector.load %arg3[%get3A_11, %get3A_12] : memref<8x128xf32, #tpu.memory_space<vmem>>, vector<8x128xf32>
    %broadcast_in_dim3A = vector.shape_cast %get3A_13 : vector<8x128xf32> to vector<8x128x1xf32>
    %mul3A = vector.broadcast %broadcast_in_dim3A : vector<8x128x1xf32> to vector<8x128x128xf32>
    %mul3A_14 = arith.mulf %reshape3A, %mul3A : vector<8x128x128xf32>
    %reshape3A_15 = vector.shape_cast %mul3A_14 : vector<8x128x128xf32> to vector<1024x128xf32>
    %get3A_16 = arith.constant 0 : index
    %get3A_17 = arith.constant 0 : index
    %get3A_18 = vector.load %arg4[%get3A_16, %get3A_17] : memref<1x128xf32, #tpu.memory_space<vmem>>, vector<1x128xf32>
    %add3A_19 = vector.broadcast %get3A_18 : vector<1x128xf32> to vector<1024x128xf32>
    %add3A_20 = arith.addf %reshape3A_15, %add3A_19 : vector<1024x128xf32>
    %max3A = arith.constant 0.000000e+00 : f32
    %max3A_21 = vector.broadcast %max3A : f32 to vector<1024x128xf32>
    %max3A_22 = arith.maximumf %add3A_20, %max3A_21 : vector<1024x128xf32>
    %iota3A = tpu.iota {dimensions = array<i32: 0>} : vector<1024x128xi32>
    %mul3A_23 = arith.constant 1024 : i32
    %mul3A_24 = arith.muli %arg0, %mul3A_23 : i32
    %add3A_25 = vector.broadcast %mul3A_24 : i32 to vector<1024x128xi32>
    %add3A_26 = arith.addi %iota3A, %add3A_25 : vector<1024x128xi32>
    %lt3A = arith.constant 10000 : i32
    %lt3A_27 = vector.broadcast %lt3A : i32 to vector<1024x128xi32>
    %lt3A_28 = arith.cmpi slt, %add3A_26, %lt3A_27 : vector<1024x128xi32>
    %jit3A = arith.constant 0.000000e+00 : f32
    %broadcast_in_dim3A_29 = vector.broadcast %jit3A : f32 to vector<1024x128xf32>
    %select_n3A = arith.select %lt3A_28, %max3A_22, %broadcast_in_dim3A_29 : vector<1024x128xi1>, vector<1024x128xf32>
    %iota3A_30 = tpu.iota {dimensions = array<i32: 0>} : vector<512x1024xi32>
    %get3A_31 = arith.constant 0 : index
    %get3A_32 = arith.constant 0 : index
    %get3A_33 = vector.load %arg5[%get3A_31, %get3A_32] : memref<1x1024xi32, #tpu.memory_space<vmem>>, vector<1x1024xi32>
    %eq3A_34 = vector.broadcast %get3A_33 : vector<1x1024xi32> to vector<512x1024xi32>
    %eq3A_35 = arith.cmpi eq, %eq3A_34, %iota3A_30 : vector<512x1024xi32>
    %convert_element_type3A_36 = arith.extui %eq3A_35 : vector<512x1024xi1> to vector<512x1024xi32>
    %convert_element_type3A_37 = arith.sitofp %convert_element_type3A_36 : vector<512x1024xi32> to vector<512x1024xf32>
    %get3A_38 = arith.constant 0 : index
    %get3A_39 = arith.constant 0 : index
    %get3A_40 = vector.load %arg16[%get3A_38, %get3A_39] : memref<512x128xf32, #tpu.memory_space<vmem>>, vector<512x128xf32>
    %dot_general3A = arith.constant dense<0.000000e+00> : vector<512x128xf32>
    %dot_general3A_41 = tpu.matmul %convert_element_type3A_37, %select_n3A, %dot_general3A {dimension_numbers = #tpu.dot_dimension_numbers<[1], [0], [0], [1], [0, 0, 1, 1], [], []>, transpose_lhs_hint = false} : vector<512x1024xf32>, vector<1024x128xf32>, vector<512x128xf32> -> vector<512x128xf32>
    %add3A_42 = arith.addf %get3A_40, %dot_general3A_41 : vector<512x128xf32>
    %swap3A = arith.constant 0 : index
    %swap3A_43 = arith.constant 0 : index
    %swap3A_44 = vector.load %arg16[%swap3A, %swap3A_43] : memref<512x128xf32, #tpu.memory_space<vmem>>, vector<512x128xf32>
    tpu.vector_store %arg16[%swap3A, %swap3A_43], %add3A_42 {strides = array<i32>} : memref<512x128xf32, #tpu.memory_space<vmem>>, vector<512x128xf32>,
    %get3A_45 = arith.constant 0 : index
    %get3A_46 = arith.constant 0 : index
    %get3A_47 = vector.load %arg17[%get3A_45, %get3A_46] : memref<512x1xf32, #tpu.memory_space<vmem>>, vector<512x1xf32>
    %reduce_sum3A = arith.constant dense<0.000000e+00> : vector<512xf32>
    %reduce_sum3A_48 = vector.multi_reduction <add>, %convert_element_type3A_37, %reduce_sum3A [1] : vector<512x1024xf32> to vector<512xf32>
    %broadcast_in_dim3A_49 = vector.shape_cast %reduce_sum3A_48 : vector<512xf32> to vector<512x1xf32>
    %add3A_50 = arith.addf %get3A_47, %broadcast_in_dim3A_49 : vector<512x1xf32>
    %swap3A_51 = arith.constant 0 : index
    %swap3A_52 = arith.constant 0 : index
    %swap3A_53 = vector.load %arg17[%swap3A_51, %swap3A_52] : memref<512x1xf32, #tpu.memory_space<vmem>>, vector<512x1xf32>
    tpu.vector_store %arg17[%swap3A_51, %swap3A_52], %add3A_50 {strides = array<i32>} : memref<512x1xf32, #tpu.memory_space<vmem>>, vector<512x1xf32>,
    %eq3A_54 = arith.constant 9 : i32
    %eq3A_55 = arith.cmpi eq, %arg0, %eq3A_54 : i32
    %convert_element_type3A_56 = arith.extui %eq3A_55 : i1 to i32
    %cond3A_57 = arith.constant 0 : i32
    %cond3A_58 = arith.cmpi ne, %convert_element_type3A_56, %cond3A_57 : i32
    scf.if %cond3A_58 {
      %get3A_59 = arith.constant 0 : index
      %get3A_60 = arith.constant 0 : index
      %get3A_61 = vector.load %arg16[%get3A_59, %get3A_60] : memref<512x128xf32, #tpu.memory_space<vmem>>, vector<512x128xf32>
      %get3A_62 = arith.constant 0 : index
      %get3A_63 = arith.constant 0 : index
      %get3A_64 = vector.load %arg17[%get3A_62, %get3A_63] : memref<512x1xf32, #tpu.memory_space<vmem>>, vector<512x1xf32>
      %max3A_65 = arith.constant 1.000000e+00 : f32
      %max3A_66 = vector.broadcast %max3A_65 : f32 to vector<512x1xf32>
      %max3A_67 = arith.maximumf %get3A_64, %max3A_66 : vector<512x1xf32>
      %div3A = vector.broadcast %max3A_67 : vector<512x1xf32> to vector<512x128xf32>
      %div3A_68 = arith.divf %get3A_61, %div3A : vector<512x128xf32>
      %get3A_69 = arith.constant 0 : index
      %get3A_70 = arith.constant 0 : index
      %get3A_71 = vector.load %arg7[%get3A_69, %get3A_70] : memref<128x128xf32, #tpu.memory_space<vmem>>, vector<128x128xf32>
      %dot_general3A_72 = arith.constant dense<0.000000e+00> : vector<512x128xf32>
      %dot_general3A_73 = tpu.matmul %div3A_68, %get3A_71, %dot_general3A_72 {dimension_numbers = #tpu.dot_dimension_numbers<[1], [0], [0], [1], [0, 0, 1, 1], [], []>, transpose_lhs_hint = false} : vector<512x128xf32>, vector<128x128xf32>, vector<512x128xf32> -> vector<512x128xf32>
      %get3A_74 = arith.constant 0 : index
      %get3A_75 = arith.constant 0 : index
      %get3A_76 = vector.load %arg8[%get3A_74, %get3A_75] : memref<1x128xf32, #tpu.memory_space<vmem>>, vector<1x128xf32>
      %add3A_77 = vector.broadcast %get3A_76 : vector<1x128xf32> to vector<512x128xf32>
      %add3A_78 = arith.addf %dot_general3A_73, %add3A_77 : vector<512x128xf32>
      %max3A_79 = arith.constant 0.000000e+00 : f32
      %max3A_80 = vector.broadcast %max3A_79 : f32 to vector<512x128xf32>
      %max3A_81 = arith.maximumf %add3A_78, %max3A_80 : vector<512x128xf32>
      %get3A_82 = arith.constant 0 : index
      %get3A_83 = arith.constant 0 : index
      %get3A_84 = vector.load %arg9[%get3A_82, %get3A_83] : memref<128x128xf32, #tpu.memory_space<vmem>>, vector<128x128xf32>
      %dot_general3A_85 = arith.constant dense<0.000000e+00> : vector<512x128xf32>
      %dot_general3A_86 = tpu.matmul %max3A_81, %get3A_84, %dot_general3A_85 {dimension_numbers = #tpu.dot_dimension_numbers<[1], [0], [0], [1], [0, 0, 1, 1], [], []>, transpose_lhs_hint = false} : vector<512x128xf32>, vector<128x128xf32>, vector<512x128xf32> -> vector<512x128xf32>
      %get3A_87 = arith.constant 0 : index
      %get3A_88 = arith.constant 0 : index
      %get3A_89 = vector.load %arg10[%get3A_87, %get3A_88] : memref<1x128xf32, #tpu.memory_space<vmem>>, vector<1x128xf32>
      %add3A_90 = vector.broadcast %get3A_89 : vector<1x128xf32> to vector<512x128xf32>
      %add3A_91 = arith.addf %dot_general3A_86, %add3A_90 : vector<512x128xf32>
      %tanh3A = math.tanh %add3A_91 : vector<512x128xf32>
      %get3A_92 = arith.constant 0 : index
      %get3A_93 = arith.constant 0 : index
      %get3A_94 = vector.load %arg8[%get3A_92, %get3A_93] : memref<1x128xf32, #tpu.memory_space<vmem>>, vector<1x128xf32>
      %max3A_95 = arith.constant 0.000000e+00 : f32
      %max3A_96 = vector.broadcast %max3A_95 : f32 to vector<1x128xf32>
      %max3A_97 = arith.maximumf %get3A_94, %max3A_96 : vector<1x128xf32>
      %get3A_98 = arith.constant 0 : index
      %get3A_99 = arith.constant 0 : index
      %get3A_100 = vector.load %arg9[%get3A_98, %get3A_99] : memref<128x128xf32, #tpu.memory_space<vmem>>, vector<128x128xf32>
      %dot_general3A_101 = arith.constant dense<0.000000e+00> : vector<1x128xf32>
      %dot_general3A_102 = tpu.matmul %max3A_97, %get3A_100, %dot_general3A_101 {dimension_numbers = #tpu.dot_dimension_numbers<[1], [0], [0], [1], [0, 0, 1, 1], [], []>, transpose_lhs_hint = false} : vector<1x128xf32>, vector<128x128xf32>, vector<1x128xf32> -> vector<1x128xf32>
      %get3A_103 = arith.constant 0 : index
      %get3A_104 = arith.constant 0 : index
      %get3A_105 = vector.load %arg10[%get3A_103, %get3A_104] : memref<1x128xf32, #tpu.memory_space<vmem>>, vector<1x128xf32>
      %add3A_106 = arith.addf %dot_general3A_102, %get3A_105 : vector<1x128xf32>
      %tanh3A_107 = math.tanh %add3A_106 : vector<1x128xf32>
      %iota3A_108 = tpu.iota {dimensions = array<i32: 0>} : vector<64x512xi32>
      %get3A_109 = arith.constant 0 : index
      %get3A_110 = arith.constant 0 : index
      %get3A_111 = vector.load %arg6[%get3A_109, %get3A_110] : memref<1x512xi32, #tpu.memory_space<vmem>>, vector<1x512xi32>
      %eq3A_112 = vector.broadcast %get3A_111 : vector<1x512xi32> to vector<64x512xi32>
      %eq3A_113 = arith.cmpi eq, %eq3A_112, %iota3A_108 : vector<64x512xi32>
      %convert_element_type3A_114 = arith.extui %eq3A_113 : vector<64x512xi1> to vector<64x512xi32>
      %convert_element_type3A_115 = arith.sitofp %convert_element_type3A_114 : vector<64x512xi32> to vector<64x512xf32>
      %reduce_sum3A_116 = arith.constant dense<0.000000e+00> : vector<64xf32>
      %reduce_sum3A_117 = vector.multi_reduction <add>, %convert_element_type3A_115, %reduce_sum3A_116 [1] : vector<64x512xf32> to vector<64xf32>
      %broadcast_in_dim3A_118 = vector.shape_cast %reduce_sum3A_117 : vector<64xf32> to vector<64x1xf32>
      %reduce_max3A = vector.shape_cast %broadcast_in_dim3A_118 : vector<64x1xf32> to vector<1x64x1xf32>
      %reduce_max3A_119 = arith.constant dense<0xFF800000> : vector<1xf32>
      %reduce_max3A_120 = vector.multi_reduction <maximumf>, %reduce_max3A, %reduce_max3A_119 [1, 2] : vector<1x64x1xf32> to vector<1xf32>
      %reduce_max3A_121 = vector.shape_cast %reduce_max3A_120 : vector<1xf32> to vector<1x1x1xf32>
      %reduce_max3A_122 = vector.extract %reduce_max3A_121[0, 0, 0] : f32 from vector<1x1x1xf32>
      %dot_general3A_123 = arith.constant dense<0.000000e+00> : vector<64x128xf32>
      %dot_general3A_124 = tpu.matmul %convert_element_type3A_115, %tanh3A, %dot_general3A_123 {dimension_numbers = #tpu.dot_dimension_numbers<[1], [0], [0], [1], [0, 0, 1, 1], [], []>, transpose_lhs_hint = false} : vector<64x512xf32>, vector<512x128xf32>, vector<64x128xf32> -> vector<64x128xf32>
      %sub3A = vector.broadcast %reduce_max3A_122 : f32 to vector<64x1xf32>
      %sub3A_125 = arith.subf %sub3A, %broadcast_in_dim3A_118 : vector<64x1xf32>
      %mul3A_126 = vector.broadcast %sub3A_125 : vector<64x1xf32> to vector<64x128xf32>
      %mul3A_127 = vector.broadcast %tanh3A_107 : vector<1x128xf32> to vector<64x128xf32>
      %mul3A_128 = arith.mulf %mul3A_126, %mul3A_127 : vector<64x128xf32>
      %add3A_129 = arith.addf %dot_general3A_124, %mul3A_128 : vector<64x128xf32>
      %get3A_130 = arith.constant 0 : index
      %get3A_131 = arith.constant 0 : index
      %get3A_132 = vector.load %arg11[%get3A_130, %get3A_131] : memref<128x128xf32, #tpu.memory_space<vmem>>, vector<128x128xf32>
      %dot_general3A_133 = arith.constant dense<0.000000e+00> : vector<64x128xf32>
      %dot_general3A_134 = tpu.matmul %add3A_129, %get3A_132, %dot_general3A_133 {dimension_numbers = #tpu.dot_dimension_numbers<[1], [0], [0], [1], [0, 0, 1, 1], [], []>, transpose_lhs_hint = false} : vector<64x128xf32>, vector<128x128xf32>, vector<64x128xf32> -> vector<64x128xf32>
      %get3A_135 = arith.constant 0 : index
      %get3A_136 = arith.constant 0 : index
      %get3A_137 = vector.load %arg12[%get3A_135, %get3A_136] : memref<1x128xf32, #tpu.memory_space<vmem>>, vector<1x128xf32>
      %add3A_138 = vector.broadcast %get3A_137 : vector<1x128xf32> to vector<64x128xf32>
      %add3A_139 = arith.addf %dot_general3A_134, %add3A_138 : vector<64x128xf32>
      %max3A_140 = arith.constant 0.000000e+00 : f32
      %max3A_141 = vector.broadcast %max3A_140 : f32 to vector<64x128xf32>
      %max3A_142 = arith.maximumf %add3A_139, %max3A_141 : vector<64x128xf32>
      %get3A_143 = arith.constant 0 : index
      %get3A_144 = arith.constant 0 : index
      %get3A_145 = vector.load %arg13[%get3A_143, %get3A_144] : memref<128x16xf32, #tpu.memory_space<vmem>>, vector<128x16xf32>
      %dot_general3A_146 = arith.constant dense<0.000000e+00> : vector<64x16xf32>
      %dot_general3A_147 = tpu.matmul %max3A_142, %get3A_145, %dot_general3A_146 {dimension_numbers = #tpu.dot_dimension_numbers<[1], [0], [0], [1], [0, 0, 1, 1], [], []>, transpose_lhs_hint = false} : vector<64x128xf32>, vector<128x16xf32>, vector<64x16xf32> -> vector<64x16xf32>
      %get3A_148 = arith.constant 0 : index
      %get3A_149 = arith.constant 0 : index
      %get3A_150 = vector.load %arg14[%get3A_148, %get3A_149] : memref<1x16xf32, #tpu.memory_space<vmem>>, vector<1x16xf32>
      %add3A_151 = vector.broadcast %get3A_150 : vector<1x16xf32> to vector<64x16xf32>
      %add3A_152 = arith.addf %dot_general3A_147, %add3A_151 : vector<64x16xf32>
      %swap3A_153 = arith.constant 0 : index
      %swap3A_154 = arith.constant 0 : index
      %swap3A_155 = vector.load %arg15[%swap3A_153, %swap3A_154] : memref<64x16xf32, #tpu.memory_space<vmem>>, vector<64x16xf32>
      tpu.vector_store %arg15[%swap3A_153, %swap3A_154], %add3A_152 {strides = array<i32>} : memref<64x16xf32, #tpu.memory_space<vmem>>, vector<64x16xf32>,
    } else {
    }
    return
  }
  func.func @transform_0(%arg0: i32) -> (i32, i32, i32) {
    %c0_i32 = arith.constant 0 : i32
    %c0_i32_0 = arith.constant 0 : i32
    %c0_i32_1 = arith.constant 0 : i32
    return %c0_i32, %arg0, %c0_i32_0 : i32, i32, i32
  }
  func.func @transform_1(%arg0: i32) -> (i32, i32, i32) {
    %c1_i32 = arith.constant 1 : i32
    %c0_i32 = arith.constant 0 : i32
    %c0_i32_0 = arith.constant 0 : i32
    return %c1_i32, %arg0, %c0_i32 : i32, i32, i32
  }
  func.func @transform_2(%arg0: i32) -> (i32, i32) {
    %c0_i32 = arith.constant 0 : i32
    %c0_i32_0 = arith.constant 0 : i32
    return %arg0, %c0_i32 : i32, i32
  }
  func.func @transform_3(%arg0: i32) -> (i32, i32) {
    %c0_i32 = arith.constant 0 : i32
    %c0_i32_0 = arith.constant 0 : i32
    %c0_i32_1 = arith.constant 0 : i32
    return %c0_i32, %c0_i32_0 : i32, i32
  }
  func.func @transform_4(%arg0: i32) -> (i32, i32) {
    %c0_i32 = arith.constant 0 : i32
    %c0_i32_0 = arith.constant 0 : i32
    return %c0_i32, %arg0 : i32, i32
  }
  func.func @transform_5(%arg0: i32) -> (i32, i32) {
    %c0_i32 = arith.constant 0 : i32
    %c0_i32_0 = arith.constant 0 : i32
    %c0_i32_1 = arith.constant 0 : i32
    return %c0_i32, %c0_i32_0 : i32, i32
  }
  func.func @transform_6(%arg0: i32) -> (i32, i32) {
    %c0_i32 = arith.constant 0 : i32
    %c0_i32_0 = arith.constant 0 : i32
    %c0_i32_1 = arith.constant 0 : i32
    return %c0_i32, %c0_i32_0 : i32, i32
  }
  func.func @transform_7(%arg0: i32) -> (i32, i32) {
    %c0_i32 = arith.constant 0 : i32
    %c0_i32_0 = arith.constant 0 : i32
    %c0_i32_1 = arith.constant 0 : i32
    return %c0_i32, %c0_i32_0 : i32, i32
  }
  func.func @transform_8(%arg0: i32) -> (i32, i32) {
    %c0_i32 = arith.constant 0 : i32
    %c0_i32_0 = arith.constant 0 : i32
    %c0_i32_1 = arith.constant 0 : i32
    return %c0_i32, %c0_i32_0 : i32, i32
  }
  func.func @transform_9(%arg0: i32) -> (i32, i32) {
    %c0_i32 = arith.constant 0 : i32
    %c0_i32_0 = arith.constant 0 : i32
    %c0_i32_1 = arith.constant 0 : i32
    return %c0_i32, %c0_i32_0 : i32, i32
  }
  func.func @transform_10(%arg0: i32) -> (i32, i32) {
    %c0_i32 = arith.constant 0 : i32
    %c0_i32_0 = arith.constant 0 : i32
    %c0_i32_1 = arith.constant 0 : i32
    return %c0_i32, %c0_i32_0 : i32, i32
  }
  func.func @transform_11(%arg0: i32) -> (i32, i32) {
    %c0_i32 = arith.constant 0 : i32
    %c0_i32_0 = arith.constant 0 : i32
    %c0_i32_1 = arith.constant 0 : i32
    return %c0_i32, %c0_i32_0 : i32, i32
  }
  func.func @transform_12(%arg0: i32) -> (i32, i32) {
    %c0_i32 = arith.constant 0 : i32
    %c0_i32_0 = arith.constant 0 : i32
    %c0_i32_1 = arith.constant 0 : i32
    return %c0_i32, %c0_i32_0 : i32, i32
  }
  func.func @transform_13(%arg0: i32) -> (i32, i32) {
    %c0_i32 = arith.constant 0 : i32
    %c0_i32_0 = arith.constant 0 : i32
    %c0_i32_1 = arith.constant 0 : i32
    return %c0_i32, %c0_i32_0 : i32, i32
  }
  func.func @transform_14(%arg0: i32) -> (i32, i32) {
    %c0_i32 = arith.constant 0 : i32
    %c0_i32_0 = arith.constant 0 : i32
    %c0_i32_1 = arith.constant 0 : i32
    return %c0_i32, %c0_i32_0 : i32, i32
  }
}

</mosaic_0001>

<sc_bundles>
// kernel: kernel.10.cloned.1.call-start
scs
__scs_entry_jumppad:
0x0: {  	(pc) =	sbr.rel $0x88, $3  }
0x1: {  	(tag) =	ssettag $0x0;
	lr =	simm.s32 $0x1  }
0x2: {  	[smem:$0x3F8F] =	sst lr;
	_ =	strace $0xD0000000  }
0x3: {  	_ = 	snop  }
0x4: {  	_ = 	snop  }
0x5: {  	_ = 	snop  }
0x6: {  	_ = 	snop  }
0x7: {  	_ = 	snop  }
__scs_overlays_trampoline_lowered:
0x8: {  	[smem:$0x3F9E] =	sst s0  }
0x9: {  	[smem:$0x3F9F] =	sst s1  }
0xa: {  	[smem:$0x3FA0] =	sst s2  }
0xb: {  	[smem:$0x3FA1] =	sst s3  }
0xc: {  	[smem:$0x3FA2] =	sst s4  }
0xd: {  	[smem:$0x3FA3] =	sst s5  }
0xe: {  	[smem:$0x3FA4] =	sst s6  }
0xf: {  	[smem:$0x3FA5] =	sst s7  }
0x10: {  	[smem:$0x3FA6] =	sst s8  }
0x11: {  	[smem:$0x3FA7] =	sst s9;
	s0 =	simm.s32 @!p0 $0x0  }
0x12: {  	s1 =	sld [smem:$0x3F8D];
	s0 =	simm.s32 @p0 $0x1  }
0x13: {  	[smem:$0x3FA8] =	sst s0;
	s0 =	simm.s32 @!p1 $0x0  }
0x14: {  	s2 =	sld [smem:$0x3F8C];
	s0 =	simm.s32 @p1 $0x1  }
0x15: {  	[smem:$0x3FA9] =	sst s0;
	s0 =	simm.s32 @!p2 $0x0  }
0x16: {  	s3 =	sld [smem:$0x3FDB];
	s0 =	simm.s32 @p2 $0x1  }
0x17: {  	s4 =	simm.s32 $0x1BF5;
	[smem:$0x3FAB] =	sst s0  }
0x18: {  	s0 =	sld [smem:$0x3F8E];
	_ =	swait.ge [sflag:s4], $0x0  }
0x19: {  	s7 =	sld [smem:$0x3F8F]  }
0x1a: {  	s8 =	sadd.s32 $0xFFFFE003, lr  }
0x1b: {  	s9 =	sadd.s32 $0xFFFFFEF7, lr;
	s5 =	simm.s32 $0xFFFFFFFF;
	p2 =	slt.u32 s8, $0xFFFFF086  }
0x1c: {  	p1 =	slt.u32 s9, $0xF7A;
	s5 =	simm.s32 @!p2 $0x0  }
0x1d: {  	s5 =	simm.s32 @p1 $0x1;
	p0 =	seq.s32 s7, s2  }
0x1e: {  	s7 =	smul.u32 @!p0 $0xF7A, s2;
	p2 =	seq.s32 @!p0 s5, $0x0  }
0x1f: {  	s9 =	smul.u32 $0xF7A, s1;
	s8 =	simm.s32 @!p0 $0x1BF5;
	p2 =	por !p2, p0  }
0x20: {  	[sflag:s8] =	ssyncset.s32 @!p0 $0xFFFFF086;
	s6 =	sadd.s32 @!p0 s3, s7;
	s7 =	simm.s32 @!p0 $0x108  }
0x21: {  	s3 =	sadd.s32 s3, s9;
	s6 =	sadd.s32 @!p0 $0x88, s6;
	s7 =	simm.s32 @p2 $0x1082  }
0x22: {  	[simem:s7], [sflag:s8] =	dma.local @!p0 [hbm:s6], $0xF7A  }
0x23: {  	s9 =	sor.u32 $0xD0000000, s2;
	s6 =	simm.s32 $0x108;
	_ =	swait.ge @!p0 [sflag:s8], $0x0  }
0x24: {  	s3 =	sadd.s32 $0x88, s3;
	s6 =	simm.s32 @!p1 $0x1082;
	[sflag:s4] =	ssyncset.s32 $0xFFFFF086  }
0x25: {  	[simem:s6], [sflag:s4] =	dma.local [hbm:s3], $0xF7A  }
0x26: {  	[smem:$0x3F8F] =	sst s1;
	(tag) =	ssettag s2;
	_ =	strace s9  }
0x27: {  	s1 =	sld [smem:$0x3F9F]  }
0x28: {  	s2 =	sld [smem:$0x3FA0]  }
0x29: {  	s4 =	sld [smem:$0x3FA2]  }
0x2a: {  	p0 =	seq.s32 s5, $0x0;
	s5 =	sld [smem:$0x3FA3]  }
0x2b: {  	s6 =	sld [smem:$0x3FA4]  }
0x2c: {  	s7 =	sld [smem:$0x3FA5]  }
0x2d: {  	s3 =	simm.s32 $0x108;
	s8 =	sld [smem:$0x3FA6]  }
0x2e: {  	s3 =	simm.s32 @!p0 $0x1082;
	s9 =	sld [smem:$0x3FA7]  }
0x2f: {  	lr =	sadd.s32 s0, s3;
	s0 =	sld [smem:$0x3F9E]  }
0x30: {  	s3 =	sld [smem:$0x3FA1]  }
0x31: {  	[smem:$0x3FAA] =	sst s10  }
0x32: {  	s10 =	sld [smem:$0x3FA8];
	_ =	sdelay $0x3  }
0x33: {  	p0 =	seq.s32 s10, $0x1;
	s10 =	sld [smem:$0x3FAA];
	_ =	sdelay $0x3  }
0x34: {  	[smem:$0x3FAA] =	sst s10  }
0x35: {  	s10 =	sld [smem:$0x3FA9];
	_ =	sdelay $0x3  }
0x36: {  	p1 =	seq.s32 s10, $0x1;
	s10 =	sld [smem:$0x3FAA];
	_ =	sdelay $0x3  }
0x37: {  	[smem:$0x3FAA] =	sst s10  }
0x38: {  	s10 =	sld [smem:$0x3FAB]  }
0x39: {  	_ = 	snop;
	(pc) =	sbr.ind lr, $3  }
0x3a: {  	_ = 	snop  }
0x3b: {  	_ = 	snop  }
0x3c: {  	p2 =	seq.s32 s10, $0x1;
	s10 =	sld [smem:$0x3FAA]  }
0x3d: {  	_ =	shalt  }
0x3e: {  	_ =	shalt  }
0x3f: {  	_ =	shalt  }
0x40: {  	_ =	shalt  }
0x41: {  	_ =	shalt  }
0x42: {  	_ =	shalt  }
0x43: {  	_ =	shalt  }
0x44: {  	_ =	shalt  }
0x45: {  	_ =	shalt  }
0x46: {  	_ =	shalt  }
0x47: {  	_ =	shalt  }
0x48: {  	_ =	shalt  }
0x49: {  	_ =	shalt  }
0x4a: {  	_ =	shalt  }
0x4b: {  	_ =	shalt  }
0x4c: {  	_ =	shalt  }
0x4d: {  	_ =	shalt  }
0x4e: {  	_ =	shalt  }
0x4f: {  	_ =	shalt  }
0x50: {  	_ =	shalt  }
0x51: {  	_ =	shalt  }
0x52: {  	_ =	shalt  }
0x53: {  	_ =	shalt  }
0x54: {  	_ =	shalt  }
0x55: {  	_ =	shalt  }
0x56: {  	_ =	shalt  }
0x57: {  	_ =	shalt  }
0x58: {  	_ =	shalt  }
0x59: {  	_ =	shalt  }
0x5a: {  	_ =	shalt  }
0x5b: {  	_ =	shalt  }
0x5c: {  	_ =	shalt  }
0x5d: {  	_ =	shalt  }
0x5e: {  	_ =	shalt  }
0x5f: {  	_ =	shalt  }
0x60: {  	_ =	shalt  }
0x61: {  	_ =	shalt  }
0x62: {  	_ =	shalt  }
0x63: {  	_ =	shalt  }
0x64: {  	_ =	shalt  }
0x65: {  	_ =	shalt  }
0x66: {  	_ =	shalt  }
0x67: {  	_ =	shalt  }
0x68: {  	_ =	shalt  }
0x69: {  	_ =	shalt  }
0x6a: {  	_ =	shalt  }
0x6b: {  	_ =	shalt  }
0x6c: {  	_ =	shalt  }
0x6d: {  	_ =	shalt  }
0x6e: {  	_ =	shalt  }
0x6f: {  	_ =	shalt  }
0x70: {  	_ =	shalt  }
0x71: {  	_ =	shalt  }
0x72: {  	_ =	shalt  }
0x73: {  	_ =	shalt  }
0x74: {  	_ =	shalt  }
0x75: {  	_ =	shalt  }
0x76: {  	_ =	shalt  }
0x77: {  	_ =	shalt  }
0x78: {  	_ =	shalt  }
0x79: {  	_ =	shalt  }
0x7a: {  	_ =	shalt  }
0x7b: {  	_ =	shalt  }
0x7c: {  	_ =	shalt  }
0x7d: {  	_ =	shalt  }
0x7e: {  	_ =	shalt  }
0x7f: {  	_ =	shalt  }
0x80: {  	_ =	shalt  }
0x81: {  	_ =	shalt  }
0x82: {  	_ =	shalt  }
0x83: {  	_ =	shalt  }
0x84: {  	_ =	shalt  }
0x85: {  	_ =	shalt  }
0x86: {  	_ =	shalt  }
0x87: {  	_ =	shalt  }
.Lfunc_end0:
.L_simem_size_0:
called_computation_lowered:
.L_overlay_start_0:
0x88: {  	s2 =	sld [smem:$0x3FD9]  }
0x89: {  	s3 =	sld [smem:$0x3FFE];
	_ =	sdelay $0x1  }
0x8a: {  	s1 =	srdreg.scid  }
0x8b: {  	s0 =	sand.u32 $0x1, s1  }
0x8c: {  	s17 =	sshll.u32 s0, $0xA;
	s2 =	sadd.s32 s3, s2  }
0x8d: {  	s2 =	sadd.s32 s2, s17  }
0x8e: {  	[smem:$0x3FB6] =	sst s2  }
0x8f: {  	_ = 	snop  }
0x90: {  	s2 =	sld [smem:$0x3FD0];
	(tm) =	ssettm $0x1  }
0x91: {  	s18 =	sld [smem:$0x3FFB];
	_ =	sdelay $0x3  }
0x92: {  	_ =	strace s18  }
0x93: {  	s3 =	sld [smem:$0x3FFC];
	_ =	sdelay $0x3  }
0x94: {  	_ =	strace s3  }
0x95: {  	s3 =	sld [smem:$0x3FFD];
	_ =	sdelay $0x3  }
0x96: {  	_ =	strace s3  }
0x97: {  	_ =	strace $0x8FFFFFFF  }
0x98: {  	s19 =	sld [smem:$0x3FDB];
	_ =	sdelay $0x1  }
0x99: {  	s4 =	simm.s32 $_scs_section_size  }
0x9a: {  	s5 =	simm.s32 $_size__tile_overlayer_lowered;
	s6 =	simm.s32 $_tile_overlayer_lowered  }
0x9b: {  	s22 =	simm.s32 $0x1BFF;
	s21 =	sshll.u32 s6, $0x1;
	s3 =	sadd.s32 s4, s19  }
0x9c: {  	s7 =	simm.s32 $0x0;
	s20 =	sshll.u32 s5, $0x1;
	s5 =	sadd.s32 s21, s3  }
0x9d: {  	[timem:s7], [sflag:s22] =	dma.local [hbm:s5], s20  }
0x9e: {  	_ =	swait.ge [sflag:s22], s20  }
0x9f: {  	s4 =	ssub.s32 $0x0, s20;
	[sflag:s22] =	ssyncset.done $0x0  }
0xa0: {  	[sflag:s22] =	ssyncadd.s32 s4;
	_ =	sdelay $0x1  }
0xa1: {  	s23 =	simm.s32 $0x1B8B  }
0xa2: {  	_ =	swait.ge [sflag:s23], $0x1  }
0xa3: {  	[sflag:s23] =	ssyncset.done $0x0  }
0xa4: {  	s25 =	simm.s32 $0x1B8E;
	s24 =	sld [smem:$0x3FFE];
	[sflag:s23] =	ssyncadd.s32 $0xFFFFFFFF  }
0xa5: {  	s26 =	simm.s32 $execute0_lowered;
	[smem:$0x3FD2] =	sst s25  }
0xa6: {  	s5 =	sshll.u32 s26, $0x1;
	_ =	strace $0x80000046;
	[dreg:$0x1] =	wrdreg $0xFFFFFFFF  }
0xa7: {  	s28 =	simm.s32 $_size_execute0_lowered;
	s3 =	sadd.s32 s3, s5;
	[dreg:$0x0] =	wrdreg $0x0  }
0xa8: {  	s5 =	sshll.u32 s28, $0x1;
	[dreg:$0x2] =	wrdreg s3  }
0xa9: {  	[dreg:$0x3] =	wrdreg s5  }
0xaa: {  	[dreg:$0x4] =	wrdreg $0xC0  }
0xab: {  	_ =	task [dreg:s7], $0x5FFFF  }
0xac: {  	[dreg:$0x1] =	wrdreg $0xFFFFFFFF  }
0xad: {  	[dreg:$0x0] =	wrdreg $0x60  }
0xae: {  	[dreg:$0x2] =	wrdreg s24  }
0xaf: {  	[dreg:$0x3] =	wrdreg s2  }
0xb0: {  	[dreg:$0x4] =	wrdreg $0x2C800  }
0xb1: {  	[dreg:$0x5] =	wrdreg $0x9  }
0xb2: {  	_ =	task.clear_ibuf [dreg:s7], $0x6FFFF;
	_ =	strace $0x90000046  }
0xb3: {  	s29 =	simm.s32 $0x9;
	_ =	strace $0x80000048  }
0xb4: {  	_ =	swait.ge [sflag:s29], $0x1  }
0xb5: {  	[sflag:s29] =	ssyncadd.s32 $0xFFFFFFFF  }
0xb6: {  	_ =	strace $0x90000048  }
0xb7: {  	_ =	sfence  }
0xb8: {  	s30 =	sld [smem:$0x0];
	_ =	sdelay $0x2  }
0xb9: {  	s31 =	sshll.u32 s1, $0xD;
	s1 =	sshrl.u32 s1, $0x2  }
0xba: {  	s3 =	sand.u32 $0x4000, s31;
	s1 =	sadd.s32 s1, s30  }
0xbb: {  	s0 =	sor.u32 s3, s0;
	s1 =	sshll.u32 s1, $0x11  }
0xbc: {  	s0 =	sor.u32 s1, s0  }
0xbd: {  	s0 =	sadd.s32 $0x8F2B, s0  }
0xbe: {  	[sflag:s0] =	ssyncadd.remote.s32 $0x1  }
0xbf: {  	_ =	sfence.sel $0xFFFF  }
0xc0: {  	[dreg:$0x0] =	wrdreg $0xFFFFFFFF;
	(pc) =	sbr.abs _section_cstart, $3  }
0xc1: {  	[dreg:$0x1] =	wrdreg $0xFFFFFFFF  }
0xc2: {  	_ =	task.clear_ibuf [dreg:s7], $0x2FFFF;
	_ =	strace $0x9FFFFFFF  }
0xc3: {  	(tm) =	ssettm $0x7FFFFFFF  }
tec
execute0_lowered:
.L_overlay_start_1:
0x0: {  	(tag) =	ssettag $0x1  }
0x1: {  	s5 =	rddreg [dreg:$0x0]  }
0x2: {  	s1 =	srdreg.scid;
	s2 =	rddreg [dreg:$0x1]  }
0x3: {  	s0 =	stileid.u32;
	s3 =	rddreg [dreg:$0x2];
	s4 =	simm.s32 $0x0  }
0x4: {  	s13 =	simm.s32 $0x78;
	s14 =	simm.s32 $0x20;
	s15 =	simm.s32 $0x10  }
0x5: {  	s16 =	simm.s32 $0x0;
	s6 =	sand.u32 $0x1, s1;
	s8 =	smul.u32 $0x500, s0  }
0x6: {  	s28 =	sshll.u32 s0, $0x1;
	[smem:$0x7FF] =	sst s4;
	s9 =	smul.u32 $0x280, s0  }
0x7: {  	s31 =	sshll.u32 s0, $0x6;
	s1 =	sor.u32 s6, s28;
	s10 =	sshll.u32 s6, $0x7  }
0x8: {  	s6 =	ssub.s32 $0x2, s6;
	s7 =	smul.u32 $0x580, s1;
	s1 =	rddreg [dreg:$0x3]  }
0x9: {  	_ =	strace $0x80000047;
	s8 =	sor.u32 s10, s8;
	s29 =	sshrl.u32 s9, $0x3  }
0xa: {  	s30 =	sshrl.u32 s6, $0x1;
	s12 =	sadd.s32 s9, s3;
	s9 =	simm.s32 $0x2C00  }
0xb: {  	s8 =	sshrl.u32 s8, $0x3;
	s10 =	sadd.s32 s29, s5;
	s11 =	ssub.s32 s6, s30  }
0xc: {  	s12 =	sshrl.u32 s12, $0x3;
	s7 =	sadd.s32 s7, s5;
	s8 =	sadd.s32 s8, s5  }
0xd: {  	s5 =	sadd.s32 $0xF000, s10;
	s10 =	simm.s32 $0x1;
	s6 =	sadd.s32 $0x4000, s7  }
0xe: {  	s7 =	sadd.s32 $0xF600, s8;
	s8 =	smax.u32 s11, $0x1;
	s11 =	sor.u32 $0x1C01, s31  }
.LBB2_1:
0xf: {  	[tilespmem:s9], [sflag:$0x1] =	stream.linear.gather [hbm4b:s2+s4], $0x80, $0x38;
	[tilespmem:$0x2F00] =	vst v63  }
0x10: {  	_ =	swait.ge [sflag:s10], $0x80  }
0x11: {  	[sflag:s10] =	ssyncset.done $0x0  }
0x12: {  	[sflag:s10] =	ssyncadd.s32 $0xFFFFFF80  }
0x13: {  	[spmem:s12], [sflag:s11] =	dma.local [hbm:s5], $0x50  }
0x14: {  	_ =	swait.ge [sflag:s10], $0x50  }
0x15: {  	[sflag:s10] =	ssyncset.done $0x0  }
0x16: {  	[sflag:s10] =	ssyncadd.s32 $0xFFFFFFB0  }
0x17: {  	[tilespmem:s4], [sflag:$0x1] =	stream.linear.gather [hbm4b:s6+s4], $0x2A00, $0x38;
	[tilespmem:$0x2F00] =	vst v63  }
0x18: {  	_ =	swait.ge [sflag:s10], $0x2A00  }
0x19: {  	[sflag:s10] =	ssyncset.done $0x0  }
0x1a: {  	[sflag:s10] =	ssyncadd.s32 $0xFFFFD600  }
0x1b: {  	s17 =	simm.s32 $0x0;
	[bflag:$0x0] =	sbarrier.arrive $0xFFFF  }
0x1c: {  	[spmem:s3] =	stream.indirect.scatter.add.f32 [tilespmem:s9], [sflag:$0x1], $0x1, s17, s13, $0xb8;
	[tilespmem:$0x2F00] =	vst v63  }
0x1d: {  	_ =	swait.ge [sflag:s10], $0x78  }
0x1e: {  	s17 =	simm.s32 $0x200;
	[sflag:s10] =	ssyncset.done $0x0  }
.LBB2_2:
0x1f: {  	s18 =	sshra.s32 s17, $0x2;
	[sflag:s10] =	ssyncadd.s32 $0xFFFFFF88;
	p0 =	sne.s32 s17, $0xA600  }
0x20: {  	[spmem:s3] =	stream.indirect.scatter.add.f32 [tilespmem:s9], [sflag:$0x1], $0x1, s18, s13, $0xb8;
	[tilespmem:$0x2F00] =	vst v63  }
.Ltmp0:
0x21: {  	_ = 	snop;
	(pc) =	sbr.rel @p0 .LBB2_2-.Ltmp0, $4  }
0x22: {  	_ = 	snop  }
0x23: {  	s17 =	sadd.s32 $0x200, s17  }
0x24: {  	_ =	swait.ge [sflag:s10], $0x78  }
0x25: {  	[sflag:s10] =	ssyncset.done $0x0  }
0x26: {  	s16 =	sadd.s32 $0x1, s16  }
0x27: {  	[sflag:s10] =	ssyncadd.s32 $0xFFFFFF88;
	p0 =	sne.s32 s16, s8  }
.Ltmp1:
0x28: {  	[bflag:$0x0] =	sbarrier.arrive $0xFFFF;
	(pc) =	sbr.rel @p0 .LBB2_1-.Ltmp1, $4  }
0x29: {  	[hbm:s7@s14], [sflag:s11] =	dma.strided [spmem:s12@s15], $0x50, s10, $0x10   }
0x2a: {  	_ =	swait.ge [sflag:s10], $0x50  }
0x2b: {  	[sflag:s10] =	ssyncset.done $0x0  }
0x2c: {  	[sflag:s10] =	ssyncadd.s32 $0xFFFFFFB0  }
0x2d: {  	_ =	sfence.sel $0x180000  }
0x2e: {  	[bflag:$0x0] =	sbarrier.arrive $0xFFFF  }
0x2f: {  	p0 =	sne.s32 s0, $0x0;
	_ =	strace $0x90000047  }
0x30: {  	s0 =	sadd.s32 @!p0 $0x100000, s1;
	[bflag:$0x2] =	sbarrier.arrive $0xFFFF  }
0x31: {  	[sflag:s0] =	ssyncadd.tile.s32 @!p0 $0x1;
	_ =	shalt  }
.Lfunc_end2:
_tile_overlayer_lowered:
.L_overlay_start_2:
0x32: {  	(tag) =	ssettag $0x2  }
0x33: {  	s0 =	rddreg [dreg:$0x0];
	s2 =	stileid.u32  }
0x34: {  	s1 =	rddreg [dreg:$0x1];
	p0 =	sne.s32 s2, $0x0  }
0x35: {  	s3 =	rddreg [dreg:$0x2];
	[bflag:$0x3] =	sbarrier.arrive $0xFFFF;
	s2 =	simm.s32 @!p0 $0x1C01  }
0x36: {  	[timem:s3], [sflag:s2] =	dma.local @!p0 [hbm:s0], s1  }
0x37: {  	s0 =	simm.s32 @!p0 $0x1  }
0x38: {  	_ =	swait.ge @!p0 [sflag:s0], s1  }
0x39: {  	s1 =	ssub.s32 @!p0 $0x0, s1;
	[sflag:s0] =	ssyncset.done @!p0 $0x0  }
0x3a: {  	[sflag:s0] =	ssyncadd.s32 @!p0 s1  }
0x3b: {  	[bflag:$0x3] =	sbarrier.arrive $0xFFFF  }
0x3c: {  	_ =	shalt  }

// kernel: kernel.13.cloned.1.call-start
scs
__scs_entry_jumppad:
0x0: {  	(pc) =	sbr.rel $0x88, $3  }
0x1: {  	(tag) =	ssettag $0x0;
	lr =	simm.s32 $0x1  }
0x2: {  	[smem:$0x3F8F] =	sst lr;
	_ =	strace $0xD0000000  }
0x3: {  	_ = 	snop  }
0x4: {  	_ = 	snop  }
0x5: {  	_ = 	snop  }
0x6: {  	_ = 	snop  }
0x7: {  	_ = 	snop  }
__scs_overlays_trampoline_lowered:
0x8: {  	[smem:$0x3F9E] =	sst s0  }
0x9: {  	[smem:$0x3F9F] =	sst s1  }
0xa: {  	[smem:$0x3FA0] =	sst s2  }
0xb: {  	[smem:$0x3FA1] =	sst s3  }
0xc: {  	[smem:$0x3FA2] =	sst s4  }
0xd: {  	[smem:$0x3FA3] =	sst s5  }
0xe: {  	[smem:$0x3FA4] =	sst s6  }
0xf: {  	[smem:$0x3FA5] =	sst s7  }
0x10: {  	[smem:$0x3FA6] =	sst s8  }
0x11: {  	[smem:$0x3FA7] =	sst s9;
	s0 =	simm.s32 @!p0 $0x0  }
0x12: {  	s1 =	sld [smem:$0x3F8D];
	s0 =	simm.s32 @p0 $0x1  }
0x13: {  	[smem:$0x3FA8] =	sst s0;
	s0 =	simm.s32 @!p1 $0x0  }
0x14: {  	s2 =	sld [smem:$0x3F8C];
	s0 =	simm.s32 @p1 $0x1  }
0x15: {  	[smem:$0x3FA9] =	sst s0;
	s0 =	simm.s32 @!p2 $0x0  }
0x16: {  	s3 =	sld [smem:$0x3FDB];
	s0 =	simm.s32 @p2 $0x1  }
0x17: {  	s4 =	simm.s32 $0x1BF5;
	[smem:$0x3FAB] =	sst s0  }
0x18: {  	s0 =	sld [smem:$0x3F8E];
	_ =	swait.ge [sflag:s4], $0x0  }
0x19: {  	s7 =	sld [smem:$0x3F8F]  }
0x1a: {  	s8 =	sadd.s32 $0xFFFFE003, lr  }
0x1b: {  	s9 =	sadd.s32 $0xFFFFFEF7, lr;
	s5 =	simm.s32 $0xFFFFFFFF;
	p2 =	slt.u32 s8, $0xFFFFF086  }
0x1c: {  	p1 =	slt.u32 s9, $0xF7A;
	s5 =	simm.s32 @!p2 $0x0  }
0x1d: {  	s5 =	simm.s32 @p1 $0x1;
	p0 =	seq.s32 s7, s2  }
0x1e: {  	s7 =	smul.u32 @!p0 $0xF7A, s2;
	p2 =	seq.s32 @!p0 s5, $0x0  }
0x1f: {  	s9 =	smul.u32 $0xF7A, s1;
	s8 =	simm.s32 @!p0 $0x1BF5;
	p2 =	por !p2, p0  }
0x20: {  	[sflag:s8] =	ssyncset.s32 @!p0 $0xFFFFF086;
	s6 =	sadd.s32 @!p0 s3, s7;
	s7 =	simm.s32 @!p0 $0x108  }
0x21: {  	s3 =	sadd.s32 s3, s9;
	s6 =	sadd.s32 @!p0 $0x88, s6;
	s7 =	simm.s32 @p2 $0x1082  }
0x22: {  	[simem:s7], [sflag:s8] =	dma.local @!p0 [hbm:s6], $0xF7A  }
0x23: {  	s9 =	sor.u32 $0xD0000000, s2;
	s6 =	simm.s32 $0x108;
	_ =	swait.ge @!p0 [sflag:s8], $0x0  }
0x24: {  	s3 =	sadd.s32 $0x88, s3;
	s6 =	simm.s32 @!p1 $0x1082;
	[sflag:s4] =	ssyncset.s32 $0xFFFFF086  }
0x25: {  	[simem:s6], [sflag:s4] =	dma.local [hbm:s3], $0xF7A  }
0x26: {  	[smem:$0x3F8F] =	sst s1;
	(tag) =	ssettag s2;
	_ =	strace s9  }
0x27: {  	s1 =	sld [smem:$0x3F9F]  }
0x28: {  	s2 =	sld [smem:$0x3FA0]  }
0x29: {  	s4 =	sld [smem:$0x3FA2]  }
0x2a: {  	p0 =	seq.s32 s5, $0x0;
	s5 =	sld [smem:$0x3FA3]  }
0x2b: {  	s6 =	sld [smem:$0x3FA4]  }
0x2c: {  	s7 =	sld [smem:$0x3FA5]  }
0x2d: {  	s3 =	simm.s32 $0x108;
	s8 =	sld [smem:$0x3FA6]  }
0x2e: {  	s3 =	simm.s32 @!p0 $0x1082;
	s9 =	sld [smem:$0x3FA7]  }
0x2f: {  	lr =	sadd.s32 s0, s3;
	s0 =	sld [smem:$0x3F9E]  }
0x30: {  	s3 =	sld [smem:$0x3FA1]  }
0x31: {  	[smem:$0x3FAA] =	sst s10  }
0x32: {  	s10 =	sld [smem:$0x3FA8];
	_ =	sdelay $0x3  }
0x33: {  	p0 =	seq.s32 s10, $0x1;
	s10 =	sld [smem:$0x3FAA];
	_ =	sdelay $0x3  }
0x34: {  	[smem:$0x3FAA] =	sst s10  }
0x35: {  	s10 =	sld [smem:$0x3FA9];
	_ =	sdelay $0x3  }
0x36: {  	p1 =	seq.s32 s10, $0x1;
	s10 =	sld [smem:$0x3FAA];
	_ =	sdelay $0x3  }
0x37: {  	[smem:$0x3FAA] =	sst s10  }
0x38: {  	s10 =	sld [smem:$0x3FAB]  }
0x39: {  	_ = 	snop;
	(pc) =	sbr.ind lr, $3  }
0x3a: {  	_ = 	snop  }
0x3b: {  	_ = 	snop  }
0x3c: {  	p2 =	seq.s32 s10, $0x1;
	s10 =	sld [smem:$0x3FAA]  }
0x3d: {  	_ =	shalt  }
0x3e: {  	_ =	shalt  }
0x3f: {  	_ =	shalt  }
0x40: {  	_ =	shalt  }
0x41: {  	_ =	shalt  }
0x42: {  	_ =	shalt  }
0x43: {  	_ =	shalt  }
0x44: {  	_ =	shalt  }
0x45: {  	_ =	shalt  }
0x46: {  	_ =	shalt  }
0x47: {  	_ =	shalt  }
0x48: {  	_ =	shalt  }
0x49: {  	_ =	shalt  }
0x4a: {  	_ =	shalt  }
0x4b: {  	_ =	shalt  }
0x4c: {  	_ =	shalt  }
0x4d: {  	_ =	shalt  }
0x4e: {  	_ =	shalt  }
0x4f: {  	_ =	shalt  }
0x50: {  	_ =	shalt  }
0x51: {  	_ =	shalt  }
0x52: {  	_ =	shalt  }
0x53: {  	_ =	shalt  }
0x54: {  	_ =	shalt  }
0x55: {  	_ =	shalt  }
0x56: {  	_ =	shalt  }
0x57: {  	_ =	shalt  }
0x58: {  	_ =	shalt  }
0x59: {  	_ =	shalt  }
0x5a: {  	_ =	shalt  }
0x5b: {  	_ =	shalt  }
0x5c: {  	_ =	shalt  }
0x5d: {  	_ =	shalt  }
0x5e: {  	_ =	shalt  }
0x5f: {  	_ =	shalt  }
0x60: {  	_ =	shalt  }
0x61: {  	_ =	shalt  }
0x62: {  	_ =	shalt  }
0x63: {  	_ =	shalt  }
0x64: {  	_ =	shalt  }
0x65: {  	_ =	shalt  }
0x66: {  	_ =	shalt  }
0x67: {  	_ =	shalt  }
0x68: {  	_ =	shalt  }
0x69: {  	_ =	shalt  }
0x6a: {  	_ =	shalt  }
0x6b: {  	_ =	shalt  }
0x6c: {  	_ =	shalt  }
0x6d: {  	_ =	shalt  }
0x6e: {  	_ =	shalt  }
0x6f: {  	_ =	shalt  }
0x70: {  	_ =	shalt  }
0x71: {  	_ =	shalt  }
0x72: {  	_ =	shalt  }
0x73: {  	_ =	shalt  }
0x74: {  	_ =	shalt  }
0x75: {  	_ =	shalt  }
0x76: {  	_ =	shalt  }
0x77: {  	_ =	shalt  }
0x78: {  	_ =	shalt  }
0x79: {  	_ =	shalt  }
0x7a: {  	_ =	shalt  }
0x7b: {  	_ =	shalt  }
0x7c: {  	_ =	shalt  }
0x7d: {  	_ =	shalt  }
0x7e: {  	_ =	shalt  }
0x7f: {  	_ =	shalt  }
0x80: {  	_ =	shalt  }
0x81: {  	_ =	shalt  }
0x82: {  	_ =	shalt  }
0x83: {  	_ =	shalt  }
0x84: {  	_ =	shalt  }
0x85: {  	_ =	shalt  }
0x86: {  	_ =	shalt  }
0x87: {  	_ =	shalt  }
.Lfunc_end0:
.L_simem_size_0:
called_computation.1_lowered:
.L_overlay_start_0:
0x88: {  	s2 =	sld [smem:$0x3FD9]  }
0x89: {  	s3 =	sld [smem:$0x3FFE];
	_ =	sdelay $0x1  }
0x8a: {  	s1 =	srdreg.scid  }
0x8b: {  	s0 =	sand.u32 $0x1, s1  }
0x8c: {  	s16 =	sshll.u32 s0, $0xA;
	s2 =	sadd.s32 s3, s2  }
0x8d: {  	s2 =	sadd.s32 s2, s16  }
0x8e: {  	[smem:$0x3FB6] =	sst s2  }
0x8f: {  	_ = 	snop  }
0x90: {  	(tm) =	ssettm $0x1  }
0x91: {  	s17 =	sld [smem:$0x3FFB];
	_ =	sdelay $0x3  }
0x92: {  	_ =	strace s17  }
0x93: {  	s2 =	sld [smem:$0x3FFC];
	_ =	sdelay $0x3  }
0x94: {  	_ =	strace s2  }
0x95: {  	s2 =	sld [smem:$0x3FFD];
	_ =	sdelay $0x3  }
0x96: {  	_ =	strace s2  }
0x97: {  	_ =	strace $0x8FFFFFFF  }
0x98: {  	s18 =	sld [smem:$0x3FDB];
	_ =	sdelay $0x1  }
0x99: {  	s19 =	simm.s32 $_scs_section_size  }
0x9a: {  	s4 =	simm.s32 $_size__tile_overlayer_lowered;
	s5 =	simm.s32 $_tile_overlayer_lowered  }
0x9b: {  	s22 =	simm.s32 $0x1BFF;
	s21 =	sshll.u32 s5, $0x1;
	s2 =	sadd.s32 s19, s18  }
0x9c: {  	s6 =	simm.s32 $0x0;
	s20 =	sshll.u32 s4, $0x1;
	s4 =	sadd.s32 s21, s2  }
0x9d: {  	[timem:s6], [sflag:s22] =	dma.local [hbm:s4], s20  }
0x9e: {  	_ =	swait.ge [sflag:s22], s20  }
0x9f: {  	s3 =	ssub.s32 $0x0, s20;
	[sflag:s22] =	ssyncset.done $0x0  }
0xa0: {  	[sflag:s22] =	ssyncadd.s32 s3;
	_ =	sdelay $0x1  }
0xa1: {  	s23 =	simm.s32 $0x1B8B  }
0xa2: {  	_ =	swait.ge [sflag:s23], $0x1  }
0xa3: {  	[sflag:s23] =	ssyncset.done $0x0  }
0xa4: {  	s25 =	simm.s32 $0x1B8E;
	s24 =	sld [smem:$0x3FFE];
	[sflag:s23] =	ssyncadd.s32 $0xFFFFFFFF  }
0xa5: {  	s26 =	simm.s32 $execute0_lowered;
	[smem:$0x3FD2] =	sst s25  }
0xa6: {  	s4 =	sshll.u32 s26, $0x1;
	_ =	strace $0x80000049;
	[dreg:$0x1] =	wrdreg $0xFFFFFFFF  }
0xa7: {  	s28 =	simm.s32 $_size_execute0_lowered;
	s2 =	sadd.s32 s2, s4;
	[dreg:$0x0] =	wrdreg $0x0  }
0xa8: {  	s4 =	sshll.u32 s28, $0x1;
	[dreg:$0x2] =	wrdreg s2  }
0xa9: {  	[dreg:$0x3] =	wrdreg s4  }
0xaa: {  	[dreg:$0x4] =	wrdreg $0xC0  }
0xab: {  	_ =	task [dreg:s6], $0x5FFFF  }
0xac: {  	[dreg:$0x1] =	wrdreg $0xFFFFFFFF  }
0xad: {  	[dreg:$0x0] =	wrdreg $0x60  }
0xae: {  	[dreg:$0x2] =	wrdreg s24  }
0xaf: {  	[dreg:$0x3] =	wrdreg $0xBA000  }
0xb0: {  	[dreg:$0x4] =	wrdreg $0x9  }
0xb1: {  	_ =	task.clear_ibuf [dreg:s6], $0x5FFFF;
	_ =	strace $0x90000049  }
0xb2: {  	s29 =	simm.s32 $0x9;
	_ =	strace $0x8000004B  }
0xb3: {  	_ =	swait.ge [sflag:s29], $0x1  }
0xb4: {  	[sflag:s29] =	ssyncadd.s32 $0xFFFFFFFF  }
0xb5: {  	_ =	strace $0x9000004B  }
0xb6: {  	_ =	sfence  }
0xb7: {  	s30 =	sld [smem:$0x0];
	_ =	sdelay $0x2  }
0xb8: {  	s31 =	sshll.u32 s1, $0xD;
	s1 =	sshrl.u32 s1, $0x2  }
0xb9: {  	s3 =	sand.u32 $0x4000, s31;
	s1 =	sadd.s32 s1, s30  }
0xba: {  	s0 =	sor.u32 s3, s0;
	s1 =	sshll.u32 s1, $0x11  }
0xbb: {  	s0 =	sor.u32 s1, s0  }
0xbc: {  	s0 =	sadd.s32 $0x8F2B, s0  }
0xbd: {  	[sflag:s0] =	ssyncadd.remote.s32 $0x1  }
0xbe: {  	_ =	sfence.sel $0xFFFF  }
0xbf: {  	[dreg:$0x0] =	wrdreg $0xFFFFFFFF;
	(pc) =	sbr.abs _section_cstart, $3  }
0xc0: {  	[dreg:$0x1] =	wrdreg $0xFFFFFFFF  }
0xc1: {  	_ =	task.clear_ibuf [dreg:s6], $0x2FFFF;
	_ =	strace $0x9FFFFFFF  }
0xc2: {  	(tm) =	ssettm $0x7FFFFFFF  }
0xc3: {  	_ =	shalt  }
tec
execute0_lowered:
.L_overlay_start_1:
0x0: {  	(tag) =	ssettag $0x1  }
0x1: {  	s8 =	rddreg [dreg:$0x0]  }
0x2: {  	s1 =	rddreg [dreg:$0x1];
	s2 =	srdreg.scid  }
0x3: {  	s3 =	simm.s32 $0x0;
	s0 =	stileid.u32;
	s20 =	simm.s32 $0x400  }
0x4: {  	s21 =	simm.s32 $0x1;
	s22 =	simm.s32 $0x78;
	s23 =	simm.s32 $0x600  }
0x5: {  	s24 =	simm.s32 $0x8;
	s25 =	simm.s32 $0x9;
	s9 =	sand.u32 $0x1, s2  }
0x6: {  	[smem:$0x7FF] =	sst s3;
	s7 =	smul.u32 $0x14000, s0;
	s4 =	sadd.s32 $0x25000, s8  }
0x7: {  	s13 =	sadd.s32 $0x4D000, s8;
	s5 =	sadd.s32 $0x1A800, s8;
	s11 =	smul.u32 $0x50000, s0  }
0x8: {  	s26 =	sshll.u32 s0, $0x1;
	s15 =	smul.u32 $0x2800, s0;
	s31 =	sshll.u32 s0, $0x6  }
0x9: {  	s6 =	smul.u32 $0x140000, s9;
	_ =	strace $0x8000004A;
	s10 =	ssub.s32 $0x2, s9  }
0xa: {  	p0 =	seq.s32 s9, $0x1;
	s17 =	smov.u32 s4;
	s14 =	sshrl.u32 s10, $0x1  }
0xb: {  	s28 =	sshrl.u32 s11, $0x2;
	s17 =	smov.u32 @p0 s13;
	s6 =	sadd.s32 s7, s6  }
0xc: {  	s7 =	sor.u32 s9, s26;
	s14 =	ssub.s32 s10, s14;
	s16 =	sadd.s32 s28, s1  }
0xd: {  	s26 =	simm.s32 $0x0;
	s12 =	sshrl.u32 s6, $0x3;
	s6 =	smul.u32 $0x2A00, s7  }
.Ltmp0:
0xe: {  	s7 =	sadd.s32 $0x10000, s8;
	s13 =	smax.u32 s14, $0x1;
	(pc) =	sbr.rel .LBB2_1-.Ltmp0, $4  }
0xf: {  	s14 =	sadd.s32 s17, s15;
	s15 =	sor.u32 $0x1C0A, s31;
	s16 =	sshrl.u32 s16, $0x3  }
0x10: {  	s17 =	simm.s32 $0xA;
	s12 =	sadd.s32 s12, s8;
	s29 =	sshrl.u32 s6, $0x3  }
0x11: {  	s12 =	sadd.s32 $0x75000, s12;
	s30 =	sor.u32 $0x20, s29;
	s8 =	sadd.s32 s5, s29  }
0x12: {  	s9 =	sadd.s32 s7, s29;
	s10 =	sadd.s32 s5, s30;
	s11 =	sadd.s32 s7, s30  }
.LBB2_11:
0x13: {  	_ =	swait.ge [sflag:s24], $0x3C00  }
0x14: {  	[sflag:s24] =	ssyncset.done $0x0  }
0x15: {  	[sflag:s24] =	ssyncadd.s32 $0xFFFFC400  }
0x16: {  	_ =	swait.ge [sflag:s25], $0x3C00  }
0x17: {  	s26 =	sadd.s32 $0x1, s26;
	[sflag:s25] =	ssyncset.done $0x0  }
0x18: {  	p0 =	sne.s32 s26, s13;
	[sflag:s25] =	ssyncadd.s32 $0xFFFFC400  }
.Ltmp1:
0x19: {  	[bflag:$0x0] =	sbarrier.arrive $0xFFFF;
	(pc) =	sbr.rel @!p0 .LBB2_12-.Ltmp1, $4  }
0x1a: {  	[hbm:s12], [sflag:s15] =	dma.local [spmem:s16], $0x2800  }
0x1b: {  	_ =	swait.ge [sflag:s17], $0x2800  }
0x1c: {  	[sflag:s17] =	ssyncset.done $0x0  }
0x1d: {  	[sflag:s17] =	ssyncadd.s32 $0xFFFFD800  }
.LBB2_1:
0x1e: {  	[spmem:s16], [sflag:s15] =	dma.local [hbm:s14], $0x2800  }
0x1f: {  	_ =	swait.ge [sflag:s17], $0x2800  }
0x20: {  	[sflag:s17] =	ssyncset.done $0x0  }
0x21: {  	[sflag:s17] =	ssyncadd.s32 $0xFFFFD800  }
0x22: {  	[bflag:$0x0] =	sbarrier.arrive $0xFFFF  }
0x23: {  	[tilespmem:s3], [sflag:$0x1] =	stream.linear.gather [hbm4b:s8+s3], $0x100, $0x38;
	[tilespmem:$0x1FA00] =	vst v63  }
0x24: {  	s0 =	simm.s32 $0x300  }
0x25: {  	[tilespmem:s0], [sflag:$0x1] =	stream.linear.gather [hbm4b:s9+s3], $0x100, $0x38;
	[tilespmem:$0x1FA00] =	vst v63  }
0x26: {  	s31 =	simm.s32 $0x100  }
0x27: {  	[tilespmem:s31], [sflag:$0x2] =	stream.linear.gather [hbm4b:s10+s3], $0x100, $0x38;
	[tilespmem:$0x1FA00] =	vst v63  }
0x28: {  	_ = 	snop  }
0x29: {  	[tilespmem:s20], [sflag:$0x2] =	stream.linear.gather [hbm4b:s11+s3], $0x100, $0x38;
	[tilespmem:$0x1FA00] =	vst v63  }
0x2a: {  	_ =	swait.ge [sflag:s21], $0x100  }
0x2b: {  	[sflag:s21] =	ssyncset.done $0x0  }
0x2c: {  	[sflag:s21] =	ssyncadd.s32 $0xFFFFFF00  }
0x2d: {  	_ =	swait.ge [sflag:s21], $0x100  }
0x2e: {  	[sflag:s21] =	ssyncset.done $0x0  }
0x2f: {  	s28 =	simm.s32 $0x0;
	[sflag:s21] =	ssyncadd.s32 $0xFFFFFF00  }
0x30: {  	[tilespmem:s23], [sflag:$0x4] =	stream.indirect.gather [hbm4b:s4+s22], $0x80, s3, s22, $0xb8;
	[tilespmem:$0x1FA00] =	vst v63  }
.LBB2_2:
0x31: {  	p0 =	slt.u32 s28, $0x2  }
0x32: {  	s29 =	sadd.s32 @!p0 $0x1, s28  }
0x33: {  	s30 =	sand.u32 @!p0 $0xFF, s29  }
0x34: {  	s30 =	smul.u32 @!p0 $0xAB, s30;
	_ =	sdelay $0x1  }
0x35: {  	s30 =	sshrl.u32 @!p0 s30, $0x9  }
0x36: {  	s30 =	smul.u32 @!p0 $0x3, s30;
	_ =	sdelay $0x1  }
0x37: {  	s29 =	ssub.s32 @!p0 s29, s30  }
0x38: {  	s29 =	sand.u32 @!p0 $0xFF, s29  }
0x39: {  	s31 =	sadd.s32 @!p0 $0x7, s29;
	s29 =	sand.u32 $0x1, s28  }
0x3a: {  	p1 =	seq.s32 s29, $0x0  }
.Ltmp2:
0x3b: {  	_ = 	snop;
	(pc) =	sbr.rel @p1 .LBB2_9-.Ltmp2, $4  }
0x3c: {  	_ = 	snop  }
0x3d: {  	_ =	swait.ge @!p0 [sflag:s31], $0x3C00  }
0x3e: {  	[sflag:s31] =	ssyncset.done @!p0 $0x0  }
0x3f: {  	s30 =	sshrl.u32 s28, $0x1;
	[sflag:s31] =	ssyncadd.s32 @!p0 $0xFFFFC400  }
0x40: {  	p0 =	sgt.u32 s28, $0x50  }
.Ltmp3:
0x41: {  	_ = 	snop;
	(pc) =	sbr.rel @p0 .LBB2_5-.Ltmp3, $1  }
0x42: {  	_ =	sdelay $0x3  }
0x43: {  	s31 =	sadd.s32 $0x3, s28  }
0x44: {  	s0 =	sshrl.u32 s31, $0x1  }
0x45: {  	s2 =	smul.u32 $0xAB, s0;
	_ =	sdelay $0x1  }
0x46: {  	s2 =	sshrl.u32 s2, $0x9  }
0x47: {  	s2 =	sand.u32 $0x7F, s2  }
0x48: {  	s2 =	smul.u32 $0x3, s2  }
0x49: {  	s31 =	sshll.u32 s31, $0x7  }
0x4a: {  	s18 =	sadd.s32 s6, s31;
	s0 =	ssub.s32 s0, s2  }
.Ltmp4:
0x4b: {  	s2 =	sshrl.u32 s18, $0x3;
	s0 =	sand.u32 $0xFF, s0;
	(pc) =	sbr.rel .LBB2_8-.Ltmp4, $4  }
0x4c: {  	s18 =	sadd.s32 s5, s2;
	s19 =	sadd.s32 $0x1, s0;
	s0 =	sshll.u32 s0, $0x8  }
0x4d: {  	[tilespmem:s0], [sflag:s19] =	stream.linear.gather [hbm4b:s18+s3], $0x100, $0x38;
	[tilespmem:$0x1FA00] =	vst v63  }
0x4e: {  	s2 =	sadd.s32 s7, s2;
	s0 =	sadd.s32 $0x300, s0  }
0x4f: {  	[tilespmem:s0], [sflag:s19] =	stream.linear.gather [hbm4b:s2+s3], $0x100, $0x38;
	[tilespmem:$0x1FA00] =	vst v63  }
.LBB2_5:
0x50: {  	p0 =	seq.s32 s28, $0x53  }
.Ltmp5:
0x51: {  	_ = 	snop;
	(pc) =	sbr.rel @p0 .LBB2_6-.Ltmp5, $1  }
0x52: {  	_ =	sdelay $0x3  }
0x53: {  	p0 =	sne.s32 s28, $0x51  }
.Ltmp6:
0x54: {  	_ = 	snop;
	(pc) =	sbr.rel @p0 .LBB2_9-.Ltmp6, $1  }
0x55: {  	_ =	sdelay $0x3  }
.LBB2_8:
0x56: {  	s0 =	sadd.s32 $0x1, s30  }
0x57: {  	s2 =	sand.u32 $0xFF, s0  }
0x58: {  	s2 =	smul.u32 $0xAB, s2;
	_ =	sdelay $0x1  }
0x59: {  	s2 =	sshrl.u32 s2, $0x9  }
0x5a: {  	s2 =	smul.u32 $0x3, s2;
	_ =	sdelay $0x1  }
0x5b: {  	s0 =	ssub.s32 s0, s2  }
0x5c: {  	s0 =	sand.u32 $0xFF, s0  }
0x5d: {  	s0 =	sadd.s32 $0x1, s0  }
0x5e: {  	_ =	swait.ge [sflag:s0], $0x100  }
0x5f: {  	[sflag:s0] =	ssyncset.done $0x0  }
0x60: {  	[sflag:s0] =	ssyncadd.s32 $0xFFFFFF00  }
0x61: {  	_ =	swait.ge [sflag:s0], $0x100  }
0x62: {  	[sflag:s0] =	ssyncset.done $0x0  }
0x63: {  	[sflag:s0] =	ssyncadd.s32 $0xFFFFFF00  }
.LBB2_9:
0x64: {  	s31 =	sadd.s32 $0x1, s28  }
0x65: {  	s0 =	smul.u32 $0xAB, s31  }
0x66: {  	s2 =	sshrl.u32 s31, $0x1  }
0x67: {  	s18 =	smul.u32 $0xAB, s2;
	s0 =	sshrl.u32 s0, $0x9  }
0x68: {  	s0 =	sand.u32 $0x7F, s0  }
0x69: {  	s18 =	sshrl.u32 s18, $0x9;
	s0 =	smul.u32 $0x3, s0  }
0x6a: {  	s18 =	sand.u32 $0x7F, s18  }
0x6b: {  	s18 =	smul.u32 $0x3, s18;
	s0 =	ssub.s32 s31, s0  }
0x6c: {  	s0 =	sand.u32 $0xFF, s0  }
0x6d: {  	s2 =	ssub.s32 s2, s18;
	s18 =	smul.u32 $0xF000, s0  }
0x6e: {  	s19 =	sshll.u32 s31, $0x7;
	s2 =	sand.u32 $0xFF, s2  }
0x6f: {  	s19 =	sand.u32 $0x80, s19;
	s2 =	sshll.u32 s2, $0x8;
	s18 =	sshrl.u32 s18, $0x2  }
0x70: {  	s0 =	sor.u32 $0x4, s0;
	s2 =	sor.u32 s19, s2;
	s18 =	sadd.s32 $0x600, s18  }
0x71: {  	[tilespmem:s18], [sflag:s0] =	stream.indirect.gather [hbm4b:s4+s22], $0x80, s2, s22, $0xb8;
	[tilespmem:$0x1FA00] =	vst v63  }
.LBB2_10:
0x72: {  	s0 =	smul.u32 $0xAB, s28  }
0x73: {  	s2 =	smul.u32 $0xAB, s30  }
0x74: {  	s0 =	sshrl.u32 s0, $0x9  }
0x75: {  	s2 =	sshrl.u32 s2, $0x9;
	s0 =	sand.u32 $0x7F, s0  }
0x76: {  	s2 =	sand.u32 $0x7F, s2;
	s0 =	smul.u32 $0x3, s0  }
0x77: {  	s2 =	smul.u32 $0x3, s2  }
0x78: {  	p0 =	slt.u32 s31, $0x54;
	s0 =	ssub.s32 s28, s0  }
0x79: {  	s2 =	ssub.s32 s30, s2;
	s28 =	sshll.u32 s29, $0x7;
	s0 =	sand.u32 $0xFF, s0  }
0x7a: {  	s2 =	sand.u32 $0xFF, s2;
	s18 =	smul.u32 $0xF000, s0;
	s19 =	sadd.s32 $0x4, s0  }
.Ltmp7:
0x7b: {  	s2 =	sshll.u32 s2, $0x8;
	s0 =	sadd.s32 $0x7, s0;
	(pc) =	sbr.rel @p0 .LBB2_2-.Ltmp7, $4  }
.Ltmp8:
0x7c: {  	_ =	swait.ge [sflag:s19], $0x3C00;
	s2 =	sor.u32 s28, s2;
	(pc) =	sbr.rel @!p0 .LBB2_11-.Ltmp8, $4  }
0x7d: {  	s28 =	smov.u32 s31;
	s18 =	sshrl.u32 s18, $0x2;
	[sflag:s19] =	ssyncset.done $0x0  }
0x7e: {  	s2 =	sadd.s32 $0x300, s2;
	s18 =	sadd.s32 $0x600, s18;
	[sflag:s19] =	ssyncadd.s32 $0xFFFFC400  }
0x7f: {  	[spmem:s1] =	stream.indirect.scatter.add.f32 [tilespmem:s18], [sflag:s0], $0x80, s2, s22, $0xb8;
	[tilespmem:$0x1FA00] =	vst v63  }
0x80: {  	_ = 	snop  }
.LBB2_6:
.Ltmp9:
0x81: {  	(pc) =	sbr.rel .LBB2_10-.Ltmp9, $2  }
0x82: {  	_ =	sdelay $0x2  }
0x83: {  	s31 =	simm.s32 $0x54  }
.LBB2_12:
0x84: {  	_ =	sfence.sel $0x180000  }
0x85: {  	[bflag:$0x0] =	sbarrier.arrive $0xFFFF  }
0x86: {  	_ =	strace $0x9000004A  }
0x87: {  	s0 =	stileid.u32;
	[bflag:$0x2] =	sbarrier.arrive $0xFFFF  }
0x88: {  	p0 =	sne.s32 s0, $0x0;
	s0 =	rddreg [dreg:$0x2]  }
0x89: {  	s0 =	sadd.s32 @!p0 $0x100000, s0  }
0x8a: {  	[sflag:s0] =	ssyncadd.tile.s32 @!p0 $0x1;
	_ =	shalt  }
.Lfunc_end2:
_tile_overlayer_lowered:
.L_overlay_start_2:
0x8b: {  	(tag) =	ssettag $0x2  }
0x8c: {  	s0 =	rddreg [dreg:$0x0];
	s2 =	stileid.u32  }
0x8d: {  	s1 =	rddreg [dreg:$0x1];
	p0 =	sne.s32 s2, $0x0  }
0x8e: {  	s3 =	rddreg [dreg:$0x2];
	[bflag:$0x3] =	sbarrier.arrive $0xFFFF;
	s2 =	simm.s32 @!p0 $0x1C0A  }
0x8f: {  	[timem:s3], [sflag:s2] =	dma.local @!p0 [hbm:s0], s1  }
0x90: {  	s0 =	simm.s32 @!p0 $0xA  }
0x91: {  	_ =	swait.ge @!p0 [sflag:s0], s1  }
0x92: {  	s1 =	ssub.s32 @!p0 $0x0, s1;
	[sflag:s0] =	ssyncset.done @!p0 $0x0  }
0x93: {  	[sflag:s0] =	ssyncadd.s32 @!p0 s1  }
0x94: {  	[bflag:$0x3] =	sbarrier.arrive $0xFFFF  }
0x95: {  	_ =	shalt  }

// kernel: kernel.16.cloned.1.call-start
scs
__scs_entry_jumppad:
0x0: {  	(pc) =	sbr.rel $0x88, $3  }
0x1: {  	(tag) =	ssettag $0x0;
	lr =	simm.s32 $0x1  }
0x2: {  	[smem:$0x3F8F] =	sst lr;
	_ =	strace $0xD0000000  }
0x3: {  	_ = 	snop  }
0x4: {  	_ = 	snop  }
0x5: {  	_ = 	snop  }
0x6: {  	_ = 	snop  }
0x7: {  	_ = 	snop  }
__scs_overlays_trampoline_lowered:
0x8: {  	[smem:$0x3F9E] =	sst s0  }
0x9: {  	[smem:$0x3F9F] =	sst s1  }
0xa: {  	[smem:$0x3FA0] =	sst s2  }
0xb: {  	[smem:$0x3FA1] =	sst s3  }
0xc: {  	[smem:$0x3FA2] =	sst s4  }
0xd: {  	[smem:$0x3FA3] =	sst s5  }
0xe: {  	[smem:$0x3FA4] =	sst s6  }
0xf: {  	[smem:$0x3FA5] =	sst s7  }
0x10: {  	[smem:$0x3FA6] =	sst s8  }
0x11: {  	[smem:$0x3FA7] =	sst s9;
	s0 =	simm.s32 @!p0 $0x0  }
0x12: {  	s1 =	sld [smem:$0x3F8D];
	s0 =	simm.s32 @p0 $0x1  }
0x13: {  	[smem:$0x3FA8] =	sst s0;
	s0 =	simm.s32 @!p1 $0x0  }
0x14: {  	s2 =	sld [smem:$0x3F8C];
	s0 =	simm.s32 @p1 $0x1  }
0x15: {  	[smem:$0x3FA9] =	sst s0;
	s0 =	simm.s32 @!p2 $0x0  }
0x16: {  	s3 =	sld [smem:$0x3FDB];
	s0 =	simm.s32 @p2 $0x1  }
0x17: {  	s4 =	simm.s32 $0x1BF5;
	[smem:$0x3FAB] =	sst s0  }
0x18: {  	s0 =	sld [smem:$0x3F8E];
	_ =	swait.ge [sflag:s4], $0x0  }
0x19: {  	s7 =	sld [smem:$0x3F8F]  }
0x1a: {  	s8 =	sadd.s32 $0xFFFFE003, lr  }
0x1b: {  	s9 =	sadd.s32 $0xFFFFFEF7, lr;
	s5 =	simm.s32 $0xFFFFFFFF;
	p2 =	slt.u32 s8, $0xFFFFF086  }
0x1c: {  	p1 =	slt.u32 s9, $0xF7A;
	s5 =	simm.s32 @!p2 $0x0  }
0x1d: {  	s5 =	simm.s32 @p1 $0x1;
	p0 =	seq.s32 s7, s2  }
0x1e: {  	s7 =	smul.u32 @!p0 $0xF7A, s2;
	p2 =	seq.s32 @!p0 s5, $0x0  }
0x1f: {  	s9 =	smul.u32 $0xF7A, s1;
	s8 =	simm.s32 @!p0 $0x1BF5;
	p2 =	por !p2, p0  }
0x20: {  	[sflag:s8] =	ssyncset.s32 @!p0 $0xFFFFF086;
	s6 =	sadd.s32 @!p0 s3, s7;
	s7 =	simm.s32 @!p0 $0x108  }
0x21: {  	s3 =	sadd.s32 s3, s9;
	s6 =	sadd.s32 @!p0 $0x88, s6;
	s7 =	simm.s32 @p2 $0x1082  }
0x22: {  	[simem:s7], [sflag:s8] =	dma.local @!p0 [hbm:s6], $0xF7A  }
0x23: {  	s9 =	sor.u32 $0xD0000000, s2;
	s6 =	simm.s32 $0x108;
	_ =	swait.ge @!p0 [sflag:s8], $0x0  }
0x24: {  	s3 =	sadd.s32 $0x88, s3;
	s6 =	simm.s32 @!p1 $0x1082;
	[sflag:s4] =	ssyncset.s32 $0xFFFFF086  }
0x25: {  	[simem:s6], [sflag:s4] =	dma.local [hbm:s3], $0xF7A  }
0x26: {  	[smem:$0x3F8F] =	sst s1;
	(tag) =	ssettag s2;
	_ =	strace s9  }
0x27: {  	s1 =	sld [smem:$0x3F9F]  }
0x28: {  	s2 =	sld [smem:$0x3FA0]  }
0x29: {  	s4 =	sld [smem:$0x3FA2]  }
0x2a: {  	p0 =	seq.s32 s5, $0x0;
	s5 =	sld [smem:$0x3FA3]  }
0x2b: {  	s6 =	sld [smem:$0x3FA4]  }
0x2c: {  	s7 =	sld [smem:$0x3FA5]  }
0x2d: {  	s3 =	simm.s32 $0x108;
	s8 =	sld [smem:$0x3FA6]  }
0x2e: {  	s3 =	simm.s32 @!p0 $0x1082;
	s9 =	sld [smem:$0x3FA7]  }
0x2f: {  	lr =	sadd.s32 s0, s3;
	s0 =	sld [smem:$0x3F9E]  }
0x30: {  	s3 =	sld [smem:$0x3FA1]  }
0x31: {  	[smem:$0x3FAA] =	sst s10  }
0x32: {  	s10 =	sld [smem:$0x3FA8];
	_ =	sdelay $0x3  }
0x33: {  	p0 =	seq.s32 s10, $0x1;
	s10 =	sld [smem:$0x3FAA];
	_ =	sdelay $0x3  }
0x34: {  	[smem:$0x3FAA] =	sst s10  }
0x35: {  	s10 =	sld [smem:$0x3FA9];
	_ =	sdelay $0x3  }
0x36: {  	p1 =	seq.s32 s10, $0x1;
	s10 =	sld [smem:$0x3FAA];
	_ =	sdelay $0x3  }
0x37: {  	[smem:$0x3FAA] =	sst s10  }
0x38: {  	s10 =	sld [smem:$0x3FAB]  }
0x39: {  	_ = 	snop;
	(pc) =	sbr.ind lr, $3  }
0x3a: {  	_ = 	snop  }
0x3b: {  	_ = 	snop  }
0x3c: {  	p2 =	seq.s32 s10, $0x1;
	s10 =	sld [smem:$0x3FAA]  }
0x3d: {  	_ =	shalt  }
0x3e: {  	_ =	shalt  }
0x3f: {  	_ =	shalt  }
0x40: {  	_ =	shalt  }
0x41: {  	_ =	shalt  }
0x42: {  	_ =	shalt  }
0x43: {  	_ =	shalt  }
0x44: {  	_ =	shalt  }
0x45: {  	_ =	shalt  }
0x46: {  	_ =	shalt  }
0x47: {  	_ =	shalt  }
0x48: {  	_ =	shalt  }
0x49: {  	_ =	shalt  }
0x4a: {  	_ =	shalt  }
0x4b: {  	_ =	shalt  }
0x4c: {  	_ =	shalt  }
0x4d: {  	_ =	shalt  }
0x4e: {  	_ =	shalt  }
0x4f: {  	_ =	shalt  }
0x50: {  	_ =	shalt  }
0x51: {  	_ =	shalt  }
0x52: {  	_ =	shalt  }
0x53: {  	_ =	shalt  }
0x54: {  	_ =	shalt  }
0x55: {  	_ =	shalt  }
0x56: {  	_ =	shalt  }
0x57: {  	_ =	shalt  }
0x58: {  	_ =	shalt  }
0x59: {  	_ =	shalt  }
0x5a: {  	_ =	shalt  }
0x5b: {  	_ =	shalt  }
0x5c: {  	_ =	shalt  }
0x5d: {  	_ =	shalt  }
0x5e: {  	_ =	shalt  }
0x5f: {  	_ =	shalt  }
0x60: {  	_ =	shalt  }
0x61: {  	_ =	shalt  }
0x62: {  	_ =	shalt  }
0x63: {  	_ =	shalt  }
0x64: {  	_ =	shalt  }
0x65: {  	_ =	shalt  }
0x66: {  	_ =	shalt  }
0x67: {  	_ =	shalt  }
0x68: {  	_ =	shalt  }
0x69: {  	_ =	shalt  }
0x6a: {  	_ =	shalt  }
0x6b: {  	_ =	shalt  }
0x6c: {  	_ =	shalt  }
0x6d: {  	_ =	shalt  }
0x6e: {  	_ =	shalt  }
0x6f: {  	_ =	shalt  }
0x70: {  	_ =	shalt  }
0x71: {  	_ =	shalt  }
0x72: {  	_ =	shalt  }
0x73: {  	_ =	shalt  }
0x74: {  	_ =	shalt  }
0x75: {  	_ =	shalt  }
0x76: {  	_ =	shalt  }
0x77: {  	_ =	shalt  }
0x78: {  	_ =	shalt  }
0x79: {  	_ =	shalt  }
0x7a: {  	_ =	shalt  }
0x7b: {  	_ =	shalt  }
0x7c: {  	_ =	shalt  }
0x7d: {  	_ =	shalt  }
0x7e: {  	_ =	shalt  }
0x7f: {  	_ =	shalt  }
0x80: {  	_ =	shalt  }
0x81: {  	_ =	shalt  }
0x82: {  	_ =	shalt  }
0x83: {  	_ =	shalt  }
0x84: {  	_ =	shalt  }
0x85: {  	_ =	shalt  }
0x86: {  	_ =	shalt  }
0x87: {  	_ =	shalt  }
.Lfunc_end0:
.L_simem_size_0:
called_computation.2_lowered:
.L_overlay_start_0:
0x88: {  	s2 =	sld [smem:$0x3FD9]  }
0x89: {  	s3 =	sld [smem:$0x3FFE];
	_ =	sdelay $0x1  }
0x8a: {  	s1 =	srdreg.scid  }
0x8b: {  	s0 =	sand.u32 $0x1, s1  }
0x8c: {  	s16 =	sshll.u32 s0, $0xA;
	s2 =	sadd.s32 s3, s2  }
0x8d: {  	s2 =	sadd.s32 s2, s16  }
0x8e: {  	[smem:$0x3FB6] =	sst s2  }
0x8f: {  	_ = 	snop  }
0x90: {  	(tm) =	ssettm $0x1  }
0x91: {  	s17 =	sld [smem:$0x3FFB];
	_ =	sdelay $0x3  }
0x92: {  	_ =	strace s17  }
0x93: {  	s2 =	sld [smem:$0x3FFC];
	_ =	sdelay $0x3  }
0x94: {  	_ =	strace s2  }
0x95: {  	s2 =	sld [smem:$0x3FFD];
	_ =	sdelay $0x3  }
0x96: {  	_ =	strace s2  }
0x97: {  	_ =	strace $0x8FFFFFFF  }
0x98: {  	s18 =	sld [smem:$0x3FDB];
	_ =	sdelay $0x1  }
0x99: {  	s19 =	simm.s32 $_scs_section_size  }
0x9a: {  	s4 =	simm.s32 $_size__tile_overlayer_lowered;
	s5 =	simm.s32 $_tile_overlayer_lowered  }
0x9b: {  	s22 =	simm.s32 $0x1BFF;
	s21 =	sshll.u32 s5, $0x1;
	s2 =	sadd.s32 s19, s18  }
0x9c: {  	s6 =	simm.s32 $0x0;
	s20 =	sshll.u32 s4, $0x1;
	s4 =	sadd.s32 s21, s2  }
0x9d: {  	[timem:s6], [sflag:s22] =	dma.local [hbm:s4], s20  }
0x9e: {  	_ =	swait.ge [sflag:s22], s20  }
0x9f: {  	s3 =	ssub.s32 $0x0, s20;
	[sflag:s22] =	ssyncset.done $0x0  }
0xa0: {  	[sflag:s22] =	ssyncadd.s32 s3;
	_ =	sdelay $0x1  }
0xa1: {  	s23 =	simm.s32 $0x1B8B  }
0xa2: {  	_ =	swait.ge [sflag:s23], $0x1  }
0xa3: {  	[sflag:s23] =	ssyncset.done $0x0  }
0xa4: {  	s25 =	simm.s32 $0x1B8E;
	s24 =	sld [smem:$0x3FFE];
	[sflag:s23] =	ssyncadd.s32 $0xFFFFFFFF  }
0xa5: {  	s26 =	simm.s32 $execute0_lowered;
	[smem:$0x3FD2] =	sst s25  }
0xa6: {  	s4 =	sshll.u32 s26, $0x1;
	_ =	strace $0x8000004C;
	[dreg:$0x1] =	wrdreg $0xFFFFFFFF  }
0xa7: {  	s28 =	simm.s32 $_size_execute0_lowered;
	s2 =	sadd.s32 s2, s4;
	[dreg:$0x0] =	wrdreg $0x0  }
0xa8: {  	s4 =	sshll.u32 s28, $0x1;
	[dreg:$0x2] =	wrdreg s2  }
0xa9: {  	[dreg:$0x3] =	wrdreg s4  }
0xaa: {  	[dreg:$0x4] =	wrdreg $0xC0  }
0xab: {  	_ =	task [dreg:s6], $0x5FFFF  }
0xac: {  	[dreg:$0x1] =	wrdreg $0xFFFFFFFF  }
0xad: {  	[dreg:$0x0] =	wrdreg $0x60  }
0xae: {  	[dreg:$0x2] =	wrdreg s24  }
0xaf: {  	[dreg:$0x3] =	wrdreg $0xBA000  }
0xb0: {  	[dreg:$0x4] =	wrdreg $0x9  }
0xb1: {  	_ =	task.clear_ibuf [dreg:s6], $0x5FFFF;
	_ =	strace $0x9000004C  }
0xb2: {  	s29 =	simm.s32 $0x9;
	_ =	strace $0x8000004E  }
0xb3: {  	_ =	swait.ge [sflag:s29], $0x1  }
0xb4: {  	[sflag:s29] =	ssyncadd.s32 $0xFFFFFFFF  }
0xb5: {  	_ =	strace $0x9000004E  }
0xb6: {  	_ =	sfence  }
0xb7: {  	s30 =	sld [smem:$0x0];
	_ =	sdelay $0x2  }
0xb8: {  	s31 =	sshll.u32 s1, $0xD;
	s1 =	sshrl.u32 s1, $0x2  }
0xb9: {  	s3 =	sand.u32 $0x4000, s31;
	s1 =	sadd.s32 s1, s30  }
0xba: {  	s0 =	sor.u32 s3, s0;
	s1 =	sshll.u32 s1, $0x11  }
0xbb: {  	s0 =	sor.u32 s1, s0  }
0xbc: {  	s0 =	sadd.s32 $0x8F2B, s0  }
0xbd: {  	[sflag:s0] =	ssyncadd.remote.s32 $0x1  }
0xbe: {  	_ =	sfence.sel $0xFFFF  }
0xbf: {  	[dreg:$0x0] =	wrdreg $0xFFFFFFFF;
	(pc) =	sbr.abs _section_cstart, $3  }
0xc0: {  	[dreg:$0x1] =	wrdreg $0xFFFFFFFF  }
0xc1: {  	_ =	task.clear_ibuf [dreg:s6], $0x2FFFF;
	_ =	strace $0x9FFFFFFF  }
0xc2: {  	(tm) =	ssettm $0x7FFFFFFF  }
0xc3: {  	_ =	shalt  }
tec
execute0_lowered:
.L_overlay_start_1:
0x0: {  	(tag) =	ssettag $0x1  }
0x1: {  	s8 =	rddreg [dreg:$0x0]  }
0x2: {  	s1 =	rddreg [dreg:$0x1];
	s2 =	srdreg.scid  }
0x3: {  	s3 =	simm.s32 $0x0;
	s0 =	stileid.u32;
	s20 =	simm.s32 $0x400  }
0x4: {  	s21 =	simm.s32 $0x1;
	s22 =	simm.s32 $0x78;
	s23 =	simm.s32 $0x600  }
0x5: {  	s24 =	simm.s32 $0x8;
	s25 =	simm.s32 $0x9;
	s9 =	sand.u32 $0x1, s2  }
0x6: {  	[smem:$0x7FF] =	sst s3;
	s7 =	smul.u32 $0x14000, s0;
	s4 =	sadd.s32 $0x25000, s8  }
0x7: {  	s13 =	sadd.s32 $0x4D000, s8;
	s5 =	sadd.s32 $0x1A800, s8;
	s11 =	smul.u32 $0x50000, s0  }
0x8: {  	s26 =	sshll.u32 s0, $0x1;
	s15 =	smul.u32 $0x2800, s0;
	s31 =	sshll.u32 s0, $0x6  }
0x9: {  	s6 =	smul.u32 $0x140000, s9;
	_ =	strace $0x8000004D;
	s10 =	ssub.s32 $0x2, s9  }
0xa: {  	p0 =	seq.s32 s9, $0x1;
	s17 =	smov.u32 s4;
	s14 =	sshrl.u32 s10, $0x1  }
0xb: {  	s28 =	sshrl.u32 s11, $0x2;
	s17 =	smov.u32 @p0 s13;
	s6 =	sadd.s32 s7, s6  }
0xc: {  	s7 =	sor.u32 s9, s26;
	s14 =	ssub.s32 s10, s14;
	s16 =	sadd.s32 s28, s1  }
0xd: {  	s26 =	simm.s32 $0x0;
	s12 =	sshrl.u32 s6, $0x3;
	s6 =	smul.u32 $0x2A00, s7  }
.Ltmp0:
0xe: {  	s7 =	sadd.s32 $0x10000, s8;
	s13 =	smax.u32 s14, $0x1;
	(pc) =	sbr.rel .LBB2_1-.Ltmp0, $4  }
0xf: {  	s14 =	sadd.s32 s17, s15;
	s15 =	sor.u32 $0x1C0A, s31;
	s16 =	sshrl.u32 s16, $0x3  }
0x10: {  	s17 =	simm.s32 $0xA;
	s12 =	sadd.s32 s12, s8;
	s29 =	sshrl.u32 s6, $0x3  }
0x11: {  	s12 =	sadd.s32 $0x75000, s12;
	s30 =	sor.u32 $0x20, s29;
	s8 =	sadd.s32 s5, s29  }
0x12: {  	s9 =	sadd.s32 s7, s29;
	s10 =	sadd.s32 s5, s30;
	s11 =	sadd.s32 s7, s30  }
.LBB2_11:
0x13: {  	_ =	swait.ge [sflag:s24], $0x3C00  }
0x14: {  	[sflag:s24] =	ssyncset.done $0x0  }
0x15: {  	[sflag:s24] =	ssyncadd.s32 $0xFFFFC400  }
0x16: {  	_ =	swait.ge [sflag:s25], $0x3C00  }
0x17: {  	s26 =	sadd.s32 $0x1, s26;
	[sflag:s25] =	ssyncset.done $0x0  }
0x18: {  	p0 =	sne.s32 s26, s13;
	[sflag:s25] =	ssyncadd.s32 $0xFFFFC400  }
.Ltmp1:
0x19: {  	[bflag:$0x0] =	sbarrier.arrive $0xFFFF;
	(pc) =	sbr.rel @!p0 .LBB2_12-.Ltmp1, $4  }
0x1a: {  	[hbm:s12], [sflag:s15] =	dma.local [spmem:s16], $0x2800  }
0x1b: {  	_ =	swait.ge [sflag:s17], $0x2800  }
0x1c: {  	[sflag:s17] =	ssyncset.done $0x0  }
0x1d: {  	[sflag:s17] =	ssyncadd.s32 $0xFFFFD800  }
.LBB2_1:
0x1e: {  	[spmem:s16], [sflag:s15] =	dma.local [hbm:s14], $0x2800  }
0x1f: {  	_ =	swait.ge [sflag:s17], $0x2800  }
0x20: {  	[sflag:s17] =	ssyncset.done $0x0  }
0x21: {  	[sflag:s17] =	ssyncadd.s32 $0xFFFFD800  }
0x22: {  	[bflag:$0x0] =	sbarrier.arrive $0xFFFF  }
0x23: {  	[tilespmem:s3], [sflag:$0x1] =	stream.linear.gather [hbm4b:s8+s3], $0x100, $0x38;
	[tilespmem:$0x1FA00] =	vst v63  }
0x24: {  	s0 =	simm.s32 $0x300  }
0x25: {  	[tilespmem:s0], [sflag:$0x1] =	stream.linear.gather [hbm4b:s9+s3], $0x100, $0x38;
	[tilespmem:$0x1FA00] =	vst v63  }
0x26: {  	s31 =	simm.s32 $0x100  }
0x27: {  	[tilespmem:s31], [sflag:$0x2] =	stream.linear.gather [hbm4b:s10+s3], $0x100, $0x38;
	[tilespmem:$0x1FA00] =	vst v63  }
0x28: {  	_ = 	snop  }
0x29: {  	[tilespmem:s20], [sflag:$0x2] =	stream.linear.gather [hbm4b:s11+s3], $0x100, $0x38;
	[tilespmem:$0x1FA00] =	vst v63  }
0x2a: {  	_ =	swait.ge [sflag:s21], $0x100  }
0x2b: {  	[sflag:s21] =	ssyncset.done $0x0  }
0x2c: {  	[sflag:s21] =	ssyncadd.s32 $0xFFFFFF00  }
0x2d: {  	_ =	swait.ge [sflag:s21], $0x100  }
0x2e: {  	[sflag:s21] =	ssyncset.done $0x0  }
0x2f: {  	s28 =	simm.s32 $0x0;
	[sflag:s21] =	ssyncadd.s32 $0xFFFFFF00  }
0x30: {  	[tilespmem:s23], [sflag:$0x4] =	stream.indirect.gather [hbm4b:s4+s22], $0x80, s3, s22, $0xb8;
	[tilespmem:$0x1FA00] =	vst v63  }
.LBB2_2:
0x31: {  	p0 =	slt.u32 s28, $0x2  }
0x32: {  	s29 =	sadd.s32 @!p0 $0x1, s28  }
0x33: {  	s30 =	sand.u32 @!p0 $0xFF, s29  }
0x34: {  	s30 =	smul.u32 @!p0 $0xAB, s30;
	_ =	sdelay $0x1  }
0x35: {  	s30 =	sshrl.u32 @!p0 s30, $0x9  }
0x36: {  	s30 =	smul.u32 @!p0 $0x3, s30;
	_ =	sdelay $0x1  }
0x37: {  	s29 =	ssub.s32 @!p0 s29, s30  }
0x38: {  	s29 =	sand.u32 @!p0 $0xFF, s29  }
0x39: {  	s31 =	sadd.s32 @!p0 $0x7, s29;
	s29 =	sand.u32 $0x1, s28  }
0x3a: {  	p1 =	seq.s32 s29, $0x0  }
.Ltmp2:
0x3b: {  	_ = 	snop;
	(pc) =	sbr.rel @p1 .LBB2_9-.Ltmp2, $4  }
0x3c: {  	_ = 	snop  }
0x3d: {  	_ =	swait.ge @!p0 [sflag:s31], $0x3C00  }
0x3e: {  	[sflag:s31] =	ssyncset.done @!p0 $0x0  }
0x3f: {  	s30 =	sshrl.u32 s28, $0x1;
	[sflag:s31] =	ssyncadd.s32 @!p0 $0xFFFFC400  }
0x40: {  	p0 =	sgt.u32 s28, $0x50  }
.Ltmp3:
0x41: {  	_ = 	snop;
	(pc) =	sbr.rel @p0 .LBB2_5-.Ltmp3, $1  }
0x42: {  	_ =	sdelay $0x3  }
0x43: {  	s31 =	sadd.s32 $0x3, s28  }
0x44: {  	s0 =	sshrl.u32 s31, $0x1  }
0x45: {  	s2 =	smul.u32 $0xAB, s0;
	_ =	sdelay $0x1  }
0x46: {  	s2 =	sshrl.u32 s2, $0x9  }
0x47: {  	s2 =	sand.u32 $0x7F, s2  }
0x48: {  	s2 =	smul.u32 $0x3, s2  }
0x49: {  	s31 =	sshll.u32 s31, $0x7  }
0x4a: {  	s18 =	sadd.s32 s6, s31;
	s0 =	ssub.s32 s0, s2  }
.Ltmp4:
0x4b: {  	s2 =	sshrl.u32 s18, $0x3;
	s0 =	sand.u32 $0xFF, s0;
	(pc) =	sbr.rel .LBB2_8-.Ltmp4, $4  }
0x4c: {  	s18 =	sadd.s32 s5, s2;
	s19 =	sadd.s32 $0x1, s0;
	s0 =	sshll.u32 s0, $0x8  }
0x4d: {  	[tilespmem:s0], [sflag:s19] =	stream.linear.gather [hbm4b:s18+s3], $0x100, $0x38;
	[tilespmem:$0x1FA00] =	vst v63  }
0x4e: {  	s2 =	sadd.s32 s7, s2;
	s0 =	sadd.s32 $0x300, s0  }
0x4f: {  	[tilespmem:s0], [sflag:s19] =	stream.linear.gather [hbm4b:s2+s3], $0x100, $0x38;
	[tilespmem:$0x1FA00] =	vst v63  }
.LBB2_5:
0x50: {  	p0 =	seq.s32 s28, $0x53  }
.Ltmp5:
0x51: {  	_ = 	snop;
	(pc) =	sbr.rel @p0 .LBB2_6-.Ltmp5, $1  }
0x52: {  	_ =	sdelay $0x3  }
0x53: {  	p0 =	sne.s32 s28, $0x51  }
.Ltmp6:
0x54: {  	_ = 	snop;
	(pc) =	sbr.rel @p0 .LBB2_9-.Ltmp6, $1  }
0x55: {  	_ =	sdelay $0x3  }
.LBB2_8:
0x56: {  	s0 =	sadd.s32 $0x1, s30  }
0x57: {  	s2 =	sand.u32 $0xFF, s0  }
0x58: {  	s2 =	smul.u32 $0xAB, s2;
	_ =	sdelay $0x1  }
0x59: {  	s2 =	sshrl.u32 s2, $0x9  }
0x5a: {  	s2 =	smul.u32 $0x3, s2;
	_ =	sdelay $0x1  }
0x5b: {  	s0 =	ssub.s32 s0, s2  }
0x5c: {  	s0 =	sand.u32 $0xFF, s0  }
0x5d: {  	s0 =	sadd.s32 $0x1, s0  }
0x5e: {  	_ =	swait.ge [sflag:s0], $0x100  }
0x5f: {  	[sflag:s0] =	ssyncset.done $0x0  }
0x60: {  	[sflag:s0] =	ssyncadd.s32 $0xFFFFFF00  }
0x61: {  	_ =	swait.ge [sflag:s0], $0x100  }
0x62: {  	[sflag:s0] =	ssyncset.done $0x0  }
0x63: {  	[sflag:s0] =	ssyncadd.s32 $0xFFFFFF00  }
.LBB2_9:
0x64: {  	s31 =	sadd.s32 $0x1, s28  }
0x65: {  	s0 =	smul.u32 $0xAB, s31  }
0x66: {  	s2 =	sshrl.u32 s31, $0x1  }
0x67: {  	s18 =	smul.u32 $0xAB, s2;
	s0 =	sshrl.u32 s0, $0x9  }
0x68: {  	s0 =	sand.u32 $0x7F, s0  }
0x69: {  	s18 =	sshrl.u32 s18, $0x9;
	s0 =	smul.u32 $0x3, s0  }
0x6a: {  	s18 =	sand.u32 $0x7F, s18  }
0x6b: {  	s18 =	smul.u32 $0x3, s18;
	s0 =	ssub.s32 s31, s0  }
0x6c: {  	s0 =	sand.u32 $0xFF, s0  }
0x6d: {  	s2 =	ssub.s32 s2, s18;
	s18 =	smul.u32 $0xF000, s0  }
0x6e: {  	s19 =	sshll.u32 s31, $0x7;
	s2 =	sand.u32 $0xFF, s2  }
0x6f: {  	s19 =	sand.u32 $0x80, s19;
	s2 =	sshll.u32 s2, $0x8;
	s18 =	sshrl.u32 s18, $0x2  }
0x70: {  	s0 =	sor.u32 $0x4, s0;
	s2 =	sor.u32 s19, s2;
	s18 =	sadd.s32 $0x600, s18  }
0x71: {  	[tilespmem:s18], [sflag:s0] =	stream.indirect.gather [hbm4b:s4+s22], $0x80, s2, s22, $0xb8;
	[tilespmem:$0x1FA00] =	vst v63  }
.LBB2_10:
0x72: {  	s0 =	smul.u32 $0xAB, s28  }
0x73: {  	s2 =	smul.u32 $0xAB, s30  }
0x74: {  	s0 =	sshrl.u32 s0, $0x9  }
0x75: {  	s2 =	sshrl.u32 s2, $0x9;
	s0 =	sand.u32 $0x7F, s0  }
0x76: {  	s2 =	sand.u32 $0x7F, s2;
	s0 =	smul.u32 $0x3, s0  }
0x77: {  	s2 =	smul.u32 $0x3, s2  }
0x78: {  	p0 =	slt.u32 s31, $0x54;
	s0 =	ssub.s32 s28, s0  }
0x79: {  	s2 =	ssub.s32 s30, s2;
	s28 =	sshll.u32 s29, $0x7;
	s0 =	sand.u32 $0xFF, s0  }
0x7a: {  	s2 =	sand.u32 $0xFF, s2;
	s18 =	smul.u32 $0xF000, s0;
	s19 =	sadd.s32 $0x4, s0  }
.Ltmp7:
0x7b: {  	s2 =	sshll.u32 s2, $0x8;
	s0 =	sadd.s32 $0x7, s0;
	(pc) =	sbr.rel @p0 .LBB2_2-.Ltmp7, $4  }
.Ltmp8:
0x7c: {  	_ =	swait.ge [sflag:s19], $0x3C00;
	s2 =	sor.u32 s28, s2;
	(pc) =	sbr.rel @!p0 .LBB2_11-.Ltmp8, $4  }
0x7d: {  	s28 =	smov.u32 s31;
	s18 =	sshrl.u32 s18, $0x2;
	[sflag:s19] =	ssyncset.done $0x0  }
0x7e: {  	s2 =	sadd.s32 $0x300, s2;
	s18 =	sadd.s32 $0x600, s18;
	[sflag:s19] =	ssyncadd.s32 $0xFFFFC400  }
0x7f: {  	[spmem:s1] =	stream.indirect.scatter.add.f32 [tilespmem:s18], [sflag:s0], $0x80, s2, s22, $0xb8;
	[tilespmem:$0x1FA00] =	vst v63  }
0x80: {  	_ = 	snop  }
.LBB2_6:
.Ltmp9:
0x81: {  	(pc) =	sbr.rel .LBB2_10-.Ltmp9, $2  }
0x82: {  	_ =	sdelay $0x2  }
0x83: {  	s31 =	simm.s32 $0x54  }
.LBB2_12:
0x84: {  	_ =	sfence.sel $0x180000  }
0x85: {  	[bflag:$0x0] =	sbarrier.arrive $0xFFFF  }
0x86: {  	_ =	strace $0x9000004D  }
0x87: {  	s0 =	stileid.u32;
	[bflag:$0x2] =	sbarrier.arrive $0xFFFF  }
0x88: {  	p0 =	sne.s32 s0, $0x0;
	s0 =	rddreg [dreg:$0x2]  }
0x89: {  	s0 =	sadd.s32 @!p0 $0x100000, s0  }
0x8a: {  	[sflag:s0] =	ssyncadd.tile.s32 @!p0 $0x1;
	_ =	shalt  }
.Lfunc_end2:
_tile_overlayer_lowered:
.L_overlay_start_2:
0x8b: {  	(tag) =	ssettag $0x2  }
0x8c: {  	s0 =	rddreg [dreg:$0x0];
	s2 =	stileid.u32  }
0x8d: {  	s1 =	rddreg [dreg:$0x1];
	p0 =	sne.s32 s2, $0x0  }
0x8e: {  	s3 =	rddreg [dreg:$0x2];
	[bflag:$0x3] =	sbarrier.arrive $0xFFFF;
	s2 =	simm.s32 @!p0 $0x1C0A  }
0x8f: {  	[timem:s3], [sflag:s2] =	dma.local @!p0 [hbm:s0], s1  }
0x90: {  	s0 =	simm.s32 @!p0 $0xA  }
0x91: {  	_ =	swait.ge @!p0 [sflag:s0], s1  }
0x92: {  	s1 =	ssub.s32 @!p0 $0x0, s1;
	[sflag:s0] =	ssyncset.done @!p0 $0x0  }
0x93: {  	[sflag:s0] =	ssyncadd.s32 @!p0 s1  }
0x94: {  	[bflag:$0x3] =	sbarrier.arrive $0xFFFF  }
0x95: {  	_ =	shalt  }

// kernel: kernel.19.cloned.1.call-start
scs
__scs_entry_jumppad:
0x0: {  	(pc) =	sbr.rel $0x88, $3  }
0x1: {  	(tag) =	ssettag $0x0;
	lr =	simm.s32 $0x1  }
0x2: {  	[smem:$0x3F8F] =	sst lr;
	_ =	strace $0xD0000000  }
0x3: {  	_ = 	snop  }
0x4: {  	_ = 	snop  }
0x5: {  	_ = 	snop  }
0x6: {  	_ = 	snop  }
0x7: {  	_ = 	snop  }
__scs_overlays_trampoline_lowered:
0x8: {  	[smem:$0x3F9E] =	sst s0  }
0x9: {  	[smem:$0x3F9F] =	sst s1  }
0xa: {  	[smem:$0x3FA0] =	sst s2  }
0xb: {  	[smem:$0x3FA1] =	sst s3  }
0xc: {  	[smem:$0x3FA2] =	sst s4  }
0xd: {  	[smem:$0x3FA3] =	sst s5  }
0xe: {  	[smem:$0x3FA4] =	sst s6  }
0xf: {  	[smem:$0x3FA5] =	sst s7  }
0x10: {  	[smem:$0x3FA6] =	sst s8  }
0x11: {  	[smem:$0x3FA7] =	sst s9;
	s0 =	simm.s32 @!p0 $0x0  }
0x12: {  	s1 =	sld [smem:$0x3F8D];
	s0 =	simm.s32 @p0 $0x1  }
0x13: {  	[smem:$0x3FA8] =	sst s0;
	s0 =	simm.s32 @!p1 $0x0  }
0x14: {  	s2 =	sld [smem:$0x3F8C];
	s0 =	simm.s32 @p1 $0x1  }
0x15: {  	[smem:$0x3FA9] =	sst s0;
	s0 =	simm.s32 @!p2 $0x0  }
0x16: {  	s3 =	sld [smem:$0x3FDB];
	s0 =	simm.s32 @p2 $0x1  }
0x17: {  	s4 =	simm.s32 $0x1BF5;
	[smem:$0x3FAB] =	sst s0  }
0x18: {  	s0 =	sld [smem:$0x3F8E];
	_ =	swait.ge [sflag:s4], $0x0  }
0x19: {  	s7 =	sld [smem:$0x3F8F]  }
0x1a: {  	s8 =	sadd.s32 $0xFFFFE003, lr  }
0x1b: {  	s9 =	sadd.s32 $0xFFFFFEF7, lr;
	s5 =	simm.s32 $0xFFFFFFFF;
	p2 =	slt.u32 s8, $0xFFFFF086  }
0x1c: {  	p1 =	slt.u32 s9, $0xF7A;
	s5 =	simm.s32 @!p2 $0x0  }
0x1d: {  	s5 =	simm.s32 @p1 $0x1;
	p0 =	seq.s32 s7, s2  }
0x1e: {  	s7 =	smul.u32 @!p0 $0xF7A, s2;
	p2 =	seq.s32 @!p0 s5, $0x0  }
0x1f: {  	s9 =	smul.u32 $0xF7A, s1;
	s8 =	simm.s32 @!p0 $0x1BF5;
	p2 =	por !p2, p0  }
0x20: {  	[sflag:s8] =	ssyncset.s32 @!p0 $0xFFFFF086;
	s6 =	sadd.s32 @!p0 s3, s7;
	s7 =	simm.s32 @!p0 $0x108  }
0x21: {  	s3 =	sadd.s32 s3, s9;
	s6 =	sadd.s32 @!p0 $0x88, s6;
	s7 =	simm.s32 @p2 $0x1082  }
0x22: {  	[simem:s7], [sflag:s8] =	dma.local @!p0 [hbm:s6], $0xF7A  }
0x23: {  	s9 =	sor.u32 $0xD0000000, s2;
	s6 =	simm.s32 $0x108;
	_ =	swait.ge @!p0 [sflag:s8], $0x0  }
0x24: {  	s3 =	sadd.s32 $0x88, s3;
	s6 =	simm.s32 @!p1 $0x1082;
	[sflag:s4] =	ssyncset.s32 $0xFFFFF086  }
0x25: {  	[simem:s6], [sflag:s4] =	dma.local [hbm:s3], $0xF7A  }
0x26: {  	[smem:$0x3F8F] =	sst s1;
	(tag) =	ssettag s2;
	_ =	strace s9  }
0x27: {  	s1 =	sld [smem:$0x3F9F]  }
0x28: {  	s2 =	sld [smem:$0x3FA0]  }
0x29: {  	s4 =	sld [smem:$0x3FA2]  }
0x2a: {  	p0 =	seq.s32 s5, $0x0;
	s5 =	sld [smem:$0x3FA3]  }
0x2b: {  	s6 =	sld [smem:$0x3FA4]  }
0x2c: {  	s7 =	sld [smem:$0x3FA5]  }
0x2d: {  	s3 =	simm.s32 $0x108;
	s8 =	sld [smem:$0x3FA6]  }
0x2e: {  	s3 =	simm.s32 @!p0 $0x1082;
	s9 =	sld [smem:$0x3FA7]  }
0x2f: {  	lr =	sadd.s32 s0, s3;
	s0 =	sld [smem:$0x3F9E]  }
0x30: {  	s3 =	sld [smem:$0x3FA1]  }
0x31: {  	[smem:$0x3FAA] =	sst s10  }
0x32: {  	s10 =	sld [smem:$0x3FA8];
	_ =	sdelay $0x3  }
0x33: {  	p0 =	seq.s32 s10, $0x1;
	s10 =	sld [smem:$0x3FAA];
	_ =	sdelay $0x3  }
0x34: {  	[smem:$0x3FAA] =	sst s10  }
0x35: {  	s10 =	sld [smem:$0x3FA9];
	_ =	sdelay $0x3  }
0x36: {  	p1 =	seq.s32 s10, $0x1;
	s10 =	sld [smem:$0x3FAA];
	_ =	sdelay $0x3  }
0x37: {  	[smem:$0x3FAA] =	sst s10  }
0x38: {  	s10 =	sld [smem:$0x3FAB]  }
0x39: {  	_ = 	snop;
	(pc) =	sbr.ind lr, $3  }
0x3a: {  	_ = 	snop  }
0x3b: {  	_ = 	snop  }
0x3c: {  	p2 =	seq.s32 s10, $0x1;
	s10 =	sld [smem:$0x3FAA]  }
0x3d: {  	_ =	shalt  }
0x3e: {  	_ =	shalt  }
0x3f: {  	_ =	shalt  }
0x40: {  	_ =	shalt  }
0x41: {  	_ =	shalt  }
0x42: {  	_ =	shalt  }
0x43: {  	_ =	shalt  }
0x44: {  	_ =	shalt  }
0x45: {  	_ =	shalt  }
0x46: {  	_ =	shalt  }
0x47: {  	_ =	shalt  }
0x48: {  	_ =	shalt  }
0x49: {  	_ =	shalt  }
0x4a: {  	_ =	shalt  }
0x4b: {  	_ =	shalt  }
0x4c: {  	_ =	shalt  }
0x4d: {  	_ =	shalt  }
0x4e: {  	_ =	shalt  }
0x4f: {  	_ =	shalt  }
0x50: {  	_ =	shalt  }
0x51: {  	_ =	shalt  }
0x52: {  	_ =	shalt  }
0x53: {  	_ =	shalt  }
0x54: {  	_ =	shalt  }
0x55: {  	_ =	shalt  }
0x56: {  	_ =	shalt  }
0x57: {  	_ =	shalt  }
0x58: {  	_ =	shalt  }
0x59: {  	_ =	shalt  }
0x5a: {  	_ =	shalt  }
0x5b: {  	_ =	shalt  }
0x5c: {  	_ =	shalt  }
0x5d: {  	_ =	shalt  }
0x5e: {  	_ =	shalt  }
0x5f: {  	_ =	shalt  }
0x60: {  	_ =	shalt  }
0x61: {  	_ =	shalt  }
0x62: {  	_ =	shalt  }
0x63: {  	_ =	shalt  }
0x64: {  	_ =	shalt  }
0x65: {  	_ =	shalt  }
0x66: {  	_ =	shalt  }
0x67: {  	_ =	shalt  }
0x68: {  	_ =	shalt  }
0x69: {  	_ =	shalt  }
0x6a: {  	_ =	shalt  }
0x6b: {  	_ =	shalt  }
0x6c: {  	_ =	shalt  }
0x6d: {  	_ =	shalt  }
0x6e: {  	_ =	shalt  }
0x6f: {  	_ =	shalt  }
0x70: {  	_ =	shalt  }
0x71: {  	_ =	shalt  }
0x72: {  	_ =	shalt  }
0x73: {  	_ =	shalt  }
0x74: {  	_ =	shalt  }
0x75: {  	_ =	shalt  }
0x76: {  	_ =	shalt  }
0x77: {  	_ =	shalt  }
0x78: {  	_ =	shalt  }
0x79: {  	_ =	shalt  }
0x7a: {  	_ =	shalt  }
0x7b: {  	_ =	shalt  }
0x7c: {  	_ =	shalt  }
0x7d: {  	_ =	shalt  }
0x7e: {  	_ =	shalt  }
0x7f: {  	_ =	shalt  }
0x80: {  	_ =	shalt  }
0x81: {  	_ =	shalt  }
0x82: {  	_ =	shalt  }
0x83: {  	_ =	shalt  }
0x84: {  	_ =	shalt  }
0x85: {  	_ =	shalt  }
0x86: {  	_ =	shalt  }
0x87: {  	_ =	shalt  }
.Lfunc_end0:
.L_simem_size_0:
called_computation.3_lowered:
.L_overlay_start_0:
0x88: {  	s2 =	sld [smem:$0x3FD9]  }
0x89: {  	s3 =	sld [smem:$0x3FFE];
	_ =	sdelay $0x1  }
0x8a: {  	s1 =	srdreg.scid  }
0x8b: {  	s0 =	sand.u32 $0x1, s1  }
0x8c: {  	s16 =	sshll.u32 s0, $0xA;
	s2 =	sadd.s32 s3, s2  }
0x8d: {  	s2 =	sadd.s32 s2, s16  }
0x8e: {  	[smem:$0x3FB6] =	sst s2  }
0x8f: {  	_ = 	snop  }
0x90: {  	(tm) =	ssettm $0x1  }
0x91: {  	s17 =	sld [smem:$0x3FFB];
	_ =	sdelay $0x3  }
0x92: {  	_ =	strace s17  }
0x93: {  	s2 =	sld [smem:$0x3FFC];
	_ =	sdelay $0x3  }
0x94: {  	_ =	strace s2  }
0x95: {  	s2 =	sld [smem:$0x3FFD];
	_ =	sdelay $0x3  }
0x96: {  	_ =	strace s2  }
0x97: {  	_ =	strace $0x8FFFFFFF  }
0x98: {  	s18 =	sld [smem:$0x3FDB];
	_ =	sdelay $0x1  }
0x99: {  	s19 =	simm.s32 $_scs_section_size  }
0x9a: {  	s4 =	simm.s32 $_size__tile_overlayer_lowered;
	s5 =	simm.s32 $_tile_overlayer_lowered  }
0x9b: {  	s22 =	simm.s32 $0x1BFF;
	s21 =	sshll.u32 s5, $0x1;
	s2 =	sadd.s32 s19, s18  }
0x9c: {  	s6 =	simm.s32 $0x0;
	s20 =	sshll.u32 s4, $0x1;
	s4 =	sadd.s32 s21, s2  }
0x9d: {  	[timem:s6], [sflag:s22] =	dma.local [hbm:s4], s20  }
0x9e: {  	_ =	swait.ge [sflag:s22], s20  }
0x9f: {  	s3 =	ssub.s32 $0x0, s20;
	[sflag:s22] =	ssyncset.done $0x0  }
0xa0: {  	[sflag:s22] =	ssyncadd.s32 s3;
	_ =	sdelay $0x1  }
0xa1: {  	s23 =	simm.s32 $0x1B8B  }
0xa2: {  	_ =	swait.ge [sflag:s23], $0x1  }
0xa3: {  	[sflag:s23] =	ssyncset.done $0x0  }
0xa4: {  	s25 =	simm.s32 $0x1B8E;
	s24 =	sld [smem:$0x3FFE];
	[sflag:s23] =	ssyncadd.s32 $0xFFFFFFFF  }
0xa5: {  	s26 =	simm.s32 $execute0_lowered;
	[smem:$0x3FD2] =	sst s25  }
0xa6: {  	s4 =	sshll.u32 s26, $0x1;
	_ =	strace $0x8000004F;
	[dreg:$0x1] =	wrdreg $0xFFFFFFFF  }
0xa7: {  	s28 =	simm.s32 $_size_execute0_lowered;
	s2 =	sadd.s32 s2, s4;
	[dreg:$0x0] =	wrdreg $0x0  }
0xa8: {  	s4 =	sshll.u32 s28, $0x1;
	[dreg:$0x2] =	wrdreg s2  }
0xa9: {  	[dreg:$0x3] =	wrdreg s4  }
0xaa: {  	[dreg:$0x4] =	wrdreg $0xC0  }
0xab: {  	_ =	task [dreg:s6], $0x5FFFF  }
0xac: {  	[dreg:$0x1] =	wrdreg $0xFFFFFFFF  }
0xad: {  	[dreg:$0x0] =	wrdreg $0x60  }
0xae: {  	[dreg:$0x2] =	wrdreg s24  }
0xaf: {  	[dreg:$0x3] =	wrdreg $0xBA000  }
0xb0: {  	[dreg:$0x4] =	wrdreg $0x9  }
0xb1: {  	_ =	task.clear_ibuf [dreg:s6], $0x5FFFF;
	_ =	strace $0x9000004F  }
0xb2: {  	s29 =	simm.s32 $0x9;
	_ =	strace $0x80000051  }
0xb3: {  	_ =	swait.ge [sflag:s29], $0x1  }
0xb4: {  	[sflag:s29] =	ssyncadd.s32 $0xFFFFFFFF  }
0xb5: {  	_ =	strace $0x90000051  }
0xb6: {  	_ =	sfence  }
0xb7: {  	s30 =	sld [smem:$0x0];
	_ =	sdelay $0x2  }
0xb8: {  	s31 =	sshll.u32 s1, $0xD;
	s1 =	sshrl.u32 s1, $0x2  }
0xb9: {  	s3 =	sand.u32 $0x4000, s31;
	s1 =	sadd.s32 s1, s30  }
0xba: {  	s0 =	sor.u32 s3, s0;
	s1 =	sshll.u32 s1, $0x11  }
0xbb: {  	s0 =	sor.u32 s1, s0  }
0xbc: {  	s0 =	sadd.s32 $0x8F2B, s0  }
0xbd: {  	[sflag:s0] =	ssyncadd.remote.s32 $0x1  }
0xbe: {  	_ =	sfence.sel $0xFFFF  }
0xbf: {  	[dreg:$0x0] =	wrdreg $0xFFFFFFFF;
	(pc) =	sbr.abs _section_cstart, $3  }
0xc0: {  	[dreg:$0x1] =	wrdreg $0xFFFFFFFF  }
0xc1: {  	_ =	task.clear_ibuf [dreg:s6], $0x2FFFF;
	_ =	strace $0x9FFFFFFF  }
0xc2: {  	(tm) =	ssettm $0x7FFFFFFF  }
0xc3: {  	_ =	shalt  }
tec
execute0_lowered:
.L_overlay_start_1:
0x0: {  	(tag) =	ssettag $0x1  }
0x1: {  	s8 =	rddreg [dreg:$0x0]  }
0x2: {  	s1 =	rddreg [dreg:$0x1];
	s2 =	srdreg.scid  }
0x3: {  	s3 =	simm.s32 $0x0;
	s0 =	stileid.u32;
	s20 =	simm.s32 $0x400  }
0x4: {  	s21 =	simm.s32 $0x1;
	s22 =	simm.s32 $0x78;
	s23 =	simm.s32 $0x600  }
0x5: {  	s24 =	simm.s32 $0x8;
	s25 =	simm.s32 $0x9;
	s9 =	sand.u32 $0x1, s2  }
0x6: {  	[smem:$0x7FF] =	sst s3;
	s7 =	smul.u32 $0x14000, s0;
	s4 =	sadd.s32 $0x25000, s8  }
0x7: {  	s13 =	sadd.s32 $0x4D000, s8;
	s5 =	sadd.s32 $0x1A800, s8;
	s11 =	smul.u32 $0x50000, s0  }
0x8: {  	s26 =	sshll.u32 s0, $0x1;
	s15 =	smul.u32 $0x2800, s0;
	s31 =	sshll.u32 s0, $0x6  }
0x9: {  	s6 =	smul.u32 $0x140000, s9;
	_ =	strace $0x80000050;
	s10 =	ssub.s32 $0x2, s9  }
0xa: {  	p0 =	seq.s32 s9, $0x1;
	s17 =	smov.u32 s4;
	s14 =	sshrl.u32 s10, $0x1  }
0xb: {  	s28 =	sshrl.u32 s11, $0x2;
	s17 =	smov.u32 @p0 s13;
	s6 =	sadd.s32 s7, s6  }
0xc: {  	s7 =	sor.u32 s9, s26;
	s14 =	ssub.s32 s10, s14;
	s16 =	sadd.s32 s28, s1  }
0xd: {  	s26 =	simm.s32 $0x0;
	s12 =	sshrl.u32 s6, $0x3;
	s6 =	smul.u32 $0x2A00, s7  }
.Ltmp0:
0xe: {  	s7 =	sadd.s32 $0x10000, s8;
	s13 =	smax.u32 s14, $0x1;
	(pc) =	sbr.rel .LBB2_1-.Ltmp0, $4  }
0xf: {  	s14 =	sadd.s32 s17, s15;
	s15 =	sor.u32 $0x1C0A, s31;
	s16 =	sshrl.u32 s16, $0x3  }
0x10: {  	s17 =	simm.s32 $0xA;
	s12 =	sadd.s32 s12, s8;
	s29 =	sshrl.u32 s6, $0x3  }
0x11: {  	s12 =	sadd.s32 $0x75000, s12;
	s30 =	sor.u32 $0x20, s29;
	s8 =	sadd.s32 s5, s29  }
0x12: {  	s9 =	sadd.s32 s7, s29;
	s10 =	sadd.s32 s5, s30;
	s11 =	sadd.s32 s7, s30  }
.LBB2_11:
0x13: {  	_ =	swait.ge [sflag:s24], $0x3C00  }
0x14: {  	[sflag:s24] =	ssyncset.done $0x0  }
0x15: {  	[sflag:s24] =	ssyncadd.s32 $0xFFFFC400  }
0x16: {  	_ =	swait.ge [sflag:s25], $0x3C00  }
0x17: {  	s26 =	sadd.s32 $0x1, s26;
	[sflag:s25] =	ssyncset.done $0x0  }
0x18: {  	p0 =	sne.s32 s26, s13;
	[sflag:s25] =	ssyncadd.s32 $0xFFFFC400  }
.Ltmp1:
0x19: {  	[bflag:$0x0] =	sbarrier.arrive $0xFFFF;
	(pc) =	sbr.rel @!p0 .LBB2_12-.Ltmp1, $4  }
0x1a: {  	[hbm:s12], [sflag:s15] =	dma.local [spmem:s16], $0x2800  }
0x1b: {  	_ =	swait.ge [sflag:s17], $0x2800  }
0x1c: {  	[sflag:s17] =	ssyncset.done $0x0  }
0x1d: {  	[sflag:s17] =	ssyncadd.s32 $0xFFFFD800  }
.LBB2_1:
0x1e: {  	[spmem:s16], [sflag:s15] =	dma.local [hbm:s14], $0x2800  }
0x1f: {  	_ =	swait.ge [sflag:s17], $0x2800  }
0x20: {  	[sflag:s17] =	ssyncset.done $0x0  }
0x21: {  	[sflag:s17] =	ssyncadd.s32 $0xFFFFD800  }
0x22: {  	[bflag:$0x0] =	sbarrier.arrive $0xFFFF  }
0x23: {  	[tilespmem:s3], [sflag:$0x1] =	stream.linear.gather [hbm4b:s8+s3], $0x100, $0x38;
	[tilespmem:$0x1FA00] =	vst v63  }
0x24: {  	s0 =	simm.s32 $0x300  }
0x25: {  	[tilespmem:s0], [sflag:$0x1] =	stream.linear.gather [hbm4b:s9+s3], $0x100, $0x38;
	[tilespmem:$0x1FA00] =	vst v63  }
0x26: {  	s31 =	simm.s32 $0x100  }
0x27: {  	[tilespmem:s31], [sflag:$0x2] =	stream.linear.gather [hbm4b:s10+s3], $0x100, $0x38;
	[tilespmem:$0x1FA00] =	vst v63  }
0x28: {  	_ = 	snop  }
0x29: {  	[tilespmem:s20], [sflag:$0x2] =	stream.linear.gather [hbm4b:s11+s3], $0x100, $0x38;
	[tilespmem:$0x1FA00] =	vst v63  }
0x2a: {  	_ =	swait.ge [sflag:s21], $0x100  }
0x2b: {  	[sflag:s21] =	ssyncset.done $0x0  }
0x2c: {  	[sflag:s21] =	ssyncadd.s32 $0xFFFFFF00  }
0x2d: {  	_ =	swait.ge [sflag:s21], $0x100  }
0x2e: {  	[sflag:s21] =	ssyncset.done $0x0  }
0x2f: {  	s28 =	simm.s32 $0x0;
	[sflag:s21] =	ssyncadd.s32 $0xFFFFFF00  }
0x30: {  	[tilespmem:s23], [sflag:$0x4] =	stream.indirect.gather [hbm4b:s4+s22], $0x80, s3, s22, $0xb8;
	[tilespmem:$0x1FA00] =	vst v63  }
.LBB2_2:
0x31: {  	p0 =	slt.u32 s28, $0x2  }
0x32: {  	s29 =	sadd.s32 @!p0 $0x1, s28  }
0x33: {  	s30 =	sand.u32 @!p0 $0xFF, s29  }
0x34: {  	s30 =	smul.u32 @!p0 $0xAB, s30;
	_ =	sdelay $0x1  }
0x35: {  	s30 =	sshrl.u32 @!p0 s30, $0x9  }
0x36: {  	s30 =	smul.u32 @!p0 $0x3, s30;
	_ =	sdelay $0x1  }
0x37: {  	s29 =	ssub.s32 @!p0 s29, s30  }
0x38: {  	s29 =	sand.u32 @!p0 $0xFF, s29  }
0x39: {  	s31 =	sadd.s32 @!p0 $0x7, s29;
	s29 =	sand.u32 $0x1, s28  }
0x3a: {  	p1 =	seq.s32 s29, $0x0  }
.Ltmp2:
0x3b: {  	_ = 	snop;
	(pc) =	sbr.rel @p1 .LBB2_9-.Ltmp2, $4  }
0x3c: {  	_ = 	snop  }
0x3d: {  	_ =	swait.ge @!p0 [sflag:s31], $0x3C00  }
0x3e: {  	[sflag:s31] =	ssyncset.done @!p0 $0x0  }
0x3f: {  	s30 =	sshrl.u32 s28, $0x1;
	[sflag:s31] =	ssyncadd.s32 @!p0 $0xFFFFC400  }
0x40: {  	p0 =	sgt.u32 s28, $0x50  }
.Ltmp3:
0x41: {  	_ = 	snop;
	(pc) =	sbr.rel @p0 .LBB2_5-.Ltmp3, $1  }
0x42: {  	_ =	sdelay $0x3  }
0x43: {  	s31 =	sadd.s32 $0x3, s28  }
0x44: {  	s0 =	sshrl.u32 s31, $0x1  }
0x45: {  	s2 =	smul.u32 $0xAB, s0;
	_ =	sdelay $0x1  }
0x46: {  	s2 =	sshrl.u32 s2, $0x9  }
0x47: {  	s2 =	sand.u32 $0x7F, s2  }
0x48: {  	s2 =	smul.u32 $0x3, s2  }
0x49: {  	s31 =	sshll.u32 s31, $0x7  }
0x4a: {  	s18 =	sadd.s32 s6, s31;
	s0 =	ssub.s32 s0, s2  }
.Ltmp4:
0x4b: {  	s2 =	sshrl.u32 s18, $0x3;
	s0 =	sand.u32 $0xFF, s0;
	(pc) =	sbr.rel .LBB2_8-.Ltmp4, $4  }
0x4c: {  	s18 =	sadd.s32 s5, s2;
	s19 =	sadd.s32 $0x1, s0;
	s0 =	sshll.u32 s0, $0x8  }
0x4d: {  	[tilespmem:s0], [sflag:s19] =	stream.linear.gather [hbm4b:s18+s3], $0x100, $0x38;
	[tilespmem:$0x1FA00] =	vst v63  }
0x4e: {  	s2 =	sadd.s32 s7, s2;
	s0 =	sadd.s32 $0x300, s0  }
0x4f: {  	[tilespmem:s0], [sflag:s19] =	stream.linear.gather [hbm4b:s2+s3], $0x100, $0x38;
	[tilespmem:$0x1FA00] =	vst v63  }
.LBB2_5:
0x50: {  	p0 =	seq.s32 s28, $0x53  }
.Ltmp5:
0x51: {  	_ = 	snop;
	(pc) =	sbr.rel @p0 .LBB2_6-.Ltmp5, $1  }
0x52: {  	_ =	sdelay $0x3  }
0x53: {  	p0 =	sne.s32 s28, $0x51  }
.Ltmp6:
0x54: {  	_ = 	snop;
	(pc) =	sbr.rel @p0 .LBB2_9-.Ltmp6, $1  }
0x55: {  	_ =	sdelay $0x3  }
.LBB2_8:
0x56: {  	s0 =	sadd.s32 $0x1, s30  }
0x57: {  	s2 =	sand.u32 $0xFF, s0  }
0x58: {  	s2 =	smul.u32 $0xAB, s2;
	_ =	sdelay $0x1  }
0x59: {  	s2 =	sshrl.u32 s2, $0x9  }
0x5a: {  	s2 =	smul.u32 $0x3, s2;
	_ =	sdelay $0x1  }
0x5b: {  	s0 =	ssub.s32 s0, s2  }
0x5c: {  	s0 =	sand.u32 $0xFF, s0  }
0x5d: {  	s0 =	sadd.s32 $0x1, s0  }
0x5e: {  	_ =	swait.ge [sflag:s0], $0x100  }
0x5f: {  	[sflag:s0] =	ssyncset.done $0x0  }
0x60: {  	[sflag:s0] =	ssyncadd.s32 $0xFFFFFF00  }
0x61: {  	_ =	swait.ge [sflag:s0], $0x100  }
0x62: {  	[sflag:s0] =	ssyncset.done $0x0  }
0x63: {  	[sflag:s0] =	ssyncadd.s32 $0xFFFFFF00  }
.LBB2_9:
0x64: {  	s31 =	sadd.s32 $0x1, s28  }
0x65: {  	s0 =	smul.u32 $0xAB, s31  }
0x66: {  	s2 =	sshrl.u32 s31, $0x1  }
0x67: {  	s18 =	smul.u32 $0xAB, s2;
	s0 =	sshrl.u32 s0, $0x9  }
0x68: {  	s0 =	sand.u32 $0x7F, s0  }
0x69: {  	s18 =	sshrl.u32 s18, $0x9;
	s0 =	smul.u32 $0x3, s0  }
0x6a: {  	s18 =	sand.u32 $0x7F, s18  }
0x6b: {  	s18 =	smul.u32 $0x3, s18;
	s0 =	ssub.s32 s31, s0  }
0x6c: {  	s0 =	sand.u32 $0xFF, s0  }
0x6d: {  	s2 =	ssub.s32 s2, s18;
	s18 =	smul.u32 $0xF000, s0  }
0x6e: {  	s19 =	sshll.u32 s31, $0x7;
	s2 =	sand.u32 $0xFF, s2  }
0x6f: {  	s19 =	sand.u32 $0x80, s19;
	s2 =	sshll.u32 s2, $0x8;
	s18 =	sshrl.u32 s18, $0x2  }
0x70: {  	s0 =	sor.u32 $0x4, s0;
	s2 =	sor.u32 s19, s2;
	s18 =	sadd.s32 $0x600, s18  }
0x71: {  	[tilespmem:s18], [sflag:s0] =	stream.indirect.gather [hbm4b:s4+s22], $0x80, s2, s22, $0xb8;
	[tilespmem:$0x1FA00] =	vst v63  }
.LBB2_10:
0x72: {  	s0 =	smul.u32 $0xAB, s28  }
0x73: {  	s2 =	smul.u32 $0xAB, s30  }
0x74: {  	s0 =	sshrl.u32 s0, $0x9  }
0x75: {  	s2 =	sshrl.u32 s2, $0x9;
	s0 =	sand.u32 $0x7F, s0  }
0x76: {  	s2 =	sand.u32 $0x7F, s2;
	s0 =	smul.u32 $0x3, s0  }
0x77: {  	s2 =	smul.u32 $0x3, s2  }
0x78: {  	p0 =	slt.u32 s31, $0x54;
	s0 =	ssub.s32 s28, s0  }
0x79: {  	s2 =	ssub.s32 s30, s2;
	s28 =	sshll.u32 s29, $0x7;
	s0 =	sand.u32 $0xFF, s0  }
0x7a: {  	s2 =	sand.u32 $0xFF, s2;
	s18 =	smul.u32 $0xF000, s0;
	s19 =	sadd.s32 $0x4, s0  }
.Ltmp7:
0x7b: {  	s2 =	sshll.u32 s2, $0x8;
	s0 =	sadd.s32 $0x7, s0;
	(pc) =	sbr.rel @p0 .LBB2_2-.Ltmp7, $4  }
.Ltmp8:
0x7c: {  	_ =	swait.ge [sflag:s19], $0x3C00;
	s2 =	sor.u32 s28, s2;
	(pc) =	sbr.rel @!p0 .LBB2_11-.Ltmp8, $4  }
0x7d: {  	s28 =	smov.u32 s31;
	s18 =	sshrl.u32 s18, $0x2;
	[sflag:s19] =	ssyncset.done $0x0  }
0x7e: {  	s2 =	sadd.s32 $0x300, s2;
	s18 =	sadd.s32 $0x600, s18;
	[sflag:s19] =	ssyncadd.s32 $0xFFFFC400  }
0x7f: {  	[spmem:s1] =	stream.indirect.scatter.add.f32 [tilespmem:s18], [sflag:s0], $0x80, s2, s22, $0xb8;
	[tilespmem:$0x1FA00] =	vst v63  }
0x80: {  	_ = 	snop  }
.LBB2_6:
.Ltmp9:
0x81: {  	(pc) =	sbr.rel .LBB2_10-.Ltmp9, $2  }
0x82: {  	_ =	sdelay $0x2  }
0x83: {  	s31 =	simm.s32 $0x54  }
.LBB2_12:
0x84: {  	_ =	sfence.sel $0x180000  }
0x85: {  	[bflag:$0x0] =	sbarrier.arrive $0xFFFF  }
0x86: {  	_ =	strace $0x90000050  }
0x87: {  	s0 =	stileid.u32;
	[bflag:$0x2] =	sbarrier.arrive $0xFFFF  }
0x88: {  	p0 =	sne.s32 s0, $0x0;
	s0 =	rddreg [dreg:$0x2]  }
0x89: {  	s0 =	sadd.s32 @!p0 $0x100000, s0  }
0x8a: {  	[sflag:s0] =	ssyncadd.tile.s32 @!p0 $0x1;
	_ =	shalt  }
.Lfunc_end2:
_tile_overlayer_lowered:
.L_overlay_start_2:
0x8b: {  	(tag) =	ssettag $0x2  }
0x8c: {  	s0 =	rddreg [dreg:$0x0];
	s2 =	stileid.u32  }
0x8d: {  	s1 =	rddreg [dreg:$0x1];
	p0 =	sne.s32 s2, $0x0  }
0x8e: {  	s3 =	rddreg [dreg:$0x2];
	[bflag:$0x3] =	sbarrier.arrive $0xFFFF;
	s2 =	simm.s32 @!p0 $0x1C0A  }
0x8f: {  	[timem:s3], [sflag:s2] =	dma.local @!p0 [hbm:s0], s1  }
0x90: {  	s0 =	simm.s32 @!p0 $0xA  }
0x91: {  	_ =	swait.ge @!p0 [sflag:s0], s1  }
0x92: {  	s1 =	ssub.s32 @!p0 $0x0, s1;
	[sflag:s0] =	ssyncset.done @!p0 $0x0  }
0x93: {  	[sflag:s0] =	ssyncadd.s32 @!p0 s1  }
0x94: {  	[bflag:$0x3] =	sbarrier.arrive $0xFFFF  }
0x95: {  	_ =	shalt  }

</sc_bundles>
